<compile_context>
chip_gen: v7x
topology: tpu7x:2x2x1
jax: 0.10.2.dev20260603
libtpu: 0.0.44.dev20260713+nightly
codegen_flags: <defaults>
</compile_context>

<pallas_src>
import functools

import jax
import jax.numpy as jnp
from jax import lax
from jax.experimental import pallas as pl
from jax.experimental.pallas import tpu as pltpu
from jax.experimental.pallas import tpu_sc as plsc

N = 10000
E = 320000
C = 32
K = 10
ALPHA = 0.1

NP_ = 10240
HALF = NP_ // 2
CH = NP_ // 16
UPT = HALF // 16
NTILES = 32
EPT = E // NTILES
KB = 128
EBP = 80
CHUNK = EBP * KB
CAPB = 144
PAD_ROWS = NP_ - N

_MESH = plsc.VectorSubcoreMesh(core_axis_name="c", subcore_axis_name="s")
_SC_PARAMS = pltpu.CompilerParams(use_tc_tiling_on_sc=False,
                                  needs_layout_passes=False)


def _part_body(srcf_hbm, dstf_hbm, padpat_hbm, srcP_hbm, dstP_hbm, cnt_hbm,
               sbuf, dbuf, srcl, dstl, cntb):
    c = lax.axis_index("c")
    s = lax.axis_index("s")
    lo = jnp.full((16,), c * HALF, dtype=jnp.int32)

    pltpu.sync_copy(padpat_hbm, srcl)
    pltpu.sync_copy(padpat_hbm, dstl)

    off = jnp.zeros((16,), dtype=jnp.int32)
    for half_id in range(2):
        o = s + 16 * half_id
        pltpu.sync_copy(srcf_hbm.at[o], sbuf)
        pltpu.sync_copy(dstf_hbm.at[o], dbuf)

        def scan(i, off):
            sv = sbuf[pl.ds(i * 16, 16)]
            dv = dbuf[pl.ds(i * 16, 16)]
            dl = dv - lo
            m = (dl >= 0) & (dl < HALF)
            pos = off + plsc.cumsum(jnp.where(m, 1, 0).astype(jnp.int32)) - 1
            row = lax.shift_right_logical(pos, 7)
            col = lax.bitwise_and(pos, 127)
            plsc.store_scatter(srcl, [row, col], sv, mask=m)
            plsc.store_scatter(dstl, [row, col], dv, mask=m)
            return off + plsc.all_reduce_population_count(m)

        off = lax.fori_loop(0, CHUNK // 16, scan, off)

    cntb[...] = off
    pltpu.sync_copy(srcl, srcP_hbm.at[c, s])
    pltpu.sync_copy(dstl, dstP_hbm.at[c, s])
    pltpu.sync_copy(cntb, cnt_hbm.at[c, s])


_sc_part = functools.partial(
    pl.kernel,
    out_type=(
        jax.ShapeDtypeStruct((2, 16, CAPB, KB), jnp.int32),
        jax.ShapeDtypeStruct((2, 16, CAPB, KB), jnp.int32),
        jax.ShapeDtypeStruct((2, 16, 16), jnp.int32),
    ),
    mesh=_MESH,
    compiler_params=_SC_PARAMS,
    scratch_types=[
        pltpu.VMEM((CHUNK,), jnp.int32),
        pltpu.VMEM((CHUNK,), jnp.int32),
        pltpu.VMEM((CAPB, KB), jnp.int32),
        pltpu.VMEM((CAPB, KB), jnp.int32),
        pltpu.VMEM((16,), jnp.int32),
    ],
)(_part_body)


_MAGIC = 0x5CA77E00


def _rounds_body(nrounds, g0_hbm, d29_hbm, zz_hbm, srcP_hbm, dstP_hbm,
                 cnt_hbm, gx_hbm, fl_hbm, out_hbm, src_v, dst_v, rows0, rows1,
                 dbuf2, zbuf2, abuf, gbuf, cntb, flagb,
                 g_sh, agg_sh, sem0, sem1):
    c = lax.axis_index("c")
    s = lax.axis_index("s")
    peer = 1 - c
    myrow = c * HALF + s * UPT
    peerrow = peer * HALF + s * UPT
    srow = s * CH

    pltpu.sync_copy(srcP_hbm.at[c, s], src_v)
    pltpu.sync_copy(dstP_hbm.at[c, s], dst_v)
    pltpu.sync_copy(cnt_hbm.at[c, s], cntb)
    pltpu.sync_copy(d29_hbm.at[pl.ds(myrow, UPT)], dbuf2)
    pltpu.sync_copy(zz_hbm.at[pl.ds(myrow, UPT)], zbuf2)
    pltpu.sync_copy(g0_hbm.at[pl.ds(srow, CH)], g_sh.at[pl.ds(srow, CH)])
    pltpu.sync_copy(g0_hbm.at[pl.ds(myrow, UPT)], agg_sh.at[pl.ds(myrow, UPT)])
    cnt = cntb[...][0]
    nsteps = lax.shift_right_logical(cnt + 2 * KB - 1, 8)
    plsc.subcore_barrier()

    def round_body(r, carry):
        @pl.when(nsteps > 0)
        def _():
            pltpu.async_copy(g_sh.at[src_v.at[0]], rows0, sem0)

        def step(jj, carry):
            j = 2 * jj
            pltpu.make_async_copy(g_sh.at[src_v.at[j]], rows0, sem0).wait()
            pltpu.async_copy(g_sh.at[src_v.at[j + 1]], rows1, sem1)
            pltpu.sync_copy(rows0, agg_sh.at[dst_v.at[j]], add=True)
            pltpu.make_async_copy(g_sh.at[src_v.at[j + 1]], rows1, sem1).wait()

            @pl.when(jj < nsteps - 1)
            def _():
                pltpu.async_copy(g_sh.at[src_v.at[j + 2]], rows0, sem0)

            pltpu.sync_copy(rows1, agg_sh.at[dst_v.at[j + 1]], add=True)
            return carry

        lax.fori_loop(0, nsteps, step, 0)
        plsc.subcore_barrier()

        pltpu.sync_copy(agg_sh.at[pl.ds(myrow, UPT)], abuf)

        def upd(i, carry):
            for h in (0, 16):
                gbuf[i, pl.ds(h, 16)] = (
                    dbuf2[i, pl.ds(h, 16)] * abuf[i, pl.ds(h, 16)]
                    + zbuf2[i, pl.ds(h, 16)])
            return carry

        lax.fori_loop(0, UPT, upd, 0)
        pltpu.sync_copy(gbuf, g_sh.at[pl.ds(myrow, UPT)])
        pltpu.sync_copy(gbuf, agg_sh.at[pl.ds(myrow, UPT)])

        @pl.when(r < nrounds - 1)
        def _():
            par = lax.bitwise_and(r + 1, 1)
            pltpu.sync_copy(gbuf, gx_hbm.at[par, c, pl.ds(s * UPT, UPT)])
            flagb[...] = jnp.full((16,), _MAGIC + 1 + r, dtype=jnp.int32)
            pltpu.sync_copy(flagb, fl_hbm.at[c, s])

            def poll_cond(fv):
                return fv != _MAGIC + 1 + r

            def poll(fv):
                pltpu.sync_copy(fl_hbm.at[peer, s], flagb)
                return flagb[...][0]

            lax.while_loop(poll_cond, poll, jnp.int32(0))
            pltpu.sync_copy(gx_hbm.at[par, peer, pl.ds(s * UPT, UPT)],
                            g_sh.at[pl.ds(peerrow, UPT)])

        plsc.subcore_barrier()
        return carry

    lax.fori_loop(0, nrounds, round_body, 0)
    pltpu.sync_copy(gbuf, out_hbm.at[pl.ds(myrow, UPT)])


def _make_rounds(nrounds):
    return functools.partial(
        pl.kernel,
        out_type=jax.ShapeDtypeStruct((NP_, C), jnp.float32),
        mesh=_MESH,
        compiler_params=_SC_PARAMS,
        scratch_types=[
            pltpu.VMEM((CAPB, KB), jnp.int32),
            pltpu.VMEM((CAPB, KB), jnp.int32),
            pltpu.VMEM((KB, C), jnp.float32),
            pltpu.VMEM((KB, C), jnp.float32),
            pltpu.VMEM((UPT, C), jnp.float32),
            pltpu.VMEM((UPT, C), jnp.float32),
            pltpu.VMEM((UPT, C), jnp.float32),
            pltpu.VMEM((UPT, C), jnp.float32),
            pltpu.VMEM((16,), jnp.int32),
            pltpu.VMEM((16,), jnp.int32),
            pltpu.VMEM_SHARED((NP_, C), jnp.float32),
            pltpu.VMEM_SHARED((NP_, C), jnp.float32),
            pltpu.SemaphoreType.DMA,
            pltpu.SemaphoreType.DMA,
        ],
    )(functools.partial(_rounds_body, nrounds))


_sc_deg = _make_rounds(1)
_sc_rounds = _make_rounds(K)


def _mlp_body(x_ref, w1_ref, b1_ref, w2_ref, b2_ref, z_ref):
    h = jnp.maximum(
        jax.lax.dot_general(x_ref[...], w1_ref[...], (((1,), (0,)), ((), ())),
                            preferred_element_type=jnp.float32) + b1_ref[...],
        0.0)
    z_ref[...] = jax.lax.dot_general(h, w2_ref[...], (((1,), (0,)), ((), ())),
                                     preferred_element_type=jnp.float32) + b2_ref[...]


def _mlp(x, W1, b1, W2, b2):
    nblk = 10
    rows = N // nblk
    return pl.pallas_call(
        _mlp_body,
        grid=(nblk,),
        in_specs=[
            pl.BlockSpec((rows, 128), lambda i: (i, 0)),
            pl.BlockSpec((128, 256), lambda i: (0, 0)),
            pl.BlockSpec((1, 256), lambda i: (0, 0)),
            pl.BlockSpec((256, C), lambda i: (0, 0)),
            pl.BlockSpec((1, C), lambda i: (0, 0)),
        ],
        out_specs=pl.BlockSpec((rows, C), lambda i: (i, 0)),
        out_shape=jax.ShapeDtypeStruct((N, C), jnp.float32),
    )(x, W1, b1.reshape(1, 256), W2, b2.reshape(1, C))


def _prep_body(deg_ref, zp_ref, d29_ref, zz_ref, g0_ref, sq_ref):
    deg = deg_ref[...]
    dis = jax.lax.rsqrt(deg)
    zp = zp_ref[...]
    d29_ref[...] = (1.0 - ALPHA) / deg
    zz_ref[...] = ALPHA * dis * zp
    g0_ref[...] = dis * zp
    sq_ref[...] = jnp.sqrt(deg)


def _prep(deg, zp):
    shp = jax.ShapeDtypeStruct((NP_, C), jnp.float32)
    return pl.pallas_call(
        _prep_body,
        out_shape=(shp, shp, shp, shp),
    )(deg, zp)


def _final_body(g_ref, sq_ref, lp_ref, h_ref):
    h = g_ref[...] * sq_ref[...]
    m = jnp.max(h, axis=1, keepdims=True)
    e = jnp.exp(h - m)
    ssum = jnp.sum(e, axis=1, keepdims=True)
    lp_ref[...] = (h - m) - jnp.log(ssum)
    h_ref[...] = h


def _final(g10, sqf):
    shp = jax.ShapeDtypeStruct((N, C), jnp.float32)
    return pl.pallas_call(
        _final_body,
        out_shape=(shp, shp),
    )(g10[:N], sqf[:N])


def kernel(x, edge_index, W1, b1, W2, b2):
    src = edge_index[0].reshape(NTILES, EPT)
    dst = edge_index[1].reshape(NTILES, EPT)
    npad = CHUNK - EPT
    padidx = N + (jnp.arange(npad, dtype=jnp.int32) % PAD_ROWS)
    padblk = jnp.broadcast_to(padidx, (NTILES, npad))
    srcf = jnp.concatenate([src, padblk], axis=1)
    dstf = jnp.concatenate([dst, padblk], axis=1)
    padpat = (N + (jnp.arange(CAPB * KB, dtype=jnp.int32) % PAD_ROWS)
              ).reshape(CAPB, KB)

    zerosN = jnp.zeros((NP_, C), dtype=jnp.float32)
    onesN = jnp.ones((NP_, C), dtype=jnp.float32)

    srcP, dstP, cnts = _sc_part(srcf, dstf, padpat)
    z = _mlp(x, W1, b1, W2, b2)
    zp = jnp.pad(z, ((0, PAD_ROWS), (0, 0)))

    fl0 = jnp.zeros((2, 16, 16), jnp.int32) + (edge_index[0, 0] * 0)
    gx0 = jnp.zeros((2, 2, HALF, C), jnp.float32)

    deg = _sc_deg(onesN, onesN, zerosN, srcP, dstP, cnts, gx0, fl0)
    d29f, zzf, g0, sqf = _prep(deg, zp)

    g10 = _sc_rounds(g0, d29f, zzf, srcP, dstP, cnts, gx0, fl0)
    return _final(g10, sqf)

# --- scband reference (transcript-rebuilt; emitter-appended) ---
"""Pipeline reference for scband-app-55061480735303 (READ-ONLY COPY).

The authoritative reference and input builder live on the scoring server;
editing this copy changes nothing except your own understanding.
"""

import jax, jax.numpy as jnp
import numpy as np

N = 10000
E = 320000
D = 128
H = 256
C = 32
K = 10
ALPHA = 0.1


def setup_inputs(seed: int = 0) -> dict:
    key = jax.random.key(seed)
    ks = jax.random.split(key, 6)
    x = jax.random.normal(ks[0], (N, D), dtype=jnp.float32)
    edge_index = jax.random.randint(ks[1], (2, E), 0, N, dtype=jnp.int32)
    W1 = jax.random.normal(ks[2], (D, H), dtype=jnp.float32) * (1.0 / np.sqrt(D))
    b1 = jnp.zeros((H,), dtype=jnp.float32)
    W2 = jax.random.normal(ks[3], (H, C), dtype=jnp.float32) * (1.0 / np.sqrt(H))
    b2 = jnp.zeros((C,), dtype=jnp.float32)
    return {"x": x, "edge_index": edge_index, "W1": W1, "b1": b1, "W2": W2, "b2": b2}


def _appnp_prop(z, src, dst, norm, num_nodes):
    h = z
    for _ in range(K):
        msg = norm[:, None] * jnp.take(h, src, axis=0)
        agg = jax.ops.segment_sum(msg, dst, num_segments=num_nodes)
        h = (1.0 - ALPHA) * agg + ALPHA * z
    return h


def reference(x, edge_index, W1, b1, W2, b2):
    num_nodes = x.shape[0]
    # gcn_norm with self-loops (PyG APPNP default)
    loop = jnp.arange(num_nodes, dtype=edge_index.dtype)
    src = jnp.concatenate([edge_index[0], loop])
    dst = jnp.concatenate([edge_index[1], loop])
    deg = jnp.zeros((num_nodes,), dtype=jnp.float32).at[dst].add(1.0)
    deg_inv_sqrt = jnp.where(deg > 0, 1.0 / jnp.sqrt(jnp.maximum(deg, 1e-12)), 0.0)
    norm = deg_inv_sqrt[src] * deg_inv_sqrt[dst]
    # MLP (eval mode: dropout is identity)
    h = jax.nn.relu(x @ W1 + b1)
    z = h @ W2 + b2
    z = _appnp_prop(z, src, dst, norm, num_nodes)
    return (jax.nn.log_softmax(z, axis=1), z)

if __name__ == "__main__":
    import jax
    _d = setup_inputs()
    print(jax.jit(kernel)(*tuple(_d.values())))

</pallas_src>

<mosaic_0001>
#map = affine_map<(d0, d1) -> (0, 0)>
#map1 = affine_map<(d0, d1) -> (0, 0, 0, 0)>
#map2 = affine_map<(d0, d1) -> (0, 0, 0)>
module attributes {stable_mosaic.version = 14 : i64} {
  func.func @_rounds_body(%arg0: i32, %arg1: i32, %arg2: memref<10240x32xf32, #tpu.memory_space<hbm>>, %arg3: memref<10240x32xf32, #tpu.memory_space<hbm>>, %arg4: memref<10240x32xf32, #tpu.memory_space<hbm>>, %arg5: memref<2x16x144x128xi32, #tpu.memory_space<hbm>>, %arg6: memref<2x16x144x128xi32, #tpu.memory_space<hbm>>, %arg7: memref<2x16x16xi32, #tpu.memory_space<hbm>>, %arg8: memref<2x2x5120x32xf32, #tpu.memory_space<hbm>>, %arg9: memref<2x16x16xi32, #tpu.memory_space<hbm>>, %arg10: memref<10240x32xf32, #tpu.memory_space<hbm>>, %arg11: memref<144x128xi32, #tpu.memory_space<vmem>>, %arg12: memref<144x128xi32, #tpu.memory_space<vmem>>, %arg13: memref<128x32xf32, #tpu.memory_space<vmem>>, %arg14: memref<128x32xf32, #tpu.memory_space<vmem>>, %arg15: memref<320x32xf32, #tpu.memory_space<vmem>>, %arg16: memref<320x32xf32, #tpu.memory_space<vmem>>, %arg17: memref<320x32xf32, #tpu.memory_space<vmem>>, %arg18: memref<320x32xf32, #tpu.memory_space<vmem>>, %arg19: memref<16xi32, #tpu.memory_space<vmem>>, %arg20: memref<16xi32, #tpu.memory_space<vmem>>, %arg21: memref<10240x32xf32, #tpu.memory_space<vmem_shared>>, %arg22: memref<10240x32xf32, #tpu.memory_space<vmem_shared>>, %arg23: memref<!tpu.dma_semaphore, #tpu.memory_space<semaphore_mem>>, %arg24: memref<!tpu.dma_semaphore, #tpu.memory_space<semaphore_mem>>) attributes {dimension_semantics = [#tpu.dimension_semantics<core_parallel>, #tpu.dimension_semantics<subcore_parallel>], iteration_bounds = array<i64: 2, 16>, scalar_prefetch = 0 : i64, scratch_operands = 14 : i64, tpu.core_type = #tpu.core_type<sc_vector_subcore>, window_params = [{transform_indices = #map}, {transform_indices = #map}, {transform_indices = #map}, {transform_indices = #map1}, {transform_indices = #map1}, {transform_indices = #map2}, {transform_indices = #map1}, {transform_indices = #map2}, {transform_indices = #map}]} {
    %sub3A = arith.constant 1 : i32
    %sub3A_0 = arith.subi %sub3A, %arg0 : i32
    %mul3A = arith.constant 5120 : i32
    %mul3A_1 = arith.muli %arg0, %mul3A : i32
    %mul3A_2 = arith.constant 320 : i32
    %mul3A_3 = arith.muli %arg1, %mul3A_2 : i32
    %add3A = arith.addi %mul3A_1, %mul3A_3 : i32
    %mul3A_4 = arith.constant 5120 : i32
    %mul3A_5 = arith.muli %sub3A_0, %mul3A_4 : i32
    %mul3A_6 = arith.constant 320 : i32
    %mul3A_7 = arith.muli %arg1, %mul3A_6 : i32
    %add3A_8 = arith.addi %mul3A_5, %mul3A_7 : i32
    %mul3A_9 = arith.constant 640 : i32
    %mul3A_10 = arith.muli %arg1, %mul3A_9 : i32
    "tpu.region"() ({
      %run_scoped3A = tpu.sem_alloc : memref<!tpu.dma_semaphore, #tpu.memory_space<semaphore_mem>>
      %dma_start3A = arith.constant 0 : i32
      %dma_start3A_42 = arith.constant 0 : i32
      %dma_start3A_43 = tpu.memref_slice %arg5[%arg0, %arg1, %dma_start3A, %dma_start3A_42] : memref<2x16x144x128xi32, #tpu.memory_space<hbm>> -> memref<1x1x144x128xi32, #tpu.memory_space<hbm>>
      %dma_start3A_44 = tpu.memref_squeeze %dma_start3A_43 : memref<1x1x144x128xi32, #tpu.memory_space<hbm>> -> memref<144x128xi32, #tpu.memory_space<hbm>>
      %dma_start3A_45 = arith.constant 0 : i32
      %dma_start3A_46 = arith.constant 0 : i32
      %dma_start3A_47 = tpu.memref_slice %arg5[%arg0, %arg1, %dma_start3A_45, %dma_start3A_46] : memref<2x16x144x128xi32, #tpu.memory_space<hbm>> -> memref<1x1x144x128xi32, #tpu.memory_space<hbm>>
      %dma_start3A_48 = tpu.memref_squeeze %dma_start3A_47 : memref<1x1x144x128xi32, #tpu.memory_space<hbm>> -> memref<144x128xi32, #tpu.memory_space<hbm>>
      tpu.enqueue_dma source(%dma_start3A_48 : memref<144x128xi32, #tpu.memory_space<hbm>>) target(%arg11 : memref<144x128xi32, #tpu.memory_space<vmem>>) target_semaphore(%run_scoped3A : memref<!tpu.dma_semaphore, #tpu.memory_space<semaphore_mem>>)
      %dma_wait3A = arith.constant 0 : i32
      %dma_wait3A_49 = arith.constant 0 : i32
      %dma_wait3A_50 = tpu.memref_slice %arg5[%arg0, %arg1, %dma_wait3A, %dma_wait3A_49] : memref<2x16x144x128xi32, #tpu.memory_space<hbm>> -> memref<1x1x144x128xi32, #tpu.memory_space<hbm>>
      %dma_wait3A_51 = tpu.memref_squeeze %dma_wait3A_50 : memref<1x1x144x128xi32, #tpu.memory_space<hbm>> -> memref<144x128xi32, #tpu.memory_space<hbm>>
      %dma_wait3A_52 = arith.constant 0 : i32
      %dma_wait3A_53 = arith.constant 0 : i32
      %dma_wait3A_54 = tpu.memref_slice %arg5[%arg0, %arg1, %dma_wait3A_52, %dma_wait3A_53] : memref<2x16x144x128xi32, #tpu.memory_space<hbm>> -> memref<1x1x144x128xi32, #tpu.memory_space<hbm>>
      %dma_wait3A_55 = tpu.memref_squeeze %dma_wait3A_54 : memref<1x1x144x128xi32, #tpu.memory_space<hbm>> -> memref<144x128xi32, #tpu.memory_space<hbm>>
      tpu.wait_dma2 semaphore(%run_scoped3A : memref<!tpu.dma_semaphore, #tpu.memory_space<semaphore_mem>>) src(%dma_wait3A_55 : memref<144x128xi32, #tpu.memory_space<hbm>>) dst(%arg11 : memref<144x128xi32, #tpu.memory_space<vmem>>)
      tpu.yield
    }) : () -> ()
    "tpu.region"() ({
      %run_scoped3A = tpu.sem_alloc : memref<!tpu.dma_semaphore, #tpu.memory_space<semaphore_mem>>
      %dma_start3A = arith.constant 0 : i32
      %dma_start3A_42 = arith.constant 0 : i32
      %dma_start3A_43 = tpu.memref_slice %arg6[%arg0, %arg1, %dma_start3A, %dma_start3A_42] : memref<2x16x144x128xi32, #tpu.memory_space<hbm>> -> memref<1x1x144x128xi32, #tpu.memory_space<hbm>>
      %dma_start3A_44 = tpu.memref_squeeze %dma_start3A_43 : memref<1x1x144x128xi32, #tpu.memory_space<hbm>> -> memref<144x128xi32, #tpu.memory_space<hbm>>
      %dma_start3A_45 = arith.constant 0 : i32
      %dma_start3A_46 = arith.constant 0 : i32
      %dma_start3A_47 = tpu.memref_slice %arg6[%arg0, %arg1, %dma_start3A_45, %dma_start3A_46] : memref<2x16x144x128xi32, #tpu.memory_space<hbm>> -> memref<1x1x144x128xi32, #tpu.memory_space<hbm>>
      %dma_start3A_48 = tpu.memref_squeeze %dma_start3A_47 : memref<1x1x144x128xi32, #tpu.memory_space<hbm>> -> memref<144x128xi32, #tpu.memory_space<hbm>>
      tpu.enqueue_dma source(%dma_start3A_48 : memref<144x128xi32, #tpu.memory_space<hbm>>) target(%arg12 : memref<144x128xi32, #tpu.memory_space<vmem>>) target_semaphore(%run_scoped3A : memref<!tpu.dma_semaphore, #tpu.memory_space<semaphore_mem>>)
      %dma_wait3A = arith.constant 0 : i32
      %dma_wait3A_49 = arith.constant 0 : i32
      %dma_wait3A_50 = tpu.memref_slice %arg6[%arg0, %arg1, %dma_wait3A, %dma_wait3A_49] : memref<2x16x144x128xi32, #tpu.memory_space<hbm>> -> memref<1x1x144x128xi32, #tpu.memory_space<hbm>>
      %dma_wait3A_51 = tpu.memref_squeeze %dma_wait3A_50 : memref<1x1x144x128xi32, #tpu.memory_space<hbm>> -> memref<144x128xi32, #tpu.memory_space<hbm>>
      %dma_wait3A_52 = arith.constant 0 : i32
      %dma_wait3A_53 = arith.constant 0 : i32
      %dma_wait3A_54 = tpu.memref_slice %arg6[%arg0, %arg1, %dma_wait3A_52, %dma_wait3A_53] : memref<2x16x144x128xi32, #tpu.memory_space<hbm>> -> memref<1x1x144x128xi32, #tpu.memory_space<hbm>>
      %dma_wait3A_55 = tpu.memref_squeeze %dma_wait3A_54 : memref<1x1x144x128xi32, #tpu.memory_space<hbm>> -> memref<144x128xi32, #tpu.memory_space<hbm>>
      tpu.wait_dma2 semaphore(%run_scoped3A : memref<!tpu.dma_semaphore, #tpu.memory_space<semaphore_mem>>) src(%dma_wait3A_55 : memref<144x128xi32, #tpu.memory_space<hbm>>) dst(%arg12 : memref<144x128xi32, #tpu.memory_space<vmem>>)
      tpu.yield
    }) : () -> ()
    "tpu.region"() ({
      %run_scoped3A = tpu.sem_alloc : memref<!tpu.dma_semaphore, #tpu.memory_space<semaphore_mem>>
      %dma_start3A = arith.constant 0 : i32
      %dma_start3A_42 = tpu.memref_slice %arg7[%arg0, %arg1, %dma_start3A] : memref<2x16x16xi32, #tpu.memory_space<hbm>> -> memref<1x1x16xi32, #tpu.memory_space<hbm>>
      %dma_start3A_43 = tpu.memref_squeeze %dma_start3A_42 : memref<1x1x16xi32, #tpu.memory_space<hbm>> -> memref<16xi32, #tpu.memory_space<hbm>>
      %dma_start3A_44 = arith.constant 0 : i32
      %dma_start3A_45 = tpu.memref_slice %arg7[%arg0, %arg1, %dma_start3A_44] : memref<2x16x16xi32, #tpu.memory_space<hbm>> -> memref<1x1x16xi32, #tpu.memory_space<hbm>>
      %dma_start3A_46 = tpu.memref_squeeze %dma_start3A_45 : memref<1x1x16xi32, #tpu.memory_space<hbm>> -> memref<16xi32, #tpu.memory_space<hbm>>
      tpu.enqueue_dma source(%dma_start3A_46 : memref<16xi32, #tpu.memory_space<hbm>>) target(%arg19 : memref<16xi32, #tpu.memory_space<vmem>>) target_semaphore(%run_scoped3A : memref<!tpu.dma_semaphore, #tpu.memory_space<semaphore_mem>>)
      %dma_wait3A = arith.constant 0 : i32
      %dma_wait3A_47 = tpu.memref_slice %arg7[%arg0, %arg1, %dma_wait3A] : memref<2x16x16xi32, #tpu.memory_space<hbm>> -> memref<1x1x16xi32, #tpu.memory_space<hbm>>
      %dma_wait3A_48 = tpu.memref_squeeze %dma_wait3A_47 : memref<1x1x16xi32, #tpu.memory_space<hbm>> -> memref<16xi32, #tpu.memory_space<hbm>>
      %dma_wait3A_49 = arith.constant 0 : i32
      %dma_wait3A_50 = tpu.memref_slice %arg7[%arg0, %arg1, %dma_wait3A_49] : memref<2x16x16xi32, #tpu.memory_space<hbm>> -> memref<1x1x16xi32, #tpu.memory_space<hbm>>
      %dma_wait3A_51 = tpu.memref_squeeze %dma_wait3A_50 : memref<1x1x16xi32, #tpu.memory_space<hbm>> -> memref<16xi32, #tpu.memory_space<hbm>>
      tpu.wait_dma2 semaphore(%run_scoped3A : memref<!tpu.dma_semaphore, #tpu.memory_space<semaphore_mem>>) src(%dma_wait3A_51 : memref<16xi32, #tpu.memory_space<hbm>>) dst(%arg19 : memref<16xi32, #tpu.memory_space<vmem>>)
      tpu.yield
    }) : () -> ()
    "tpu.region"() ({
      %run_scoped3A = tpu.sem_alloc : memref<!tpu.dma_semaphore, #tpu.memory_space<semaphore_mem>>
      %dma_start3A = arith.constant 0 : i32
      %dma_start3A_42 = tpu.memref_slice %arg3[%add3A, %dma_start3A] : memref<10240x32xf32, #tpu.memory_space<hbm>> -> memref<320x32xf32, #tpu.memory_space<hbm>>
      %dma_start3A_43 = arith.constant 0 : i32
      %dma_start3A_44 = tpu.memref_slice %arg3[%add3A, %dma_start3A_43] : memref<10240x32xf32, #tpu.memory_space<hbm>> -> memref<320x32xf32, #tpu.memory_space<hbm>>
      tpu.enqueue_dma source(%dma_start3A_44 : memref<320x32xf32, #tpu.memory_space<hbm>>) target(%arg15 : memref<320x32xf32, #tpu.memory_space<vmem>>) target_semaphore(%run_scoped3A : memref<!tpu.dma_semaphore, #tpu.memory_space<semaphore_mem>>)
      %dma_wait3A = arith.constant 0 : i32
      %dma_wait3A_45 = tpu.memref_slice %arg3[%add3A, %dma_wait3A] : memref<10240x32xf32, #tpu.memory_space<hbm>> -> memref<320x32xf32, #tpu.memory_space<hbm>>
      %dma_wait3A_46 = arith.constant 0 : i32
      %dma_wait3A_47 = tpu.memref_slice %arg3[%add3A, %dma_wait3A_46] : memref<10240x32xf32, #tpu.memory_space<hbm>> -> memref<320x32xf32, #tpu.memory_space<hbm>>
      tpu.wait_dma2 semaphore(%run_scoped3A : memref<!tpu.dma_semaphore, #tpu.memory_space<semaphore_mem>>) src(%dma_wait3A_47 : memref<320x32xf32, #tpu.memory_space<hbm>>) dst(%arg15 : memref<320x32xf32, #tpu.memory_space<vmem>>)
      tpu.yield
    }) : () -> ()
    "tpu.region"() ({
      %run_scoped3A = tpu.sem_alloc : memref<!tpu.dma_semaphore, #tpu.memory_space<semaphore_mem>>
      %dma_start3A = arith.constant 0 : i32
      %dma_start3A_42 = tpu.memref_slice %arg4[%add3A, %dma_start3A] : memref<10240x32xf32, #tpu.memory_space<hbm>> -> memref<320x32xf32, #tpu.memory_space<hbm>>
      %dma_start3A_43 = arith.constant 0 : i32
      %dma_start3A_44 = tpu.memref_slice %arg4[%add3A, %dma_start3A_43] : memref<10240x32xf32, #tpu.memory_space<hbm>> -> memref<320x32xf32, #tpu.memory_space<hbm>>
      tpu.enqueue_dma source(%dma_start3A_44 : memref<320x32xf32, #tpu.memory_space<hbm>>) target(%arg16 : memref<320x32xf32, #tpu.memory_space<vmem>>) target_semaphore(%run_scoped3A : memref<!tpu.dma_semaphore, #tpu.memory_space<semaphore_mem>>)
      %dma_wait3A = arith.constant 0 : i32
      %dma_wait3A_45 = tpu.memref_slice %arg4[%add3A, %dma_wait3A] : memref<10240x32xf32, #tpu.memory_space<hbm>> -> memref<320x32xf32, #tpu.memory_space<hbm>>
      %dma_wait3A_46 = arith.constant 0 : i32
      %dma_wait3A_47 = tpu.memref_slice %arg4[%add3A, %dma_wait3A_46] : memref<10240x32xf32, #tpu.memory_space<hbm>> -> memref<320x32xf32, #tpu.memory_space<hbm>>
      tpu.wait_dma2 semaphore(%run_scoped3A : memref<!tpu.dma_semaphore, #tpu.memory_space<semaphore_mem>>) src(%dma_wait3A_47 : memref<320x32xf32, #tpu.memory_space<hbm>>) dst(%arg16 : memref<320x32xf32, #tpu.memory_space<vmem>>)
      tpu.yield
    }) : () -> ()
    "tpu.region"() ({
      %run_scoped3A = tpu.sem_alloc : memref<!tpu.dma_semaphore, #tpu.memory_space<semaphore_mem>>
      %dma_start3A = arith.constant 0 : i32
      %dma_start3A_42 = tpu.memref_slice %arg21[%mul3A_10, %dma_start3A] : memref<10240x32xf32, #tpu.memory_space<vmem_shared>> -> memref<640x32xf32, #tpu.memory_space<vmem_shared>>
      %dma_start3A_43 = arith.constant 0 : i32
      %dma_start3A_44 = tpu.memref_slice %arg2[%mul3A_10, %dma_start3A_43] : memref<10240x32xf32, #tpu.memory_space<hbm>> -> memref<640x32xf32, #tpu.memory_space<hbm>>
      tpu.enqueue_dma source(%dma_start3A_44 : memref<640x32xf32, #tpu.memory_space<hbm>>) target(%dma_start3A_42 : memref<640x32xf32, #tpu.memory_space<vmem_shared>>) target_semaphore(%run_scoped3A : memref<!tpu.dma_semaphore, #tpu.memory_space<semaphore_mem>>)
      %dma_wait3A = arith.constant 0 : i32
      %dma_wait3A_45 = tpu.memref_slice %arg21[%mul3A_10, %dma_wait3A] : memref<10240x32xf32, #tpu.memory_space<vmem_shared>> -> memref<640x32xf32, #tpu.memory_space<vmem_shared>>
      %dma_wait3A_46 = arith.constant 0 : i32
      %dma_wait3A_47 = tpu.memref_slice %arg2[%mul3A_10, %dma_wait3A_46] : memref<10240x32xf32, #tpu.memory_space<hbm>> -> memref<640x32xf32, #tpu.memory_space<hbm>>
      tpu.wait_dma2 semaphore(%run_scoped3A : memref<!tpu.dma_semaphore, #tpu.memory_space<semaphore_mem>>) src(%dma_wait3A_47 : memref<640x32xf32, #tpu.memory_space<hbm>>) dst(%dma_wait3A_45 : memref<640x32xf32, #tpu.memory_space<vmem_shared>>)
      tpu.yield
    }) : () -> ()
    "tpu.region"() ({
      %run_scoped3A = tpu.sem_alloc : memref<!tpu.dma_semaphore, #tpu.memory_space<semaphore_mem>>
      %dma_start3A = arith.constant 0 : i32
      %dma_start3A_42 = tpu.memref_slice %arg22[%add3A, %dma_start3A] : memref<10240x32xf32, #tpu.memory_space<vmem_shared>> -> memref<320x32xf32, #tpu.memory_space<vmem_shared>>
      %dma_start3A_43 = arith.constant 0 : i32
      %dma_start3A_44 = tpu.memref_slice %arg2[%add3A, %dma_start3A_43] : memref<10240x32xf32, #tpu.memory_space<hbm>> -> memref<320x32xf32, #tpu.memory_space<hbm>>
      tpu.enqueue_dma source(%dma_start3A_44 : memref<320x32xf32, #tpu.memory_space<hbm>>) target(%dma_start3A_42 : memref<320x32xf32, #tpu.memory_space<vmem_shared>>) target_semaphore(%run_scoped3A : memref<!tpu.dma_semaphore, #tpu.memory_space<semaphore_mem>>)
      %dma_wait3A = arith.constant 0 : i32
      %dma_wait3A_45 = tpu.memref_slice %arg22[%add3A, %dma_wait3A] : memref<10240x32xf32, #tpu.memory_space<vmem_shared>> -> memref<320x32xf32, #tpu.memory_space<vmem_shared>>
      %dma_wait3A_46 = arith.constant 0 : i32
      %dma_wait3A_47 = tpu.memref_slice %arg2[%add3A, %dma_wait3A_46] : memref<10240x32xf32, #tpu.memory_space<hbm>> -> memref<320x32xf32, #tpu.memory_space<hbm>>
      tpu.wait_dma2 semaphore(%run_scoped3A : memref<!tpu.dma_semaphore, #tpu.memory_space<semaphore_mem>>) src(%dma_wait3A_47 : memref<320x32xf32, #tpu.memory_space<hbm>>) dst(%dma_wait3A_45 : memref<320x32xf32, #tpu.memory_space<vmem_shared>>)
      tpu.yield
    }) : () -> ()
    %get3A = arith.constant 0 : index
    %get3A_11 = tpu.vector_load %arg19[%get3A] {strides = array<i32>} : memref<16xi32, #tpu.memory_space<vmem>>, vector<16xi32>,
    %slice3A = vector.extract_strided_slice %get3A_11 {offsets = [0], sizes = [1], strides = [1]} : vector<16xi32> to vector<1xi32>
    %squeeze3A = vector.extract %slice3A[0] : i32 from vector<1xi32>
    %add3A_12 = arith.constant 256 : i32
    %add3A_13 = arith.addi %squeeze3A, %add3A_12 : i32
    %sub3A_14 = arith.constant 1 : i32
    %sub3A_15 = arith.subi %add3A_13, %sub3A_14 : i32
    %shift_right_logical3A = arith.constant 8 : i32
    %shift_right_logical3A_16 = arith.shrui %sub3A_15, %shift_right_logical3A : i32
    %barrier3A = arith.constant 0 : index
    tpu.barrier barrier_id(%barrier3A)
    %scan3A = arith.constant 0 : i32
    %scan3A_17 = arith.constant 0 : i32
    %gt3A = arith.constant 0 : i32
    %gt3A_18 = arith.cmpi sgt, %shift_right_logical3A_16, %gt3A : i32
    %convert_element_type3A = arith.extui %gt3A_18 : i1 to i32
    %cond3A = arith.constant 0 : i32
    %cond3A_19 = arith.cmpi ne, %convert_element_type3A, %cond3A : i32
    scf.if %cond3A_19 {
      %dma_start3A = arith.constant 0 : i32
      %dma_start3A_42 = arith.constant 0 : i32
      %dma_start3A_43 = tpu.memref_slice %arg11[%dma_start3A, %dma_start3A_42] : memref<144x128xi32, #tpu.memory_space<vmem>> -> memref<1x128xi32, #tpu.memory_space<vmem>>
      %dma_start3A_44 = tpu.memref_squeeze %dma_start3A_43 : memref<1x128xi32, #tpu.memory_space<vmem>> -> memref<128xi32, #tpu.memory_space<vmem>>
      %dma_start3A_45 = arith.constant 0 : i32
      %dma_start3A_46 = arith.constant 0 : i32
      %dma_start3A_47 = tpu.memref_slice %arg21[%dma_start3A_45, %dma_start3A_46] : memref<10240x32xf32, #tpu.memory_space<vmem_shared>> -> memref<10240x32xf32, #tpu.memory_space<vmem_shared>>
      tpu.enqueue_indirect_dma source(%dma_start3A_47 : memref<10240x32xf32, #tpu.memory_space<vmem_shared>>) target(%arg13 : memref<128x32xf32, #tpu.memory_space<vmem>>) offsets(%dma_start3A_44 : memref<128xi32, #tpu.memory_space<vmem>>) semaphore(%arg23 : memref<!tpu.dma_semaphore, #tpu.memory_space<semaphore_mem>>)
    } else {
    }
    %while3A = arith.constant 0 : i32
    %while3A_20 = arith.constant 0 : i32
    %while3A_21 = arith.subi %shift_right_logical3A_16, %while3A_20 : i32
    %while3A_22 = arith.addi %while3A_20, %while3A_21 : i32
    %while3A_23 = arith.constant 1 : i32
    %while3A_24 = arith.divsi %while3A_21, %while3A_23 : i32
    %while3A_25 = arith.muli %while3A_24, %while3A_23 : i32
    %while3A_26 = arith.addi %while3A_20, %while3A_25 : i32
    %while3A_27 = arith.constant 1 : i32
    scf.for %while3A_42 = %while3A_20 to %while3A_26 step %while3A_27  : i32 {
      %mul3A_43 = arith.constant 2 : i32
      %mul3A_44 = arith.muli %mul3A_43, %while3A_42 : i32
      %dma_wait3A = arith.constant 0 : i32
      %dma_wait3A_45 = tpu.memref_slice %arg11[%mul3A_44, %dma_wait3A] : memref<144x128xi32, #tpu.memory_space<vmem>> -> memref<1x128xi32, #tpu.memory_space<vmem>>
      %dma_wait3A_46 = tpu.memref_squeeze %dma_wait3A_45 : memref<1x128xi32, #tpu.memory_space<vmem>> -> memref<128xi32, #tpu.memory_space<vmem>>
      %dma_wait3A_47 = arith.constant 0 : i32
      %dma_wait3A_48 = arith.constant 0 : i32
      %dma_wait3A_49 = tpu.memref_slice %arg21[%dma_wait3A_47, %dma_wait3A_48] : memref<10240x32xf32, #tpu.memory_space<vmem_shared>> -> memref<10240x32xf32, #tpu.memory_space<vmem_shared>>
      tpu.wait_indirect_dma semaphore(%arg23 : memref<!tpu.dma_semaphore, #tpu.memory_space<semaphore_mem>>) src(%dma_wait3A_49 : memref<10240x32xf32, #tpu.memory_space<vmem_shared>>) dst(%arg13 : memref<128x32xf32, #tpu.memory_space<vmem>>)
      %add3A_50 = arith.constant 1 : i32
      %add3A_51 = arith.addi %mul3A_44, %add3A_50 : i32
      %dma_start3A = arith.constant 0 : i32
      %dma_start3A_52 = tpu.memref_slice %arg11[%add3A_51, %dma_start3A] : memref<144x128xi32, #tpu.memory_space<vmem>> -> memref<1x128xi32, #tpu.memory_space<vmem>>
      %dma_start3A_53 = tpu.memref_squeeze %dma_start3A_52 : memref<1x128xi32, #tpu.memory_space<vmem>> -> memref<128xi32, #tpu.memory_space<vmem>>
      %dma_start3A_54 = arith.constant 0 : i32
      %dma_start3A_55 = arith.constant 0 : i32
      %dma_start3A_56 = tpu.memref_slice %arg21[%dma_start3A_54, %dma_start3A_55] : memref<10240x32xf32, #tpu.memory_space<vmem_shared>> -> memref<10240x32xf32, #tpu.memory_space<vmem_shared>>
      tpu.enqueue_indirect_dma source(%dma_start3A_56 : memref<10240x32xf32, #tpu.memory_space<vmem_shared>>) target(%arg14 : memref<128x32xf32, #tpu.memory_space<vmem>>) offsets(%dma_start3A_53 : memref<128xi32, #tpu.memory_space<vmem>>) semaphore(%arg24 : memref<!tpu.dma_semaphore, #tpu.memory_space<semaphore_mem>>)
      "tpu.region"() ({
        %run_scoped3A = tpu.sem_alloc : memref<!tpu.dma_semaphore, #tpu.memory_space<semaphore_mem>>
        %dma_start3A_73 = arith.constant 0 : i32
        %dma_start3A_74 = tpu.memref_slice %arg12[%mul3A_44, %dma_start3A_73] : memref<144x128xi32, #tpu.memory_space<vmem>> -> memref<1x128xi32, #tpu.memory_space<vmem>>
        %dma_start3A_75 = tpu.memref_squeeze %dma_start3A_74 : memref<1x128xi32, #tpu.memory_space<vmem>> -> memref<128xi32, #tpu.memory_space<vmem>>
        %dma_start3A_76 = arith.constant 0 : i32
        %dma_start3A_77 = arith.constant 0 : i32
        %dma_start3A_78 = tpu.memref_slice %arg22[%dma_start3A_76, %dma_start3A_77] : memref<10240x32xf32, #tpu.memory_space<vmem_shared>> -> memref<10240x32xf32, #tpu.memory_space<vmem_shared>>
        tpu.enqueue_indirect_dma source(%arg13 : memref<128x32xf32, #tpu.memory_space<vmem>>) target(%dma_start3A_78 : memref<10240x32xf32, #tpu.memory_space<vmem_shared>>) offsets(%dma_start3A_75 : memref<128xi32, #tpu.memory_space<vmem>>) semaphore(%run_scoped3A : memref<!tpu.dma_semaphore, #tpu.memory_space<semaphore_mem>>) {add = true}
        %dma_wait3A_79 = arith.constant 0 : i32
        %dma_wait3A_80 = tpu.memref_slice %arg12[%mul3A_44, %dma_wait3A_79] : memref<144x128xi32, #tpu.memory_space<vmem>> -> memref<1x128xi32, #tpu.memory_space<vmem>>
        %dma_wait3A_81 = tpu.memref_squeeze %dma_wait3A_80 : memref<1x128xi32, #tpu.memory_space<vmem>> -> memref<128xi32, #tpu.memory_space<vmem>>
        %dma_wait3A_82 = arith.constant 0 : i32
        %dma_wait3A_83 = arith.constant 0 : i32
        %dma_wait3A_84 = tpu.memref_slice %arg22[%dma_wait3A_82, %dma_wait3A_83] : memref<10240x32xf32, #tpu.memory_space<vmem_shared>> -> memref<10240x32xf32, #tpu.memory_space<vmem_shared>>
        tpu.wait_indirect_dma semaphore(%run_scoped3A : memref<!tpu.dma_semaphore, #tpu.memory_space<semaphore_mem>>) src(%arg13 : memref<128x32xf32, #tpu.memory_space<vmem>>) dst(%dma_wait3A_84 : memref<10240x32xf32, #tpu.memory_space<vmem_shared>>)
        tpu.yield
      }) : () -> ()
      %add3A_57 = arith.constant 1 : i32
      %add3A_58 = arith.addi %mul3A_44, %add3A_57 : i32
      %dma_wait3A_59 = arith.constant 0 : i32
      %dma_wait3A_60 = tpu.memref_slice %arg11[%add3A_58, %dma_wait3A_59] : memref<144x128xi32, #tpu.memory_space<vmem>> -> memref<1x128xi32, #tpu.memory_space<vmem>>
      %dma_wait3A_61 = tpu.memref_squeeze %dma_wait3A_60 : memref<1x128xi32, #tpu.memory_space<vmem>> -> memref<128xi32, #tpu.memory_space<vmem>>
      %dma_wait3A_62 = arith.constant 0 : i32
      %dma_wait3A_63 = arith.constant 0 : i32
      %dma_wait3A_64 = tpu.memref_slice %arg21[%dma_wait3A_62, %dma_wait3A_63] : memref<10240x32xf32, #tpu.memory_space<vmem_shared>> -> memref<10240x32xf32, #tpu.memory_space<vmem_shared>>
      tpu.wait_indirect_dma semaphore(%arg24 : memref<!tpu.dma_semaphore, #tpu.memory_space<semaphore_mem>>) src(%dma_wait3A_64 : memref<10240x32xf32, #tpu.memory_space<vmem_shared>>) dst(%arg14 : memref<128x32xf32, #tpu.memory_space<vmem>>)
      %sub3A_65 = arith.constant 1 : i32
      %sub3A_66 = arith.subi %shift_right_logical3A_16, %sub3A_65 : i32
      %lt3A_67 = arith.cmpi slt, %while3A_42, %sub3A_66 : i32
      %convert_element_type3A_68 = arith.extui %lt3A_67 : i1 to i32
      %cond3A_69 = arith.constant 0 : i32
      %cond3A_70 = arith.cmpi ne, %convert_element_type3A_68, %cond3A_69 : i32
      scf.if %cond3A_70 {
        %add3A_73 = arith.constant 2 : i32
        %add3A_74 = arith.addi %mul3A_44, %add3A_73 : i32
        %dma_start3A_75 = arith.constant 0 : i32
        %dma_start3A_76 = tpu.memref_slice %arg11[%add3A_74, %dma_start3A_75] : memref<144x128xi32, #tpu.memory_space<vmem>> -> memref<1x128xi32, #tpu.memory_space<vmem>>
        %dma_start3A_77 = tpu.memref_squeeze %dma_start3A_76 : memref<1x128xi32, #tpu.memory_space<vmem>> -> memref<128xi32, #tpu.memory_space<vmem>>
        %dma_start3A_78 = arith.constant 0 : i32
        %dma_start3A_79 = arith.constant 0 : i32
        %dma_start3A_80 = tpu.memref_slice %arg21[%dma_start3A_78, %dma_start3A_79] : memref<10240x32xf32, #tpu.memory_space<vmem_shared>> -> memref<10240x32xf32, #tpu.memory_space<vmem_shared>>
        tpu.enqueue_indirect_dma source(%dma_start3A_80 : memref<10240x32xf32, #tpu.memory_space<vmem_shared>>) target(%arg13 : memref<128x32xf32, #tpu.memory_space<vmem>>) offsets(%dma_start3A_77 : memref<128xi32, #tpu.memory_space<vmem>>) semaphore(%arg23 : memref<!tpu.dma_semaphore, #tpu.memory_space<semaphore_mem>>)
      } else {
      }
      %add3A_71 = arith.constant 1 : i32
      %add3A_72 = arith.addi %mul3A_44, %add3A_71 : i32
      "tpu.region"() ({
        %run_scoped3A = tpu.sem_alloc : memref<!tpu.dma_semaphore, #tpu.memory_space<semaphore_mem>>
        %dma_start3A_73 = arith.constant 0 : i32
        %dma_start3A_74 = tpu.memref_slice %arg12[%add3A_72, %dma_start3A_73] : memref<144x128xi32, #tpu.memory_space<vmem>> -> memref<1x128xi32, #tpu.memory_space<vmem>>
        %dma_start3A_75 = tpu.memref_squeeze %dma_start3A_74 : memref<1x128xi32, #tpu.memory_space<vmem>> -> memref<128xi32, #tpu.memory_space<vmem>>
        %dma_start3A_76 = arith.constant 0 : i32
        %dma_start3A_77 = arith.constant 0 : i32
        %dma_start3A_78 = tpu.memref_slice %arg22[%dma_start3A_76, %dma_start3A_77] : memref<10240x32xf32, #tpu.memory_space<vmem_shared>> -> memref<10240x32xf32, #tpu.memory_space<vmem_shared>>
        tpu.enqueue_indirect_dma source(%arg14 : memref<128x32xf32, #tpu.memory_space<vmem>>) target(%dma_start3A_78 : memref<10240x32xf32, #tpu.memory_space<vmem_shared>>) offsets(%dma_start3A_75 : memref<128xi32, #tpu.memory_space<vmem>>) semaphore(%run_scoped3A : memref<!tpu.dma_semaphore, #tpu.memory_space<semaphore_mem>>) {add = true}
        %dma_wait3A_79 = arith.constant 0 : i32
        %dma_wait3A_80 = tpu.memref_slice %arg12[%add3A_72, %dma_wait3A_79] : memref<144x128xi32, #tpu.memory_space<vmem>> -> memref<1x128xi32, #tpu.memory_space<vmem>>
        %dma_wait3A_81 = tpu.memref_squeeze %dma_wait3A_80 : memref<1x128xi32, #tpu.memory_space<vmem>> -> memref<128xi32, #tpu.memory_space<vmem>>
        %dma_wait3A_82 = arith.constant 0 : i32
        %dma_wait3A_83 = arith.constant 0 : i32
        %dma_wait3A_84 = tpu.memref_slice %arg22[%dma_wait3A_82, %dma_wait3A_83] : memref<10240x32xf32, #tpu.memory_space<vmem_shared>> -> memref<10240x32xf32, #tpu.memory_space<vmem_shared>>
        tpu.wait_indirect_dma semaphore(%run_scoped3A : memref<!tpu.dma_semaphore, #tpu.memory_space<semaphore_mem>>) src(%arg14 : memref<128x32xf32, #tpu.memory_space<vmem>>) dst(%dma_wait3A_84 : memref<10240x32xf32, #tpu.memory_space<vmem_shared>>)
        tpu.yield
      }) : () -> ()
    }
    %while3A_28 = arith.constant 1 : i32
    scf.for %while3A_42 = %while3A_26 to %while3A_22 step %while3A_28  : i32 {
      %mul3A_43 = arith.constant 2 : i32
      %mul3A_44 = arith.muli %mul3A_43, %while3A_42 : i32
      %dma_wait3A = arith.constant 0 : i32
      %dma_wait3A_45 = tpu.memref_slice %arg11[%mul3A_44, %dma_wait3A] : memref<144x128xi32, #tpu.memory_space<vmem>> -> memref<1x128xi32, #tpu.memory_space<vmem>>
      %dma_wait3A_46 = tpu.memref_squeeze %dma_wait3A_45 : memref<1x128xi32, #tpu.memory_space<vmem>> -> memref<128xi32, #tpu.memory_space<vmem>>
      %dma_wait3A_47 = arith.constant 0 : i32
      %dma_wait3A_48 = arith.constant 0 : i32
      %dma_wait3A_49 = tpu.memref_slice %arg21[%dma_wait3A_47, %dma_wait3A_48] : memref<10240x32xf32, #tpu.memory_space<vmem_shared>> -> memref<10240x32xf32, #tpu.memory_space<vmem_shared>>
      tpu.wait_indirect_dma semaphore(%arg23 : memref<!tpu.dma_semaphore, #tpu.memory_space<semaphore_mem>>) src(%dma_wait3A_49 : memref<10240x32xf32, #tpu.memory_space<vmem_shared>>) dst(%arg13 : memref<128x32xf32, #tpu.memory_space<vmem>>)
      %add3A_50 = arith.constant 1 : i32
      %add3A_51 = arith.addi %mul3A_44, %add3A_50 : i32
      %dma_start3A = arith.constant 0 : i32
      %dma_start3A_52 = tpu.memref_slice %arg11[%add3A_51, %dma_start3A] : memref<144x128xi32, #tpu.memory_space<vmem>> -> memref<1x128xi32, #tpu.memory_space<vmem>>
      %dma_start3A_53 = tpu.memref_squeeze %dma_start3A_52 : memref<1x128xi32, #tpu.memory_space<vmem>> -> memref<128xi32, #tpu.memory_space<vmem>>
      %dma_start3A_54 = arith.constant 0 : i32
      %dma_start3A_55 = arith.constant 0 : i32
      %dma_start3A_56 = tpu.memref_slice %arg21[%dma_start3A_54, %dma_start3A_55] : memref<10240x32xf32, #tpu.memory_space<vmem_shared>> -> memref<10240x32xf32, #tpu.memory_space<vmem_shared>>
      tpu.enqueue_indirect_dma source(%dma_start3A_56 : memref<10240x32xf32, #tpu.memory_space<vmem_shared>>) target(%arg14 : memref<128x32xf32, #tpu.memory_space<vmem>>) offsets(%dma_start3A_53 : memref<128xi32, #tpu.memory_space<vmem>>) semaphore(%arg24 : memref<!tpu.dma_semaphore, #tpu.memory_space<semaphore_mem>>)
      "tpu.region"() ({
        %run_scoped3A = tpu.sem_alloc : memref<!tpu.dma_semaphore, #tpu.memory_space<semaphore_mem>>
        %dma_start3A_73 = arith.constant 0 : i32
        %dma_start3A_74 = tpu.memref_slice %arg12[%mul3A_44, %dma_start3A_73] : memref<144x128xi32, #tpu.memory_space<vmem>> -> memref<1x128xi32, #tpu.memory_space<vmem>>
        %dma_start3A_75 = tpu.memref_squeeze %dma_start3A_74 : memref<1x128xi32, #tpu.memory_space<vmem>> -> memref<128xi32, #tpu.memory_space<vmem>>
        %dma_start3A_76 = arith.constant 0 : i32
        %dma_start3A_77 = arith.constant 0 : i32
        %dma_start3A_78 = tpu.memref_slice %arg22[%dma_start3A_76, %dma_start3A_77] : memref<10240x32xf32, #tpu.memory_space<vmem_shared>> -> memref<10240x32xf32, #tpu.memory_space<vmem_shared>>
        tpu.enqueue_indirect_dma source(%arg13 : memref<128x32xf32, #tpu.memory_space<vmem>>) target(%dma_start3A_78 : memref<10240x32xf32, #tpu.memory_space<vmem_shared>>) offsets(%dma_start3A_75 : memref<128xi32, #tpu.memory_space<vmem>>) semaphore(%run_scoped3A : memref<!tpu.dma_semaphore, #tpu.memory_space<semaphore_mem>>) {add = true}
        %dma_wait3A_79 = arith.constant 0 : i32
        %dma_wait3A_80 = tpu.memref_slice %arg12[%mul3A_44, %dma_wait3A_79] : memref<144x128xi32, #tpu.memory_space<vmem>> -> memref<1x128xi32, #tpu.memory_space<vmem>>
        %dma_wait3A_81 = tpu.memref_squeeze %dma_wait3A_80 : memref<1x128xi32, #tpu.memory_space<vmem>> -> memref<128xi32, #tpu.memory_space<vmem>>
        %dma_wait3A_82 = arith.constant 0 : i32
        %dma_wait3A_83 = arith.constant 0 : i32
        %dma_wait3A_84 = tpu.memref_slice %arg22[%dma_wait3A_82, %dma_wait3A_83] : memref<10240x32xf32, #tpu.memory_space<vmem_shared>> -> memref<10240x32xf32, #tpu.memory_space<vmem_shared>>
        tpu.wait_indirect_dma semaphore(%run_scoped3A : memref<!tpu.dma_semaphore, #tpu.memory_space<semaphore_mem>>) src(%arg13 : memref<128x32xf32, #tpu.memory_space<vmem>>) dst(%dma_wait3A_84 : memref<10240x32xf32, #tpu.memory_space<vmem_shared>>)
        tpu.yield
      }) : () -> ()
      %add3A_57 = arith.constant 1 : i32
      %add3A_58 = arith.addi %mul3A_44, %add3A_57 : i32
      %dma_wait3A_59 = arith.constant 0 : i32
      %dma_wait3A_60 = tpu.memref_slice %arg11[%add3A_58, %dma_wait3A_59] : memref<144x128xi32, #tpu.memory_space<vmem>> -> memref<1x128xi32, #tpu.memory_space<vmem>>
      %dma_wait3A_61 = tpu.memref_squeeze %dma_wait3A_60 : memref<1x128xi32, #tpu.memory_space<vmem>> -> memref<128xi32, #tpu.memory_space<vmem>>
      %dma_wait3A_62 = arith.constant 0 : i32
      %dma_wait3A_63 = arith.constant 0 : i32
      %dma_wait3A_64 = tpu.memref_slice %arg21[%dma_wait3A_62, %dma_wait3A_63] : memref<10240x32xf32, #tpu.memory_space<vmem_shared>> -> memref<10240x32xf32, #tpu.memory_space<vmem_shared>>
      tpu.wait_indirect_dma semaphore(%arg24 : memref<!tpu.dma_semaphore, #tpu.memory_space<semaphore_mem>>) src(%dma_wait3A_64 : memref<10240x32xf32, #tpu.memory_space<vmem_shared>>) dst(%arg14 : memref<128x32xf32, #tpu.memory_space<vmem>>)
      %sub3A_65 = arith.constant 1 : i32
      %sub3A_66 = arith.subi %shift_right_logical3A_16, %sub3A_65 : i32
      %lt3A_67 = arith.cmpi slt, %while3A_42, %sub3A_66 : i32
      %convert_element_type3A_68 = arith.extui %lt3A_67 : i1 to i32
      %cond3A_69 = arith.constant 0 : i32
      %cond3A_70 = arith.cmpi ne, %convert_element_type3A_68, %cond3A_69 : i32
      scf.if %cond3A_70 {
        %add3A_73 = arith.constant 2 : i32
        %add3A_74 = arith.addi %mul3A_44, %add3A_73 : i32
        %dma_start3A_75 = arith.constant 0 : i32
        %dma_start3A_76 = tpu.memref_slice %arg11[%add3A_74, %dma_start3A_75] : memref<144x128xi32, #tpu.memory_space<vmem>> -> memref<1x128xi32, #tpu.memory_space<vmem>>
        %dma_start3A_77 = tpu.memref_squeeze %dma_start3A_76 : memref<1x128xi32, #tpu.memory_space<vmem>> -> memref<128xi32, #tpu.memory_space<vmem>>
        %dma_start3A_78 = arith.constant 0 : i32
        %dma_start3A_79 = arith.constant 0 : i32
        %dma_start3A_80 = tpu.memref_slice %arg21[%dma_start3A_78, %dma_start3A_79] : memref<10240x32xf32, #tpu.memory_space<vmem_shared>> -> memref<10240x32xf32, #tpu.memory_space<vmem_shared>>
        tpu.enqueue_indirect_dma source(%dma_start3A_80 : memref<10240x32xf32, #tpu.memory_space<vmem_shared>>) target(%arg13 : memref<128x32xf32, #tpu.memory_space<vmem>>) offsets(%dma_start3A_77 : memref<128xi32, #tpu.memory_space<vmem>>) semaphore(%arg23 : memref<!tpu.dma_semaphore, #tpu.memory_space<semaphore_mem>>)
      } else {
      }
      %add3A_71 = arith.constant 1 : i32
      %add3A_72 = arith.addi %mul3A_44, %add3A_71 : i32
      "tpu.region"() ({
        %run_scoped3A = tpu.sem_alloc : memref<!tpu.dma_semaphore, #tpu.memory_space<semaphore_mem>>
        %dma_start3A_73 = arith.constant 0 : i32
        %dma_start3A_74 = tpu.memref_slice %arg12[%add3A_72, %dma_start3A_73] : memref<144x128xi32, #tpu.memory_space<vmem>> -> memref<1x128xi32, #tpu.memory_space<vmem>>
        %dma_start3A_75 = tpu.memref_squeeze %dma_start3A_74 : memref<1x128xi32, #tpu.memory_space<vmem>> -> memref<128xi32, #tpu.memory_space<vmem>>
        %dma_start3A_76 = arith.constant 0 : i32
        %dma_start3A_77 = arith.constant 0 : i32
        %dma_start3A_78 = tpu.memref_slice %arg22[%dma_start3A_76, %dma_start3A_77] : memref<10240x32xf32, #tpu.memory_space<vmem_shared>> -> memref<10240x32xf32, #tpu.memory_space<vmem_shared>>
        tpu.enqueue_indirect_dma source(%arg14 : memref<128x32xf32, #tpu.memory_space<vmem>>) target(%dma_start3A_78 : memref<10240x32xf32, #tpu.memory_space<vmem_shared>>) offsets(%dma_start3A_75 : memref<128xi32, #tpu.memory_space<vmem>>) semaphore(%run_scoped3A : memref<!tpu.dma_semaphore, #tpu.memory_space<semaphore_mem>>) {add = true}
        %dma_wait3A_79 = arith.constant 0 : i32
        %dma_wait3A_80 = tpu.memref_slice %arg12[%add3A_72, %dma_wait3A_79] : memref<144x128xi32, #tpu.memory_space<vmem>> -> memref<1x128xi32, #tpu.memory_space<vmem>>
        %dma_wait3A_81 = tpu.memref_squeeze %dma_wait3A_80 : memref<1x128xi32, #tpu.memory_space<vmem>> -> memref<128xi32, #tpu.memory_space<vmem>>
        %dma_wait3A_82 = arith.constant 0 : i32
        %dma_wait3A_83 = arith.constant 0 : i32
        %dma_wait3A_84 = tpu.memref_slice %arg22[%dma_wait3A_82, %dma_wait3A_83] : memref<10240x32xf32, #tpu.memory_space<vmem_shared>> -> memref<10240x32xf32, #tpu.memory_space<vmem_shared>>
        tpu.wait_indirect_dma semaphore(%run_scoped3A : memref<!tpu.dma_semaphore, #tpu.memory_space<semaphore_mem>>) src(%arg14 : memref<128x32xf32, #tpu.memory_space<vmem>>) dst(%dma_wait3A_84 : memref<10240x32xf32, #tpu.memory_space<vmem_shared>>)
        tpu.yield
      }) : () -> ()
    }
    %barrier3A_29 = arith.constant 0 : index
    tpu.barrier barrier_id(%barrier3A_29)
    "tpu.region"() ({
      %run_scoped3A = tpu.sem_alloc : memref<!tpu.dma_semaphore, #tpu.memory_space<semaphore_mem>>
      %dma_start3A = arith.constant 0 : i32
      %dma_start3A_42 = tpu.memref_slice %arg22[%add3A, %dma_start3A] : memref<10240x32xf32, #tpu.memory_space<vmem_shared>> -> memref<320x32xf32, #tpu.memory_space<vmem_shared>>
      %dma_start3A_43 = arith.constant 0 : i32
      %dma_start3A_44 = tpu.memref_slice %arg22[%add3A, %dma_start3A_43] : memref<10240x32xf32, #tpu.memory_space<vmem_shared>> -> memref<320x32xf32, #tpu.memory_space<vmem_shared>>
      tpu.enqueue_dma source(%dma_start3A_44 : memref<320x32xf32, #tpu.memory_space<vmem_shared>>) target(%arg17 : memref<320x32xf32, #tpu.memory_space<vmem>>) target_semaphore(%run_scoped3A : memref<!tpu.dma_semaphore, #tpu.memory_space<semaphore_mem>>)
      %dma_wait3A = arith.constant 0 : i32
      %dma_wait3A_45 = tpu.memref_slice %arg22[%add3A, %dma_wait3A] : memref<10240x32xf32, #tpu.memory_space<vmem_shared>> -> memref<320x32xf32, #tpu.memory_space<vmem_shared>>
      %dma_wait3A_46 = arith.constant 0 : i32
      %dma_wait3A_47 = tpu.memref_slice %arg22[%add3A, %dma_wait3A_46] : memref<10240x32xf32, #tpu.memory_space<vmem_shared>> -> memref<320x32xf32, #tpu.memory_space<vmem_shared>>
      tpu.wait_dma2 semaphore(%run_scoped3A : memref<!tpu.dma_semaphore, #tpu.memory_space<semaphore_mem>>) src(%dma_wait3A_47 : memref<320x32xf32, #tpu.memory_space<vmem_shared>>) dst(%arg17 : memref<320x32xf32, #tpu.memory_space<vmem>>)
      tpu.yield
    }) : () -> ()
    %scan3A_30 = arith.constant 0 : i32
    %scan3A_31 = arith.constant 0 : i32
    %scan3A_32 = arith.constant 320 : i32
    %scan3A_33 = arith.addi %scan3A_31, %scan3A_32 : i32
    %scan3A_34 = arith.constant 1 : i32
    scf.for %scan3A_42 = %scan3A_31 to %scan3A_33 step %scan3A_34  : i32 {
      %get3A_43 = arith.index_cast %scan3A_42 : i32 to index
      %get3A_44 = arith.constant 0 : index
      %get3A_45 = tpu.vector_load %arg15[%get3A_43, %get3A_44] {strides = array<i32>} : memref<320x32xf32, #tpu.memory_space<vmem>>, vector<16xf32>,
      %get3A_46 = arith.index_cast %scan3A_42 : i32 to index
      %get3A_47 = arith.constant 0 : index
      %get3A_48 = tpu.vector_load %arg17[%get3A_46, %get3A_47] {strides = array<i32>} : memref<320x32xf32, #tpu.memory_space<vmem>>, vector<16xf32>,
      %mul3A_49 = arith.mulf %get3A_45, %get3A_48 : vector<16xf32>
      %get3A_50 = arith.index_cast %scan3A_42 : i32 to index
      %get3A_51 = arith.constant 0 : index
      %get3A_52 = tpu.vector_load %arg16[%get3A_50, %get3A_51] {strides = array<i32>} : memref<320x32xf32, #tpu.memory_space<vmem>>, vector<16xf32>,
      %add3A_53 = arith.addf %mul3A_49, %get3A_52 : vector<16xf32>
      %swap3A = arith.index_cast %scan3A_42 : i32 to index
      %swap3A_54 = arith.constant 0 : index
      %swap3A_55 = tpu.vector_load %arg18[%swap3A, %swap3A_54] {strides = array<i32>} : memref<320x32xf32, #tpu.memory_space<vmem>>, vector<16xf32>,
      tpu.vector_store %arg18[%swap3A, %swap3A_54], %add3A_53 {strides = array<i32>} : memref<320x32xf32, #tpu.memory_space<vmem>>, vector<16xf32>,
      %get3A_56 = arith.index_cast %scan3A_42 : i32 to index
      %get3A_57 = arith.constant 16 : index
      %get3A_58 = tpu.vector_load %arg15[%get3A_56, %get3A_57] {strides = array<i32>} : memref<320x32xf32, #tpu.memory_space<vmem>>, vector<16xf32>,
      %get3A_59 = arith.index_cast %scan3A_42 : i32 to index
      %get3A_60 = arith.constant 16 : index
      %get3A_61 = tpu.vector_load %arg17[%get3A_59, %get3A_60] {strides = array<i32>} : memref<320x32xf32, #tpu.memory_space<vmem>>, vector<16xf32>,
      %mul3A_62 = arith.mulf %get3A_58, %get3A_61 : vector<16xf32>
      %get3A_63 = arith.index_cast %scan3A_42 : i32 to index
      %get3A_64 = arith.constant 16 : index
      %get3A_65 = tpu.vector_load %arg16[%get3A_63, %get3A_64] {strides = array<i32>} : memref<320x32xf32, #tpu.memory_space<vmem>>, vector<16xf32>,
      %add3A_66 = arith.addf %mul3A_62, %get3A_65 : vector<16xf32>
      %swap3A_67 = arith.index_cast %scan3A_42 : i32 to index
      %swap3A_68 = arith.constant 16 : index
      %swap3A_69 = tpu.vector_load %arg18[%swap3A_67, %swap3A_68] {strides = array<i32>} : memref<320x32xf32, #tpu.memory_space<vmem>>, vector<16xf32>,
      tpu.vector_store %arg18[%swap3A_67, %swap3A_68], %add3A_66 {strides = array<i32>} : memref<320x32xf32, #tpu.memory_space<vmem>>, vector<16xf32>,
    }
    %scan3A_35 = arith.constant 320 : i32
    "tpu.region"() ({
      %run_scoped3A = tpu.sem_alloc : memref<!tpu.dma_semaphore, #tpu.memory_space<semaphore_mem>>
      %dma_start3A = arith.constant 0 : i32
      %dma_start3A_42 = tpu.memref_slice %arg21[%add3A, %dma_start3A] : memref<10240x32xf32, #tpu.memory_space<vmem_shared>> -> memref<320x32xf32, #tpu.memory_space<vmem_shared>>
      %dma_start3A_43 = arith.constant 0 : i32
      %dma_start3A_44 = tpu.memref_slice %arg21[%add3A, %dma_start3A_43] : memref<10240x32xf32, #tpu.memory_space<vmem_shared>> -> memref<320x32xf32, #tpu.memory_space<vmem_shared>>
      tpu.enqueue_dma source(%arg18 : memref<320x32xf32, #tpu.memory_space<vmem>>) target(%dma_start3A_44 : memref<320x32xf32, #tpu.memory_space<vmem_shared>>) target_semaphore(%run_scoped3A : memref<!tpu.dma_semaphore, #tpu.memory_space<semaphore_mem>>)
      %dma_wait3A = arith.constant 0 : i32
      %dma_wait3A_45 = tpu.memref_slice %arg21[%add3A, %dma_wait3A] : memref<10240x32xf32, #tpu.memory_space<vmem_shared>> -> memref<320x32xf32, #tpu.memory_space<vmem_shared>>
      %dma_wait3A_46 = arith.constant 0 : i32
      %dma_wait3A_47 = tpu.memref_slice %arg21[%add3A, %dma_wait3A_46] : memref<10240x32xf32, #tpu.memory_space<vmem_shared>> -> memref<320x32xf32, #tpu.memory_space<vmem_shared>>
      tpu.wait_dma2 semaphore(%run_scoped3A : memref<!tpu.dma_semaphore, #tpu.memory_space<semaphore_mem>>) src(%arg18 : memref<320x32xf32, #tpu.memory_space<vmem>>) dst(%dma_wait3A_47 : memref<320x32xf32, #tpu.memory_space<vmem_shared>>)
      tpu.yield
    }) : () -> ()
    "tpu.region"() ({
      %run_scoped3A = tpu.sem_alloc : memref<!tpu.dma_semaphore, #tpu.memory_space<semaphore_mem>>
      %dma_start3A = arith.constant 0 : i32
      %dma_start3A_42 = tpu.memref_slice %arg22[%add3A, %dma_start3A] : memref<10240x32xf32, #tpu.memory_space<vmem_shared>> -> memref<320x32xf32, #tpu.memory_space<vmem_shared>>
      %dma_start3A_43 = arith.constant 0 : i32
      %dma_start3A_44 = tpu.memref_slice %arg22[%add3A, %dma_start3A_43] : memref<10240x32xf32, #tpu.memory_space<vmem_shared>> -> memref<320x32xf32, #tpu.memory_space<vmem_shared>>
      tpu.enqueue_dma source(%arg18 : memref<320x32xf32, #tpu.memory_space<vmem>>) target(%dma_start3A_44 : memref<320x32xf32, #tpu.memory_space<vmem_shared>>) target_semaphore(%run_scoped3A : memref<!tpu.dma_semaphore, #tpu.memory_space<semaphore_mem>>)
      %dma_wait3A = arith.constant 0 : i32
      %dma_wait3A_45 = tpu.memref_slice %arg22[%add3A, %dma_wait3A] : memref<10240x32xf32, #tpu.memory_space<vmem_shared>> -> memref<320x32xf32, #tpu.memory_space<vmem_shared>>
      %dma_wait3A_46 = arith.constant 0 : i32
      %dma_wait3A_47 = tpu.memref_slice %arg22[%add3A, %dma_wait3A_46] : memref<10240x32xf32, #tpu.memory_space<vmem_shared>> -> memref<320x32xf32, #tpu.memory_space<vmem_shared>>
      tpu.wait_dma2 semaphore(%run_scoped3A : memref<!tpu.dma_semaphore, #tpu.memory_space<semaphore_mem>>) src(%arg18 : memref<320x32xf32, #tpu.memory_space<vmem>>) dst(%dma_wait3A_47 : memref<320x32xf32, #tpu.memory_space<vmem_shared>>)
      tpu.yield
    }) : () -> ()
    %lt3A = arith.constant 0 : i32
    %lt3A_36 = arith.cmpi slt, %scan3A_17, %lt3A : i32
    %convert_element_type3A_37 = arith.extui %lt3A_36 : i1 to i32
    %cond3A_38 = arith.constant 0 : i32
    %cond3A_39 = arith.cmpi ne, %convert_element_type3A_37, %cond3A_38 : i32
    scf.if %cond3A_39 {
      %add3A_42 = arith.constant 1 : i32
      %add3A_43 = arith.addi %scan3A_17, %add3A_42 : i32
      %and3A = arith.constant 1 : i32
      %and3A_44 = arith.andi %add3A_43, %and3A : i32
      %mul3A_45 = arith.constant 320 : i32
      %mul3A_46 = arith.muli %arg1, %mul3A_45 : i32
      "tpu.region"() ({
        %run_scoped3A = tpu.sem_alloc : memref<!tpu.dma_semaphore, #tpu.memory_space<semaphore_mem>>
        %dma_start3A = arith.constant 0 : i32
        %dma_start3A_54 = tpu.memref_slice %arg8[%and3A_44, %arg0, %mul3A_46, %dma_start3A] : memref<2x2x5120x32xf32, #tpu.memory_space<hbm>> -> memref<1x1x320x32xf32, #tpu.memory_space<hbm>>
        %dma_start3A_55 = tpu.memref_squeeze %dma_start3A_54 : memref<1x1x320x32xf32, #tpu.memory_space<hbm>> -> memref<320x32xf32, #tpu.memory_space<hbm>>
        %dma_start3A_56 = arith.constant 0 : i32
        %dma_start3A_57 = tpu.memref_slice %arg8[%and3A_44, %arg0, %mul3A_46, %dma_start3A_56] : memref<2x2x5120x32xf32, #tpu.memory_space<hbm>> -> memref<1x1x320x32xf32, #tpu.memory_space<hbm>>
        %dma_start3A_58 = tpu.memref_squeeze %dma_start3A_57 : memref<1x1x320x32xf32, #tpu.memory_space<hbm>> -> memref<320x32xf32, #tpu.memory_space<hbm>>
        tpu.enqueue_dma source(%arg18 : memref<320x32xf32, #tpu.memory_space<vmem>>) target(%dma_start3A_58 : memref<320x32xf32, #tpu.memory_space<hbm>>) target_semaphore(%run_scoped3A : memref<!tpu.dma_semaphore, #tpu.memory_space<semaphore_mem>>)
        %dma_wait3A = arith.constant 0 : i32
        %dma_wait3A_59 = tpu.memref_slice %arg8[%and3A_44, %arg0, %mul3A_46, %dma_wait3A] : memref<2x2x5120x32xf32, #tpu.memory_space<hbm>> -> memref<1x1x320x32xf32, #tpu.memory_space<hbm>>
        %dma_wait3A_60 = tpu.memref_squeeze %dma_wait3A_59 : memref<1x1x320x32xf32, #tpu.memory_space<hbm>> -> memref<320x32xf32, #tpu.memory_space<hbm>>
        %dma_wait3A_61 = arith.constant 0 : i32
        %dma_wait3A_62 = tpu.memref_slice %arg8[%and3A_44, %arg0, %mul3A_46, %dma_wait3A_61] : memref<2x2x5120x32xf32, #tpu.memory_space<hbm>> -> memref<1x1x320x32xf32, #tpu.memory_space<hbm>>
        %dma_wait3A_63 = tpu.memref_squeeze %dma_wait3A_62 : memref<1x1x320x32xf32, #tpu.memory_space<hbm>> -> memref<320x32xf32, #tpu.memory_space<hbm>>
        tpu.wait_dma2 semaphore(%run_scoped3A : memref<!tpu.dma_semaphore, #tpu.memory_space<semaphore_mem>>) src(%arg18 : memref<320x32xf32, #tpu.memory_space<vmem>>) dst(%dma_wait3A_63 : memref<320x32xf32, #tpu.memory_space<hbm>>)
        tpu.yield
      }) : () -> ()
      %add3A_47 = arith.constant 1554480641 : i32
      %add3A_48 = arith.addi %add3A_47, %scan3A_17 : i32
      %broadcast_in_dim3A = vector.broadcast %add3A_48 : i32 to vector<16xi32>
      %swap3A = arith.constant 0 : index
      %swap3A_49 = tpu.vector_load %arg20[%swap3A] {strides = array<i32>} : memref<16xi32, #tpu.memory_space<vmem>>, vector<16xi32>,
      tpu.vector_store %arg20[%swap3A], %broadcast_in_dim3A {strides = array<i32>} : memref<16xi32, #tpu.memory_space<vmem>>, vector<16xi32>,
      "tpu.region"() ({
        %run_scoped3A = tpu.sem_alloc : memref<!tpu.dma_semaphore, #tpu.memory_space<semaphore_mem>>
        %dma_start3A = arith.constant 0 : i32
        %dma_start3A_54 = tpu.memref_slice %arg9[%arg0, %arg1, %dma_start3A] : memref<2x16x16xi32, #tpu.memory_space<hbm>> -> memref<1x1x16xi32, #tpu.memory_space<hbm>>
        %dma_start3A_55 = tpu.memref_squeeze %dma_start3A_54 : memref<1x1x16xi32, #tpu.memory_space<hbm>> -> memref<16xi32, #tpu.memory_space<hbm>>
        %dma_start3A_56 = arith.constant 0 : i32
        %dma_start3A_57 = tpu.memref_slice %arg9[%arg0, %arg1, %dma_start3A_56] : memref<2x16x16xi32, #tpu.memory_space<hbm>> -> memref<1x1x16xi32, #tpu.memory_space<hbm>>
        %dma_start3A_58 = tpu.memref_squeeze %dma_start3A_57 : memref<1x1x16xi32, #tpu.memory_space<hbm>> -> memref<16xi32, #tpu.memory_space<hbm>>
        tpu.enqueue_dma source(%arg20 : memref<16xi32, #tpu.memory_space<vmem>>) target(%dma_start3A_58 : memref<16xi32, #tpu.memory_space<hbm>>) target_semaphore(%run_scoped3A : memref<!tpu.dma_semaphore, #tpu.memory_space<semaphore_mem>>)
        %dma_wait3A = arith.constant 0 : i32
        %dma_wait3A_59 = tpu.memref_slice %arg9[%arg0, %arg1, %dma_wait3A] : memref<2x16x16xi32, #tpu.memory_space<hbm>> -> memref<1x1x16xi32, #tpu.memory_space<hbm>>
        %dma_wait3A_60 = tpu.memref_squeeze %dma_wait3A_59 : memref<1x1x16xi32, #tpu.memory_space<hbm>> -> memref<16xi32, #tpu.memory_space<hbm>>
        %dma_wait3A_61 = arith.constant 0 : i32
        %dma_wait3A_62 = tpu.memref_slice %arg9[%arg0, %arg1, %dma_wait3A_61] : memref<2x16x16xi32, #tpu.memory_space<hbm>> -> memref<1x1x16xi32, #tpu.memory_space<hbm>>
        %dma_wait3A_63 = tpu.memref_squeeze %dma_wait3A_62 : memref<1x1x16xi32, #tpu.memory_space<hbm>> -> memref<16xi32, #tpu.memory_space<hbm>>
        tpu.wait_dma2 semaphore(%run_scoped3A : memref<!tpu.dma_semaphore, #tpu.memory_space<semaphore_mem>>) src(%arg20 : memref<16xi32, #tpu.memory_space<vmem>>) dst(%dma_wait3A_63 : memref<16xi32, #tpu.memory_space<hbm>>)
        tpu.yield
      }) : () -> ()
      %while3A_50 = arith.constant 0 : i32
      %while3A_51 = scf.while (%while3A_54 = %while3A_50) : (i32) -> i32 {
        %add3A_55 = arith.constant 1554480641 : i32
        %add3A_56 = arith.addi %add3A_55, %scan3A_17 : i32
        %ne3A = arith.cmpi ne, %while3A_54, %add3A_56 : i32
        scf.condition(%ne3A) %while3A_54 : i32
      } do {
      ^bb0(%while3A_54: i32):
        "tpu.region"() ({
          %run_scoped3A = tpu.sem_alloc : memref<!tpu.dma_semaphore, #tpu.memory_space<semaphore_mem>>
          %dma_start3A = arith.constant 0 : i32
          %dma_start3A_59 = tpu.memref_slice %arg9[%sub3A_0, %arg1, %dma_start3A] : memref<2x16x16xi32, #tpu.memory_space<hbm>> -> memref<1x1x16xi32, #tpu.memory_space<hbm>>
          %dma_start3A_60 = tpu.memref_squeeze %dma_start3A_59 : memref<1x1x16xi32, #tpu.memory_space<hbm>> -> memref<16xi32, #tpu.memory_space<hbm>>
          %dma_start3A_61 = arith.constant 0 : i32
          %dma_start3A_62 = tpu.memref_slice %arg9[%sub3A_0, %arg1, %dma_start3A_61] : memref<2x16x16xi32, #tpu.memory_space<hbm>> -> memref<1x1x16xi32, #tpu.memory_space<hbm>>
          %dma_start3A_63 = tpu.memref_squeeze %dma_start3A_62 : memref<1x1x16xi32, #tpu.memory_space<hbm>> -> memref<16xi32, #tpu.memory_space<hbm>>
          tpu.enqueue_dma source(%dma_start3A_63 : memref<16xi32, #tpu.memory_space<hbm>>) target(%arg20 : memref<16xi32, #tpu.memory_space<vmem>>) target_semaphore(%run_scoped3A : memref<!tpu.dma_semaphore, #tpu.memory_space<semaphore_mem>>)
          %dma_wait3A = arith.constant 0 : i32
          %dma_wait3A_64 = tpu.memref_slice %arg9[%sub3A_0, %arg1, %dma_wait3A] : memref<2x16x16xi32, #tpu.memory_space<hbm>> -> memref<1x1x16xi32, #tpu.memory_space<hbm>>
          %dma_wait3A_65 = tpu.memref_squeeze %dma_wait3A_64 : memref<1x1x16xi32, #tpu.memory_space<hbm>> -> memref<16xi32, #tpu.memory_space<hbm>>
          %dma_wait3A_66 = arith.constant 0 : i32
          %dma_wait3A_67 = tpu.memref_slice %arg9[%sub3A_0, %arg1, %dma_wait3A_66] : memref<2x16x16xi32, #tpu.memory_space<hbm>> -> memref<1x1x16xi32, #tpu.memory_space<hbm>>
          %dma_wait3A_68 = tpu.memref_squeeze %dma_wait3A_67 : memref<1x1x16xi32, #tpu.memory_space<hbm>> -> memref<16xi32, #tpu.memory_space<hbm>>
          tpu.wait_dma2 semaphore(%run_scoped3A : memref<!tpu.dma_semaphore, #tpu.memory_space<semaphore_mem>>) src(%dma_wait3A_68 : memref<16xi32, #tpu.memory_space<hbm>>) dst(%arg20 : memref<16xi32, #tpu.memory_space<vmem>>)
          tpu.yield
        }) : () -> ()
        %get3A_55 = arith.constant 0 : index
        %get3A_56 = tpu.vector_load %arg20[%get3A_55] {strides = array<i32>} : memref<16xi32, #tpu.memory_space<vmem>>, vector<16xi32>,
        %slice3A_57 = vector.extract_strided_slice %get3A_56 {offsets = [0], sizes = [1], strides = [1]} : vector<16xi32> to vector<1xi32>
        %squeeze3A_58 = vector.extract %slice3A_57[0] : i32 from vector<1xi32>
        scf.yield %squeeze3A_58 : i32
      }
      %mul3A_52 = arith.constant 320 : i32
      %mul3A_53 = arith.muli %arg1, %mul3A_52 : i32
      "tpu.region"() ({
        %run_scoped3A = tpu.sem_alloc : memref<!tpu.dma_semaphore, #tpu.memory_space<semaphore_mem>>
        %dma_start3A = arith.constant 0 : i32
        %dma_start3A_54 = tpu.memref_slice %arg21[%add3A_8, %dma_start3A] : memref<10240x32xf32, #tpu.memory_space<vmem_shared>> -> memref<320x32xf32, #tpu.memory_space<vmem_shared>>
        %dma_start3A_55 = arith.constant 0 : i32
        %dma_start3A_56 = tpu.memref_slice %arg8[%and3A_44, %sub3A_0, %mul3A_53, %dma_start3A_55] : memref<2x2x5120x32xf32, #tpu.memory_space<hbm>> -> memref<1x1x320x32xf32, #tpu.memory_space<hbm>>
        %dma_start3A_57 = tpu.memref_squeeze %dma_start3A_56 : memref<1x1x320x32xf32, #tpu.memory_space<hbm>> -> memref<320x32xf32, #tpu.memory_space<hbm>>
        tpu.enqueue_dma source(%dma_start3A_57 : memref<320x32xf32, #tpu.memory_space<hbm>>) target(%dma_start3A_54 : memref<320x32xf32, #tpu.memory_space<vmem_shared>>) target_semaphore(%run_scoped3A : memref<!tpu.dma_semaphore, #tpu.memory_space<semaphore_mem>>)
        %dma_wait3A = arith.constant 0 : i32
        %dma_wait3A_58 = tpu.memref_slice %arg21[%add3A_8, %dma_wait3A] : memref<10240x32xf32, #tpu.memory_space<vmem_shared>> -> memref<320x32xf32, #tpu.memory_space<vmem_shared>>
        %dma_wait3A_59 = arith.constant 0 : i32
        %dma_wait3A_60 = tpu.memref_slice %arg8[%and3A_44, %sub3A_0, %mul3A_53, %dma_wait3A_59] : memref<2x2x5120x32xf32, #tpu.memory_space<hbm>> -> memref<1x1x320x32xf32, #tpu.memory_space<hbm>>
        %dma_wait3A_61 = tpu.memref_squeeze %dma_wait3A_60 : memref<1x1x320x32xf32, #tpu.memory_space<hbm>> -> memref<320x32xf32, #tpu.memory_space<hbm>>
        tpu.wait_dma2 semaphore(%run_scoped3A : memref<!tpu.dma_semaphore, #tpu.memory_space<semaphore_mem>>) src(%dma_wait3A_61 : memref<320x32xf32, #tpu.memory_space<hbm>>) dst(%dma_wait3A_58 : memref<320x32xf32, #tpu.memory_space<vmem_shared>>)
        tpu.yield
      }) : () -> ()
    } else {
    }
    %barrier3A_40 = arith.constant 0 : index
    tpu.barrier barrier_id(%barrier3A_40)
    %scan3A_41 = arith.constant 1 : i32
    "tpu.region"() ({
      %run_scoped3A = tpu.sem_alloc : memref<!tpu.dma_semaphore, #tpu.memory_space<semaphore_mem>>
      %dma_start3A = arith.constant 0 : i32
      %dma_start3A_42 = tpu.memref_slice %arg10[%add3A, %dma_start3A] : memref<10240x32xf32, #tpu.memory_space<hbm>> -> memref<320x32xf32, #tpu.memory_space<hbm>>
      %dma_start3A_43 = arith.constant 0 : i32
      %dma_start3A_44 = tpu.memref_slice %arg10[%add3A, %dma_start3A_43] : memref<10240x32xf32, #tpu.memory_space<hbm>> -> memref<320x32xf32, #tpu.memory_space<hbm>>
      tpu.enqueue_dma source(%arg18 : memref<320x32xf32, #tpu.memory_space<vmem>>) target(%dma_start3A_44 : memref<320x32xf32, #tpu.memory_space<hbm>>) target_semaphore(%run_scoped3A : memref<!tpu.dma_semaphore, #tpu.memory_space<semaphore_mem>>)
      %dma_wait3A = arith.constant 0 : i32
      %dma_wait3A_45 = tpu.memref_slice %arg10[%add3A, %dma_wait3A] : memref<10240x32xf32, #tpu.memory_space<hbm>> -> memref<320x32xf32, #tpu.memory_space<hbm>>
      %dma_wait3A_46 = arith.constant 0 : i32
      %dma_wait3A_47 = tpu.memref_slice %arg10[%add3A, %dma_wait3A_46] : memref<10240x32xf32, #tpu.memory_space<hbm>> -> memref<320x32xf32, #tpu.memory_space<hbm>>
      tpu.wait_dma2 semaphore(%run_scoped3A : memref<!tpu.dma_semaphore, #tpu.memory_space<semaphore_mem>>) src(%arg18 : memref<320x32xf32, #tpu.memory_space<vmem>>) dst(%dma_wait3A_47 : memref<320x32xf32, #tpu.memory_space<hbm>>)
      tpu.yield
    }) : () -> ()
    return
  }
}

#map = affine_map<(d0, d1) -> (0, 0)>
#map1 = affine_map<(d0, d1) -> (0, 0, 0, 0)>
#map2 = affine_map<(d0, d1) -> (0, 0, 0)>
module attributes {stable_mosaic.version = 14 : i64} {
  func.func @_part_body(%arg0: i32, %arg1: i32, %arg2: memref<32x10240xi32, #tpu.memory_space<hbm>>, %arg3: memref<32x10240xi32, #tpu.memory_space<hbm>>, %arg4: memref<144x128xi32, #tpu.memory_space<hbm>>, %arg5: memref<2x16x144x128xi32, #tpu.memory_space<hbm>>, %arg6: memref<2x16x144x128xi32, #tpu.memory_space<hbm>>, %arg7: memref<2x16x16xi32, #tpu.memory_space<hbm>>, %arg8: memref<10240xi32, #tpu.memory_space<vmem>>, %arg9: memref<10240xi32, #tpu.memory_space<vmem>>, %arg10: memref<144x128xi32, #tpu.memory_space<vmem>>, %arg11: memref<144x128xi32, #tpu.memory_space<vmem>>, %arg12: memref<16xi32, #tpu.memory_space<vmem>>) attributes {dimension_semantics = [#tpu.dimension_semantics<core_parallel>, #tpu.dimension_semantics<subcore_parallel>], iteration_bounds = array<i64: 2, 16>, scalar_prefetch = 0 : i64, scratch_operands = 5 : i64, tpu.core_type = #tpu.core_type<sc_vector_subcore>, window_params = [{transform_indices = #map}, {transform_indices = #map}, {transform_indices = #map}, {transform_indices = #map1}, {transform_indices = #map1}, {transform_indices = #map2}]} {
    %mul3A = arith.constant 5120 : i32
    %mul3A_0 = arith.muli %arg0, %mul3A : i32
    %broadcast_in_dim3A = vector.broadcast %mul3A_0 : i32 to vector<16xi32>
    "tpu.region"() ({
      %run_scoped3A = tpu.sem_alloc : memref<!tpu.dma_semaphore, #tpu.memory_space<semaphore_mem>>
      tpu.enqueue_dma source(%arg4 : memref<144x128xi32, #tpu.memory_space<hbm>>) target(%arg10 : memref<144x128xi32, #tpu.memory_space<vmem>>) target_semaphore(%run_scoped3A : memref<!tpu.dma_semaphore, #tpu.memory_space<semaphore_mem>>)
      tpu.wait_dma2 semaphore(%run_scoped3A : memref<!tpu.dma_semaphore, #tpu.memory_space<semaphore_mem>>) src(%arg4 : memref<144x128xi32, #tpu.memory_space<hbm>>) dst(%arg10 : memref<144x128xi32, #tpu.memory_space<vmem>>)
      tpu.yield
    }) : () -> ()
    "tpu.region"() ({
      %run_scoped3A = tpu.sem_alloc : memref<!tpu.dma_semaphore, #tpu.memory_space<semaphore_mem>>
      tpu.enqueue_dma source(%arg4 : memref<144x128xi32, #tpu.memory_space<hbm>>) target(%arg11 : memref<144x128xi32, #tpu.memory_space<vmem>>) target_semaphore(%run_scoped3A : memref<!tpu.dma_semaphore, #tpu.memory_space<semaphore_mem>>)
      tpu.wait_dma2 semaphore(%run_scoped3A : memref<!tpu.dma_semaphore, #tpu.memory_space<semaphore_mem>>) src(%arg4 : memref<144x128xi32, #tpu.memory_space<hbm>>) dst(%arg11 : memref<144x128xi32, #tpu.memory_space<vmem>>)
      tpu.yield
    }) : () -> ()
    %broadcast_in_dim3A_1 = arith.constant 0 : i32
    %broadcast_in_dim3A_2 = vector.broadcast %broadcast_in_dim3A_1 : i32 to vector<16xi32>
    %add3A = arith.constant 0 : i32
    %add3A_3 = arith.addi %arg1, %add3A : i32
    "tpu.region"() ({
      %run_scoped3A = tpu.sem_alloc : memref<!tpu.dma_semaphore, #tpu.memory_space<semaphore_mem>>
      %dma_start3A = arith.constant 0 : i32
      %dma_start3A_18 = tpu.memref_slice %arg2[%add3A_3, %dma_start3A] : memref<32x10240xi32, #tpu.memory_space<hbm>> -> memref<1x10240xi32, #tpu.memory_space<hbm>>
      %dma_start3A_19 = tpu.memref_squeeze %dma_start3A_18 : memref<1x10240xi32, #tpu.memory_space<hbm>> -> memref<10240xi32, #tpu.memory_space<hbm>>
      %dma_start3A_20 = arith.constant 0 : i32
      %dma_start3A_21 = tpu.memref_slice %arg2[%add3A_3, %dma_start3A_20] : memref<32x10240xi32, #tpu.memory_space<hbm>> -> memref<1x10240xi32, #tpu.memory_space<hbm>>
      %dma_start3A_22 = tpu.memref_squeeze %dma_start3A_21 : memref<1x10240xi32, #tpu.memory_space<hbm>> -> memref<10240xi32, #tpu.memory_space<hbm>>
      tpu.enqueue_dma source(%dma_start3A_22 : memref<10240xi32, #tpu.memory_space<hbm>>) target(%arg8 : memref<10240xi32, #tpu.memory_space<vmem>>) target_semaphore(%run_scoped3A : memref<!tpu.dma_semaphore, #tpu.memory_space<semaphore_mem>>)
      %dma_wait3A = arith.constant 0 : i32
      %dma_wait3A_23 = tpu.memref_slice %arg2[%add3A_3, %dma_wait3A] : memref<32x10240xi32, #tpu.memory_space<hbm>> -> memref<1x10240xi32, #tpu.memory_space<hbm>>
      %dma_wait3A_24 = tpu.memref_squeeze %dma_wait3A_23 : memref<1x10240xi32, #tpu.memory_space<hbm>> -> memref<10240xi32, #tpu.memory_space<hbm>>
      %dma_wait3A_25 = arith.constant 0 : i32
      %dma_wait3A_26 = tpu.memref_slice %arg2[%add3A_3, %dma_wait3A_25] : memref<32x10240xi32, #tpu.memory_space<hbm>> -> memref<1x10240xi32, #tpu.memory_space<hbm>>
      %dma_wait3A_27 = tpu.memref_squeeze %dma_wait3A_26 : memref<1x10240xi32, #tpu.memory_space<hbm>> -> memref<10240xi32, #tpu.memory_space<hbm>>
      tpu.wait_dma2 semaphore(%run_scoped3A : memref<!tpu.dma_semaphore, #tpu.memory_space<semaphore_mem>>) src(%dma_wait3A_27 : memref<10240xi32, #tpu.memory_space<hbm>>) dst(%arg8 : memref<10240xi32, #tpu.memory_space<vmem>>)
      tpu.yield
    }) : () -> ()
    "tpu.region"() ({
      %run_scoped3A = tpu.sem_alloc : memref<!tpu.dma_semaphore, #tpu.memory_space<semaphore_mem>>
      %dma_start3A = arith.constant 0 : i32
      %dma_start3A_18 = tpu.memref_slice %arg3[%add3A_3, %dma_start3A] : memref<32x10240xi32, #tpu.memory_space<hbm>> -> memref<1x10240xi32, #tpu.memory_space<hbm>>
      %dma_start3A_19 = tpu.memref_squeeze %dma_start3A_18 : memref<1x10240xi32, #tpu.memory_space<hbm>> -> memref<10240xi32, #tpu.memory_space<hbm>>
      %dma_start3A_20 = arith.constant 0 : i32
      %dma_start3A_21 = tpu.memref_slice %arg3[%add3A_3, %dma_start3A_20] : memref<32x10240xi32, #tpu.memory_space<hbm>> -> memref<1x10240xi32, #tpu.memory_space<hbm>>
      %dma_start3A_22 = tpu.memref_squeeze %dma_start3A_21 : memref<1x10240xi32, #tpu.memory_space<hbm>> -> memref<10240xi32, #tpu.memory_space<hbm>>
      tpu.enqueue_dma source(%dma_start3A_22 : memref<10240xi32, #tpu.memory_space<hbm>>) target(%arg9 : memref<10240xi32, #tpu.memory_space<vmem>>) target_semaphore(%run_scoped3A : memref<!tpu.dma_semaphore, #tpu.memory_space<semaphore_mem>>)
      %dma_wait3A = arith.constant 0 : i32
      %dma_wait3A_23 = tpu.memref_slice %arg3[%add3A_3, %dma_wait3A] : memref<32x10240xi32, #tpu.memory_space<hbm>> -> memref<1x10240xi32, #tpu.memory_space<hbm>>
      %dma_wait3A_24 = tpu.memref_squeeze %dma_wait3A_23 : memref<1x10240xi32, #tpu.memory_space<hbm>> -> memref<10240xi32, #tpu.memory_space<hbm>>
      %dma_wait3A_25 = arith.constant 0 : i32
      %dma_wait3A_26 = tpu.memref_slice %arg3[%add3A_3, %dma_wait3A_25] : memref<32x10240xi32, #tpu.memory_space<hbm>> -> memref<1x10240xi32, #tpu.memory_space<hbm>>
      %dma_wait3A_27 = tpu.memref_squeeze %dma_wait3A_26 : memref<1x10240xi32, #tpu.memory_space<hbm>> -> memref<10240xi32, #tpu.memory_space<hbm>>
      tpu.wait_dma2 semaphore(%run_scoped3A : memref<!tpu.dma_semaphore, #tpu.memory_space<semaphore_mem>>) src(%dma_wait3A_27 : memref<10240xi32, #tpu.memory_space<hbm>>) dst(%arg9 : memref<10240xi32, #tpu.memory_space<vmem>>)
      tpu.yield
    }) : () -> ()
    %scan3A = arith.constant 0 : i32
    %scan3A_4 = arith.constant 640 : i32
    %scan3A_5 = arith.addi %scan3A, %scan3A_4 : i32
    %scan3A_6 = arith.constant 1 : i32
    %scan3A_7 = scf.for %scan3A_18 = %scan3A to %scan3A_5 step %scan3A_6 iter_args(%scan3A_19 = %broadcast_in_dim3A_2) -> (vector<16xi32>)  : i32 {
      %mul3A_20 = arith.constant 16 : i32
      %mul3A_21 = arith.muli %scan3A_18, %mul3A_20 : i32
      %get3A = arith.index_cast %mul3A_21 : i32 to index
      %get3A_22 = tpu.vector_load %arg8[%get3A] {strides = array<i32>} : memref<10240xi32, #tpu.memory_space<vmem>>, vector<16xi32>,
      %mul3A_23 = arith.constant 16 : i32
      %mul3A_24 = arith.muli %scan3A_18, %mul3A_23 : i32
      %get3A_25 = arith.index_cast %mul3A_24 : i32 to index
      %get3A_26 = tpu.vector_load %arg9[%get3A_25] {strides = array<i32>} : memref<10240xi32, #tpu.memory_space<vmem>>, vector<16xi32>,
      %sub3A = arith.subi %get3A_26, %broadcast_in_dim3A : vector<16xi32>
      %ge3A = arith.constant 0 : i32
      %ge3A_27 = vector.broadcast %ge3A : i32 to vector<16xi32>
      %ge3A_28 = arith.cmpi sge, %sub3A, %ge3A_27 : vector<16xi32>
      %lt3A = arith.constant 5120 : i32
      %lt3A_29 = vector.broadcast %lt3A : i32 to vector<16xi32>
      %lt3A_30 = arith.cmpi slt, %sub3A, %lt3A_29 : vector<16xi32>
      %and3A = arith.andi %ge3A_28, %lt3A_30 : vector<16xi1>
      %jit3A = arith.constant 1 : i32
      %jit3A_31 = arith.constant 0 : i32
      %broadcast_in_dim3A_32 = vector.broadcast %jit3A : i32 to vector<16xi32>
      %broadcast_in_dim3A_33 = vector.broadcast %jit3A_31 : i32 to vector<16xi32>
      %select_n3A = arith.select %and3A, %broadcast_in_dim3A_32, %broadcast_in_dim3A_33 : vector<16xi1>, vector<16xi32>
      %broadcast_in_dim3A_34 = arith.constant true
      %broadcast_in_dim3A_35 = vector.broadcast %broadcast_in_dim3A_34 : i1 to vector<16xi1>
      %masked_cumsum3A = tpu.scan <sum>, %select_n3A masked %broadcast_in_dim3A_35 : vector<16xi32>, vector<16xi1> -> vector<16xi32>
      %add3A_36 = arith.addi %scan3A_19, %masked_cumsum3A : vector<16xi32>
      %sub3A_37 = arith.constant 1 : i32
      %sub3A_38 = vector.broadcast %sub3A_37 : i32 to vector<16xi32>
      %sub3A_39 = arith.subi %add3A_36, %sub3A_38 : vector<16xi32>
      %shift_right_logical3A = arith.constant 7 : i32
      %shift_right_logical3A_40 = vector.broadcast %shift_right_logical3A : i32 to vector<16xi32>
      %shift_right_logical3A_41 = arith.shrui %sub3A_39, %shift_right_logical3A_40 : vector<16xi32>
      %and3A_42 = arith.constant 127 : i32
      %and3A_43 = vector.broadcast %and3A_42 : i32 to vector<16xi32>
      %and3A_44 = arith.andi %sub3A_39, %and3A_43 : vector<16xi32>
      tpu.vector_store_idx %arg10[%shift_right_logical3A_41, %and3A_44], %get3A_22 masked %and3A : memref<144x128xi32, #tpu.memory_space<vmem>>[vector<16xi32>, vector<16xi32>], vector<16xi32>, vector<16xi1>
      tpu.vector_store_idx %arg11[%shift_right_logical3A_41, %and3A_44], %get3A_26 masked %and3A : memref<144x128xi32, #tpu.memory_space<vmem>>[vector<16xi32>, vector<16xi32>], vector<16xi32>, vector<16xi1>
      %all_reduce_population_count3A = tpu.all_reduce %and3A {dim = 0 : i64, kind = #tpu.reduction_kind<sum>} : vector<16xi1> -> vector<16xi32>
      %add3A_45 = arith.addi %scan3A_19, %all_reduce_population_count3A : vector<16xi32>
      scf.yield %add3A_45 : vector<16xi32>
    }
    %scan3A_8 = arith.constant 640 : i32
    %add3A_9 = arith.constant 16 : i32
    %add3A_10 = arith.addi %arg1, %add3A_9 : i32
    "tpu.region"() ({
      %run_scoped3A = tpu.sem_alloc : memref<!tpu.dma_semaphore, #tpu.memory_space<semaphore_mem>>
      %dma_start3A = arith.constant 0 : i32
      %dma_start3A_18 = tpu.memref_slice %arg2[%add3A_10, %dma_start3A] : memref<32x10240xi32, #tpu.memory_space<hbm>> -> memref<1x10240xi32, #tpu.memory_space<hbm>>
      %dma_start3A_19 = tpu.memref_squeeze %dma_start3A_18 : memref<1x10240xi32, #tpu.memory_space<hbm>> -> memref<10240xi32, #tpu.memory_space<hbm>>
      %dma_start3A_20 = arith.constant 0 : i32
      %dma_start3A_21 = tpu.memref_slice %arg2[%add3A_10, %dma_start3A_20] : memref<32x10240xi32, #tpu.memory_space<hbm>> -> memref<1x10240xi32, #tpu.memory_space<hbm>>
      %dma_start3A_22 = tpu.memref_squeeze %dma_start3A_21 : memref<1x10240xi32, #tpu.memory_space<hbm>> -> memref<10240xi32, #tpu.memory_space<hbm>>
      tpu.enqueue_dma source(%dma_start3A_22 : memref<10240xi32, #tpu.memory_space<hbm>>) target(%arg8 : memref<10240xi32, #tpu.memory_space<vmem>>) target_semaphore(%run_scoped3A : memref<!tpu.dma_semaphore, #tpu.memory_space<semaphore_mem>>)
      %dma_wait3A = arith.constant 0 : i32
      %dma_wait3A_23 = tpu.memref_slice %arg2[%add3A_10, %dma_wait3A] : memref<32x10240xi32, #tpu.memory_space<hbm>> -> memref<1x10240xi32, #tpu.memory_space<hbm>>
      %dma_wait3A_24 = tpu.memref_squeeze %dma_wait3A_23 : memref<1x10240xi32, #tpu.memory_space<hbm>> -> memref<10240xi32, #tpu.memory_space<hbm>>
      %dma_wait3A_25 = arith.constant 0 : i32
      %dma_wait3A_26 = tpu.memref_slice %arg2[%add3A_10, %dma_wait3A_25] : memref<32x10240xi32, #tpu.memory_space<hbm>> -> memref<1x10240xi32, #tpu.memory_space<hbm>>
      %dma_wait3A_27 = tpu.memref_squeeze %dma_wait3A_26 : memref<1x10240xi32, #tpu.memory_space<hbm>> -> memref<10240xi32, #tpu.memory_space<hbm>>
      tpu.wait_dma2 semaphore(%run_scoped3A : memref<!tpu.dma_semaphore, #tpu.memory_space<semaphore_mem>>) src(%dma_wait3A_27 : memref<10240xi32, #tpu.memory_space<hbm>>) dst(%arg8 : memref<10240xi32, #tpu.memory_space<vmem>>)
      tpu.yield
    }) : () -> ()
    "tpu.region"() ({
      %run_scoped3A = tpu.sem_alloc : memref<!tpu.dma_semaphore, #tpu.memory_space<semaphore_mem>>
      %dma_start3A = arith.constant 0 : i32
      %dma_start3A_18 = tpu.memref_slice %arg3[%add3A_10, %dma_start3A] : memref<32x10240xi32, #tpu.memory_space<hbm>> -> memref<1x10240xi32, #tpu.memory_space<hbm>>
      %dma_start3A_19 = tpu.memref_squeeze %dma_start3A_18 : memref<1x10240xi32, #tpu.memory_space<hbm>> -> memref<10240xi32, #tpu.memory_space<hbm>>
      %dma_start3A_20 = arith.constant 0 : i32
      %dma_start3A_21 = tpu.memref_slice %arg3[%add3A_10, %dma_start3A_20] : memref<32x10240xi32, #tpu.memory_space<hbm>> -> memref<1x10240xi32, #tpu.memory_space<hbm>>
      %dma_start3A_22 = tpu.memref_squeeze %dma_start3A_21 : memref<1x10240xi32, #tpu.memory_space<hbm>> -> memref<10240xi32, #tpu.memory_space<hbm>>
      tpu.enqueue_dma source(%dma_start3A_22 : memref<10240xi32, #tpu.memory_space<hbm>>) target(%arg9 : memref<10240xi32, #tpu.memory_space<vmem>>) target_semaphore(%run_scoped3A : memref<!tpu.dma_semaphore, #tpu.memory_space<semaphore_mem>>)
      %dma_wait3A = arith.constant 0 : i32
      %dma_wait3A_23 = tpu.memref_slice %arg3[%add3A_10, %dma_wait3A] : memref<32x10240xi32, #tpu.memory_space<hbm>> -> memref<1x10240xi32, #tpu.memory_space<hbm>>
      %dma_wait3A_24 = tpu.memref_squeeze %dma_wait3A_23 : memref<1x10240xi32, #tpu.memory_space<hbm>> -> memref<10240xi32, #tpu.memory_space<hbm>>
      %dma_wait3A_25 = arith.constant 0 : i32
      %dma_wait3A_26 = tpu.memref_slice %arg3[%add3A_10, %dma_wait3A_25] : memref<32x10240xi32, #tpu.memory_space<hbm>> -> memref<1x10240xi32, #tpu.memory_space<hbm>>
      %dma_wait3A_27 = tpu.memref_squeeze %dma_wait3A_26 : memref<1x10240xi32, #tpu.memory_space<hbm>> -> memref<10240xi32, #tpu.memory_space<hbm>>
      tpu.wait_dma2 semaphore(%run_scoped3A : memref<!tpu.dma_semaphore, #tpu.memory_space<semaphore_mem>>) src(%dma_wait3A_27 : memref<10240xi32, #tpu.memory_space<hbm>>) dst(%arg9 : memref<10240xi32, #tpu.memory_space<vmem>>)
      tpu.yield
    }) : () -> ()
    %scan3A_11 = arith.constant 0 : i32
    %scan3A_12 = arith.constant 640 : i32
    %scan3A_13 = arith.addi %scan3A_11, %scan3A_12 : i32
    %scan3A_14 = arith.constant 1 : i32
    %scan3A_15 = scf.for %scan3A_18 = %scan3A_11 to %scan3A_13 step %scan3A_14 iter_args(%scan3A_19 = %scan3A_7) -> (vector<16xi32>)  : i32 {
      %mul3A_20 = arith.constant 16 : i32
      %mul3A_21 = arith.muli %scan3A_18, %mul3A_20 : i32
      %get3A = arith.index_cast %mul3A_21 : i32 to index
      %get3A_22 = tpu.vector_load %arg8[%get3A] {strides = array<i32>} : memref<10240xi32, #tpu.memory_space<vmem>>, vector<16xi32>,
      %mul3A_23 = arith.constant 16 : i32
      %mul3A_24 = arith.muli %scan3A_18, %mul3A_23 : i32
      %get3A_25 = arith.index_cast %mul3A_24 : i32 to index
      %get3A_26 = tpu.vector_load %arg9[%get3A_25] {strides = array<i32>} : memref<10240xi32, #tpu.memory_space<vmem>>, vector<16xi32>,
      %sub3A = arith.subi %get3A_26, %broadcast_in_dim3A : vector<16xi32>
      %ge3A = arith.constant 0 : i32
      %ge3A_27 = vector.broadcast %ge3A : i32 to vector<16xi32>
      %ge3A_28 = arith.cmpi sge, %sub3A, %ge3A_27 : vector<16xi32>
      %lt3A = arith.constant 5120 : i32
      %lt3A_29 = vector.broadcast %lt3A : i32 to vector<16xi32>
      %lt3A_30 = arith.cmpi slt, %sub3A, %lt3A_29 : vector<16xi32>
      %and3A = arith.andi %ge3A_28, %lt3A_30 : vector<16xi1>
      %jit3A = arith.constant 1 : i32
      %jit3A_31 = arith.constant 0 : i32
      %broadcast_in_dim3A_32 = vector.broadcast %jit3A : i32 to vector<16xi32>
      %broadcast_in_dim3A_33 = vector.broadcast %jit3A_31 : i32 to vector<16xi32>
      %select_n3A = arith.select %and3A, %broadcast_in_dim3A_32, %broadcast_in_dim3A_33 : vector<16xi1>, vector<16xi32>
      %broadcast_in_dim3A_34 = arith.constant true
      %broadcast_in_dim3A_35 = vector.broadcast %broadcast_in_dim3A_34 : i1 to vector<16xi1>
      %masked_cumsum3A = tpu.scan <sum>, %select_n3A masked %broadcast_in_dim3A_35 : vector<16xi32>, vector<16xi1> -> vector<16xi32>
      %add3A_36 = arith.addi %scan3A_19, %masked_cumsum3A : vector<16xi32>
      %sub3A_37 = arith.constant 1 : i32
      %sub3A_38 = vector.broadcast %sub3A_37 : i32 to vector<16xi32>
      %sub3A_39 = arith.subi %add3A_36, %sub3A_38 : vector<16xi32>
      %shift_right_logical3A = arith.constant 7 : i32
      %shift_right_logical3A_40 = vector.broadcast %shift_right_logical3A : i32 to vector<16xi32>
      %shift_right_logical3A_41 = arith.shrui %sub3A_39, %shift_right_logical3A_40 : vector<16xi32>
      %and3A_42 = arith.constant 127 : i32
      %and3A_43 = vector.broadcast %and3A_42 : i32 to vector<16xi32>
      %and3A_44 = arith.andi %sub3A_39, %and3A_43 : vector<16xi32>
      tpu.vector_store_idx %arg10[%shift_right_logical3A_41, %and3A_44], %get3A_22 masked %and3A : memref<144x128xi32, #tpu.memory_space<vmem>>[vector<16xi32>, vector<16xi32>], vector<16xi32>, vector<16xi1>
      tpu.vector_store_idx %arg11[%shift_right_logical3A_41, %and3A_44], %get3A_26 masked %and3A : memref<144x128xi32, #tpu.memory_space<vmem>>[vector<16xi32>, vector<16xi32>], vector<16xi32>, vector<16xi1>
      %all_reduce_population_count3A = tpu.all_reduce %and3A {dim = 0 : i64, kind = #tpu.reduction_kind<sum>} : vector<16xi1> -> vector<16xi32>
      %add3A_45 = arith.addi %scan3A_19, %all_reduce_population_count3A : vector<16xi32>
      scf.yield %add3A_45 : vector<16xi32>
    }
    %scan3A_16 = arith.constant 640 : i32
    %swap3A = arith.constant 0 : index
    %swap3A_17 = tpu.vector_load %arg12[%swap3A] {strides = array<i32>} : memref<16xi32, #tpu.memory_space<vmem>>, vector<16xi32>,
    tpu.vector_store %arg12[%swap3A], %scan3A_15 {strides = array<i32>} : memref<16xi32, #tpu.memory_space<vmem>>, vector<16xi32>,
    "tpu.region"() ({
      %run_scoped3A = tpu.sem_alloc : memref<!tpu.dma_semaphore, #tpu.memory_space<semaphore_mem>>
      %dma_start3A = arith.constant 0 : i32
      %dma_start3A_18 = arith.constant 0 : i32
      %dma_start3A_19 = tpu.memref_slice %arg5[%arg0, %arg1, %dma_start3A, %dma_start3A_18] : memref<2x16x144x128xi32, #tpu.memory_space<hbm>> -> memref<1x1x144x128xi32, #tpu.memory_space<hbm>>
      %dma_start3A_20 = tpu.memref_squeeze %dma_start3A_19 : memref<1x1x144x128xi32, #tpu.memory_space<hbm>> -> memref<144x128xi32, #tpu.memory_space<hbm>>
      %dma_start3A_21 = arith.constant 0 : i32
      %dma_start3A_22 = arith.constant 0 : i32
      %dma_start3A_23 = tpu.memref_slice %arg5[%arg0, %arg1, %dma_start3A_21, %dma_start3A_22] : memref<2x16x144x128xi32, #tpu.memory_space<hbm>> -> memref<1x1x144x128xi32, #tpu.memory_space<hbm>>
      %dma_start3A_24 = tpu.memref_squeeze %dma_start3A_23 : memref<1x1x144x128xi32, #tpu.memory_space<hbm>> -> memref<144x128xi32, #tpu.memory_space<hbm>>
      tpu.enqueue_dma source(%arg10 : memref<144x128xi32, #tpu.memory_space<vmem>>) target(%dma_start3A_24 : memref<144x128xi32, #tpu.memory_space<hbm>>) target_semaphore(%run_scoped3A : memref<!tpu.dma_semaphore, #tpu.memory_space<semaphore_mem>>)
      %dma_wait3A = arith.constant 0 : i32
      %dma_wait3A_25 = arith.constant 0 : i32
      %dma_wait3A_26 = tpu.memref_slice %arg5[%arg0, %arg1, %dma_wait3A, %dma_wait3A_25] : memref<2x16x144x128xi32, #tpu.memory_space<hbm>> -> memref<1x1x144x128xi32, #tpu.memory_space<hbm>>
      %dma_wait3A_27 = tpu.memref_squeeze %dma_wait3A_26 : memref<1x1x144x128xi32, #tpu.memory_space<hbm>> -> memref<144x128xi32, #tpu.memory_space<hbm>>
      %dma_wait3A_28 = arith.constant 0 : i32
      %dma_wait3A_29 = arith.constant 0 : i32
      %dma_wait3A_30 = tpu.memref_slice %arg5[%arg0, %arg1, %dma_wait3A_28, %dma_wait3A_29] : memref<2x16x144x128xi32, #tpu.memory_space<hbm>> -> memref<1x1x144x128xi32, #tpu.memory_space<hbm>>
      %dma_wait3A_31 = tpu.memref_squeeze %dma_wait3A_30 : memref<1x1x144x128xi32, #tpu.memory_space<hbm>> -> memref<144x128xi32, #tpu.memory_space<hbm>>
      tpu.wait_dma2 semaphore(%run_scoped3A : memref<!tpu.dma_semaphore, #tpu.memory_space<semaphore_mem>>) src(%arg10 : memref<144x128xi32, #tpu.memory_space<vmem>>) dst(%dma_wait3A_31 : memref<144x128xi32, #tpu.memory_space<hbm>>)
      tpu.yield
    }) : () -> ()
    "tpu.region"() ({
      %run_scoped3A = tpu.sem_alloc : memref<!tpu.dma_semaphore, #tpu.memory_space<semaphore_mem>>
      %dma_start3A = arith.constant 0 : i32
      %dma_start3A_18 = arith.constant 0 : i32
      %dma_start3A_19 = tpu.memref_slice %arg6[%arg0, %arg1, %dma_start3A, %dma_start3A_18] : memref<2x16x144x128xi32, #tpu.memory_space<hbm>> -> memref<1x1x144x128xi32, #tpu.memory_space<hbm>>
      %dma_start3A_20 = tpu.memref_squeeze %dma_start3A_19 : memref<1x1x144x128xi32, #tpu.memory_space<hbm>> -> memref<144x128xi32, #tpu.memory_space<hbm>>
      %dma_start3A_21 = arith.constant 0 : i32
      %dma_start3A_22 = arith.constant 0 : i32
      %dma_start3A_23 = tpu.memref_slice %arg6[%arg0, %arg1, %dma_start3A_21, %dma_start3A_22] : memref<2x16x144x128xi32, #tpu.memory_space<hbm>> -> memref<1x1x144x128xi32, #tpu.memory_space<hbm>>
      %dma_start3A_24 = tpu.memref_squeeze %dma_start3A_23 : memref<1x1x144x128xi32, #tpu.memory_space<hbm>> -> memref<144x128xi32, #tpu.memory_space<hbm>>
      tpu.enqueue_dma source(%arg11 : memref<144x128xi32, #tpu.memory_space<vmem>>) target(%dma_start3A_24 : memref<144x128xi32, #tpu.memory_space<hbm>>) target_semaphore(%run_scoped3A : memref<!tpu.dma_semaphore, #tpu.memory_space<semaphore_mem>>)
      %dma_wait3A = arith.constant 0 : i32
      %dma_wait3A_25 = arith.constant 0 : i32
      %dma_wait3A_26 = tpu.memref_slice %arg6[%arg0, %arg1, %dma_wait3A, %dma_wait3A_25] : memref<2x16x144x128xi32, #tpu.memory_space<hbm>> -> memref<1x1x144x128xi32, #tpu.memory_space<hbm>>
      %dma_wait3A_27 = tpu.memref_squeeze %dma_wait3A_26 : memref<1x1x144x128xi32, #tpu.memory_space<hbm>> -> memref<144x128xi32, #tpu.memory_space<hbm>>
      %dma_wait3A_28 = arith.constant 0 : i32
      %dma_wait3A_29 = arith.constant 0 : i32
      %dma_wait3A_30 = tpu.memref_slice %arg6[%arg0, %arg1, %dma_wait3A_28, %dma_wait3A_29] : memref<2x16x144x128xi32, #tpu.memory_space<hbm>> -> memref<1x1x144x128xi32, #tpu.memory_space<hbm>>
      %dma_wait3A_31 = tpu.memref_squeeze %dma_wait3A_30 : memref<1x1x144x128xi32, #tpu.memory_space<hbm>> -> memref<144x128xi32, #tpu.memory_space<hbm>>
      tpu.wait_dma2 semaphore(%run_scoped3A : memref<!tpu.dma_semaphore, #tpu.memory_space<semaphore_mem>>) src(%arg11 : memref<144x128xi32, #tpu.memory_space<vmem>>) dst(%dma_wait3A_31 : memref<144x128xi32, #tpu.memory_space<hbm>>)
      tpu.yield
    }) : () -> ()
    "tpu.region"() ({
      %run_scoped3A = tpu.sem_alloc : memref<!tpu.dma_semaphore, #tpu.memory_space<semaphore_mem>>
      %dma_start3A = arith.constant 0 : i32
      %dma_start3A_18 = tpu.memref_slice %arg7[%arg0, %arg1, %dma_start3A] : memref<2x16x16xi32, #tpu.memory_space<hbm>> -> memref<1x1x16xi32, #tpu.memory_space<hbm>>
      %dma_start3A_19 = tpu.memref_squeeze %dma_start3A_18 : memref<1x1x16xi32, #tpu.memory_space<hbm>> -> memref<16xi32, #tpu.memory_space<hbm>>
      %dma_start3A_20 = arith.constant 0 : i32
      %dma_start3A_21 = tpu.memref_slice %arg7[%arg0, %arg1, %dma_start3A_20] : memref<2x16x16xi32, #tpu.memory_space<hbm>> -> memref<1x1x16xi32, #tpu.memory_space<hbm>>
      %dma_start3A_22 = tpu.memref_squeeze %dma_start3A_21 : memref<1x1x16xi32, #tpu.memory_space<hbm>> -> memref<16xi32, #tpu.memory_space<hbm>>
      tpu.enqueue_dma source(%arg12 : memref<16xi32, #tpu.memory_space<vmem>>) target(%dma_start3A_22 : memref<16xi32, #tpu.memory_space<hbm>>) target_semaphore(%run_scoped3A : memref<!tpu.dma_semaphore, #tpu.memory_space<semaphore_mem>>)
      %dma_wait3A = arith.constant 0 : i32
      %dma_wait3A_23 = tpu.memref_slice %arg7[%arg0, %arg1, %dma_wait3A] : memref<2x16x16xi32, #tpu.memory_space<hbm>> -> memref<1x1x16xi32, #tpu.memory_space<hbm>>
      %dma_wait3A_24 = tpu.memref_squeeze %dma_wait3A_23 : memref<1x1x16xi32, #tpu.memory_space<hbm>> -> memref<16xi32, #tpu.memory_space<hbm>>
      %dma_wait3A_25 = arith.constant 0 : i32
      %dma_wait3A_26 = tpu.memref_slice %arg7[%arg0, %arg1, %dma_wait3A_25] : memref<2x16x16xi32, #tpu.memory_space<hbm>> -> memref<1x1x16xi32, #tpu.memory_space<hbm>>
      %dma_wait3A_27 = tpu.memref_squeeze %dma_wait3A_26 : memref<1x1x16xi32, #tpu.memory_space<hbm>> -> memref<16xi32, #tpu.memory_space<hbm>>
      tpu.wait_dma2 semaphore(%run_scoped3A : memref<!tpu.dma_semaphore, #tpu.memory_space<semaphore_mem>>) src(%arg12 : memref<16xi32, #tpu.memory_space<vmem>>) dst(%dma_wait3A_27 : memref<16xi32, #tpu.memory_space<hbm>>)
      tpu.yield
    }) : () -> ()
    return
  }
}

#map = affine_map<(d0, d1) -> (0, 0)>
#map1 = affine_map<(d0, d1) -> (0, 0, 0, 0)>
#map2 = affine_map<(d0, d1) -> (0, 0, 0)>
module attributes {stable_mosaic.version = 14 : i64} {
  func.func @_rounds_body(%arg0: i32, %arg1: i32, %arg2: memref<10240x32xf32, #tpu.memory_space<hbm>>, %arg3: memref<10240x32xf32, #tpu.memory_space<hbm>>, %arg4: memref<10240x32xf32, #tpu.memory_space<hbm>>, %arg5: memref<2x16x144x128xi32, #tpu.memory_space<hbm>>, %arg6: memref<2x16x144x128xi32, #tpu.memory_space<hbm>>, %arg7: memref<2x16x16xi32, #tpu.memory_space<hbm>>, %arg8: memref<2x2x5120x32xf32, #tpu.memory_space<hbm>>, %arg9: memref<2x16x16xi32, #tpu.memory_space<hbm>>, %arg10: memref<10240x32xf32, #tpu.memory_space<hbm>>, %arg11: memref<144x128xi32, #tpu.memory_space<vmem>>, %arg12: memref<144x128xi32, #tpu.memory_space<vmem>>, %arg13: memref<128x32xf32, #tpu.memory_space<vmem>>, %arg14: memref<128x32xf32, #tpu.memory_space<vmem>>, %arg15: memref<320x32xf32, #tpu.memory_space<vmem>>, %arg16: memref<320x32xf32, #tpu.memory_space<vmem>>, %arg17: memref<320x32xf32, #tpu.memory_space<vmem>>, %arg18: memref<320x32xf32, #tpu.memory_space<vmem>>, %arg19: memref<16xi32, #tpu.memory_space<vmem>>, %arg20: memref<16xi32, #tpu.memory_space<vmem>>, %arg21: memref<10240x32xf32, #tpu.memory_space<vmem_shared>>, %arg22: memref<10240x32xf32, #tpu.memory_space<vmem_shared>>, %arg23: memref<!tpu.dma_semaphore, #tpu.memory_space<semaphore_mem>>, %arg24: memref<!tpu.dma_semaphore, #tpu.memory_space<semaphore_mem>>) attributes {dimension_semantics = [#tpu.dimension_semantics<core_parallel>, #tpu.dimension_semantics<subcore_parallel>], iteration_bounds = array<i64: 2, 16>, scalar_prefetch = 0 : i64, scratch_operands = 14 : i64, tpu.core_type = #tpu.core_type<sc_vector_subcore>, window_params = [{transform_indices = #map}, {transform_indices = #map}, {transform_indices = #map}, {transform_indices = #map1}, {transform_indices = #map1}, {transform_indices = #map2}, {transform_indices = #map1}, {transform_indices = #map2}, {transform_indices = #map}]} {
    %sub3A = arith.constant 1 : i32
    %sub3A_0 = arith.subi %sub3A, %arg0 : i32
    %mul3A = arith.constant 5120 : i32
    %mul3A_1 = arith.muli %arg0, %mul3A : i32
    %mul3A_2 = arith.constant 320 : i32
    %mul3A_3 = arith.muli %arg1, %mul3A_2 : i32
    %add3A = arith.addi %mul3A_1, %mul3A_3 : i32
    %mul3A_4 = arith.constant 5120 : i32
    %mul3A_5 = arith.muli %sub3A_0, %mul3A_4 : i32
    %mul3A_6 = arith.constant 320 : i32
    %mul3A_7 = arith.muli %arg1, %mul3A_6 : i32
    %add3A_8 = arith.addi %mul3A_5, %mul3A_7 : i32
    %mul3A_9 = arith.constant 640 : i32
    %mul3A_10 = arith.muli %arg1, %mul3A_9 : i32
    "tpu.region"() ({
      %run_scoped3A = tpu.sem_alloc : memref<!tpu.dma_semaphore, #tpu.memory_space<semaphore_mem>>
      %dma_start3A = arith.constant 0 : i32
      %dma_start3A_22 = arith.constant 0 : i32
      %dma_start3A_23 = tpu.memref_slice %arg5[%arg0, %arg1, %dma_start3A, %dma_start3A_22] : memref<2x16x144x128xi32, #tpu.memory_space<hbm>> -> memref<1x1x144x128xi32, #tpu.memory_space<hbm>>
      %dma_start3A_24 = tpu.memref_squeeze %dma_start3A_23 : memref<1x1x144x128xi32, #tpu.memory_space<hbm>> -> memref<144x128xi32, #tpu.memory_space<hbm>>
      %dma_start3A_25 = arith.constant 0 : i32
      %dma_start3A_26 = arith.constant 0 : i32
      %dma_start3A_27 = tpu.memref_slice %arg5[%arg0, %arg1, %dma_start3A_25, %dma_start3A_26] : memref<2x16x144x128xi32, #tpu.memory_space<hbm>> -> memref<1x1x144x128xi32, #tpu.memory_space<hbm>>
      %dma_start3A_28 = tpu.memref_squeeze %dma_start3A_27 : memref<1x1x144x128xi32, #tpu.memory_space<hbm>> -> memref<144x128xi32, #tpu.memory_space<hbm>>
      tpu.enqueue_dma source(%dma_start3A_28 : memref<144x128xi32, #tpu.memory_space<hbm>>) target(%arg11 : memref<144x128xi32, #tpu.memory_space<vmem>>) target_semaphore(%run_scoped3A : memref<!tpu.dma_semaphore, #tpu.memory_space<semaphore_mem>>)
      %dma_wait3A = arith.constant 0 : i32
      %dma_wait3A_29 = arith.constant 0 : i32
      %dma_wait3A_30 = tpu.memref_slice %arg5[%arg0, %arg1, %dma_wait3A, %dma_wait3A_29] : memref<2x16x144x128xi32, #tpu.memory_space<hbm>> -> memref<1x1x144x128xi32, #tpu.memory_space<hbm>>
      %dma_wait3A_31 = tpu.memref_squeeze %dma_wait3A_30 : memref<1x1x144x128xi32, #tpu.memory_space<hbm>> -> memref<144x128xi32, #tpu.memory_space<hbm>>
      %dma_wait3A_32 = arith.constant 0 : i32
      %dma_wait3A_33 = arith.constant 0 : i32
      %dma_wait3A_34 = tpu.memref_slice %arg5[%arg0, %arg1, %dma_wait3A_32, %dma_wait3A_33] : memref<2x16x144x128xi32, #tpu.memory_space<hbm>> -> memref<1x1x144x128xi32, #tpu.memory_space<hbm>>
      %dma_wait3A_35 = tpu.memref_squeeze %dma_wait3A_34 : memref<1x1x144x128xi32, #tpu.memory_space<hbm>> -> memref<144x128xi32, #tpu.memory_space<hbm>>
      tpu.wait_dma2 semaphore(%run_scoped3A : memref<!tpu.dma_semaphore, #tpu.memory_space<semaphore_mem>>) src(%dma_wait3A_35 : memref<144x128xi32, #tpu.memory_space<hbm>>) dst(%arg11 : memref<144x128xi32, #tpu.memory_space<vmem>>)
      tpu.yield
    }) : () -> ()
    "tpu.region"() ({
      %run_scoped3A = tpu.sem_alloc : memref<!tpu.dma_semaphore, #tpu.memory_space<semaphore_mem>>
      %dma_start3A = arith.constant 0 : i32
      %dma_start3A_22 = arith.constant 0 : i32
      %dma_start3A_23 = tpu.memref_slice %arg6[%arg0, %arg1, %dma_start3A, %dma_start3A_22] : memref<2x16x144x128xi32, #tpu.memory_space<hbm>> -> memref<1x1x144x128xi32, #tpu.memory_space<hbm>>
      %dma_start3A_24 = tpu.memref_squeeze %dma_start3A_23 : memref<1x1x144x128xi32, #tpu.memory_space<hbm>> -> memref<144x128xi32, #tpu.memory_space<hbm>>
      %dma_start3A_25 = arith.constant 0 : i32
      %dma_start3A_26 = arith.constant 0 : i32
      %dma_start3A_27 = tpu.memref_slice %arg6[%arg0, %arg1, %dma_start3A_25, %dma_start3A_26] : memref<2x16x144x128xi32, #tpu.memory_space<hbm>> -> memref<1x1x144x128xi32, #tpu.memory_space<hbm>>
      %dma_start3A_28 = tpu.memref_squeeze %dma_start3A_27 : memref<1x1x144x128xi32, #tpu.memory_space<hbm>> -> memref<144x128xi32, #tpu.memory_space<hbm>>
      tpu.enqueue_dma source(%dma_start3A_28 : memref<144x128xi32, #tpu.memory_space<hbm>>) target(%arg12 : memref<144x128xi32, #tpu.memory_space<vmem>>) target_semaphore(%run_scoped3A : memref<!tpu.dma_semaphore, #tpu.memory_space<semaphore_mem>>)
      %dma_wait3A = arith.constant 0 : i32
      %dma_wait3A_29 = arith.constant 0 : i32
      %dma_wait3A_30 = tpu.memref_slice %arg6[%arg0, %arg1, %dma_wait3A, %dma_wait3A_29] : memref<2x16x144x128xi32, #tpu.memory_space<hbm>> -> memref<1x1x144x128xi32, #tpu.memory_space<hbm>>
      %dma_wait3A_31 = tpu.memref_squeeze %dma_wait3A_30 : memref<1x1x144x128xi32, #tpu.memory_space<hbm>> -> memref<144x128xi32, #tpu.memory_space<hbm>>
      %dma_wait3A_32 = arith.constant 0 : i32
      %dma_wait3A_33 = arith.constant 0 : i32
      %dma_wait3A_34 = tpu.memref_slice %arg6[%arg0, %arg1, %dma_wait3A_32, %dma_wait3A_33] : memref<2x16x144x128xi32, #tpu.memory_space<hbm>> -> memref<1x1x144x128xi32, #tpu.memory_space<hbm>>
      %dma_wait3A_35 = tpu.memref_squeeze %dma_wait3A_34 : memref<1x1x144x128xi32, #tpu.memory_space<hbm>> -> memref<144x128xi32, #tpu.memory_space<hbm>>
      tpu.wait_dma2 semaphore(%run_scoped3A : memref<!tpu.dma_semaphore, #tpu.memory_space<semaphore_mem>>) src(%dma_wait3A_35 : memref<144x128xi32, #tpu.memory_space<hbm>>) dst(%arg12 : memref<144x128xi32, #tpu.memory_space<vmem>>)
      tpu.yield
    }) : () -> ()
    "tpu.region"() ({
      %run_scoped3A = tpu.sem_alloc : memref<!tpu.dma_semaphore, #tpu.memory_space<semaphore_mem>>
      %dma_start3A = arith.constant 0 : i32
      %dma_start3A_22 = tpu.memref_slice %arg7[%arg0, %arg1, %dma_start3A] : memref<2x16x16xi32, #tpu.memory_space<hbm>> -> memref<1x1x16xi32, #tpu.memory_space<hbm>>
      %dma_start3A_23 = tpu.memref_squeeze %dma_start3A_22 : memref<1x1x16xi32, #tpu.memory_space<hbm>> -> memref<16xi32, #tpu.memory_space<hbm>>
      %dma_start3A_24 = arith.constant 0 : i32
      %dma_start3A_25 = tpu.memref_slice %arg7[%arg0, %arg1, %dma_start3A_24] : memref<2x16x16xi32, #tpu.memory_space<hbm>> -> memref<1x1x16xi32, #tpu.memory_space<hbm>>
      %dma_start3A_26 = tpu.memref_squeeze %dma_start3A_25 : memref<1x1x16xi32, #tpu.memory_space<hbm>> -> memref<16xi32, #tpu.memory_space<hbm>>
      tpu.enqueue_dma source(%dma_start3A_26 : memref<16xi32, #tpu.memory_space<hbm>>) target(%arg19 : memref<16xi32, #tpu.memory_space<vmem>>) target_semaphore(%run_scoped3A : memref<!tpu.dma_semaphore, #tpu.memory_space<semaphore_mem>>)
      %dma_wait3A = arith.constant 0 : i32
      %dma_wait3A_27 = tpu.memref_slice %arg7[%arg0, %arg1, %dma_wait3A] : memref<2x16x16xi32, #tpu.memory_space<hbm>> -> memref<1x1x16xi32, #tpu.memory_space<hbm>>
      %dma_wait3A_28 = tpu.memref_squeeze %dma_wait3A_27 : memref<1x1x16xi32, #tpu.memory_space<hbm>> -> memref<16xi32, #tpu.memory_space<hbm>>
      %dma_wait3A_29 = arith.constant 0 : i32
      %dma_wait3A_30 = tpu.memref_slice %arg7[%arg0, %arg1, %dma_wait3A_29] : memref<2x16x16xi32, #tpu.memory_space<hbm>> -> memref<1x1x16xi32, #tpu.memory_space<hbm>>
      %dma_wait3A_31 = tpu.memref_squeeze %dma_wait3A_30 : memref<1x1x16xi32, #tpu.memory_space<hbm>> -> memref<16xi32, #tpu.memory_space<hbm>>
      tpu.wait_dma2 semaphore(%run_scoped3A : memref<!tpu.dma_semaphore, #tpu.memory_space<semaphore_mem>>) src(%dma_wait3A_31 : memref<16xi32, #tpu.memory_space<hbm>>) dst(%arg19 : memref<16xi32, #tpu.memory_space<vmem>>)
      tpu.yield
    }) : () -> ()
    "tpu.region"() ({
      %run_scoped3A = tpu.sem_alloc : memref<!tpu.dma_semaphore, #tpu.memory_space<semaphore_mem>>
      %dma_start3A = arith.constant 0 : i32
      %dma_start3A_22 = tpu.memref_slice %arg3[%add3A, %dma_start3A] : memref<10240x32xf32, #tpu.memory_space<hbm>> -> memref<320x32xf32, #tpu.memory_space<hbm>>
      %dma_start3A_23 = arith.constant 0 : i32
      %dma_start3A_24 = tpu.memref_slice %arg3[%add3A, %dma_start3A_23] : memref<10240x32xf32, #tpu.memory_space<hbm>> -> memref<320x32xf32, #tpu.memory_space<hbm>>
      tpu.enqueue_dma source(%dma_start3A_24 : memref<320x32xf32, #tpu.memory_space<hbm>>) target(%arg15 : memref<320x32xf32, #tpu.memory_space<vmem>>) target_semaphore(%run_scoped3A : memref<!tpu.dma_semaphore, #tpu.memory_space<semaphore_mem>>)
      %dma_wait3A = arith.constant 0 : i32
      %dma_wait3A_25 = tpu.memref_slice %arg3[%add3A, %dma_wait3A] : memref<10240x32xf32, #tpu.memory_space<hbm>> -> memref<320x32xf32, #tpu.memory_space<hbm>>
      %dma_wait3A_26 = arith.constant 0 : i32
      %dma_wait3A_27 = tpu.memref_slice %arg3[%add3A, %dma_wait3A_26] : memref<10240x32xf32, #tpu.memory_space<hbm>> -> memref<320x32xf32, #tpu.memory_space<hbm>>
      tpu.wait_dma2 semaphore(%run_scoped3A : memref<!tpu.dma_semaphore, #tpu.memory_space<semaphore_mem>>) src(%dma_wait3A_27 : memref<320x32xf32, #tpu.memory_space<hbm>>) dst(%arg15 : memref<320x32xf32, #tpu.memory_space<vmem>>)
      tpu.yield
    }) : () -> ()
    "tpu.region"() ({
      %run_scoped3A = tpu.sem_alloc : memref<!tpu.dma_semaphore, #tpu.memory_space<semaphore_mem>>
      %dma_start3A = arith.constant 0 : i32
      %dma_start3A_22 = tpu.memref_slice %arg4[%add3A, %dma_start3A] : memref<10240x32xf32, #tpu.memory_space<hbm>> -> memref<320x32xf32, #tpu.memory_space<hbm>>
      %dma_start3A_23 = arith.constant 0 : i32
      %dma_start3A_24 = tpu.memref_slice %arg4[%add3A, %dma_start3A_23] : memref<10240x32xf32, #tpu.memory_space<hbm>> -> memref<320x32xf32, #tpu.memory_space<hbm>>
      tpu.enqueue_dma source(%dma_start3A_24 : memref<320x32xf32, #tpu.memory_space<hbm>>) target(%arg16 : memref<320x32xf32, #tpu.memory_space<vmem>>) target_semaphore(%run_scoped3A : memref<!tpu.dma_semaphore, #tpu.memory_space<semaphore_mem>>)
      %dma_wait3A = arith.constant 0 : i32
      %dma_wait3A_25 = tpu.memref_slice %arg4[%add3A, %dma_wait3A] : memref<10240x32xf32, #tpu.memory_space<hbm>> -> memref<320x32xf32, #tpu.memory_space<hbm>>
      %dma_wait3A_26 = arith.constant 0 : i32
      %dma_wait3A_27 = tpu.memref_slice %arg4[%add3A, %dma_wait3A_26] : memref<10240x32xf32, #tpu.memory_space<hbm>> -> memref<320x32xf32, #tpu.memory_space<hbm>>
      tpu.wait_dma2 semaphore(%run_scoped3A : memref<!tpu.dma_semaphore, #tpu.memory_space<semaphore_mem>>) src(%dma_wait3A_27 : memref<320x32xf32, #tpu.memory_space<hbm>>) dst(%arg16 : memref<320x32xf32, #tpu.memory_space<vmem>>)
      tpu.yield
    }) : () -> ()
    "tpu.region"() ({
      %run_scoped3A = tpu.sem_alloc : memref<!tpu.dma_semaphore, #tpu.memory_space<semaphore_mem>>
      %dma_start3A = arith.constant 0 : i32
      %dma_start3A_22 = tpu.memref_slice %arg21[%mul3A_10, %dma_start3A] : memref<10240x32xf32, #tpu.memory_space<vmem_shared>> -> memref<640x32xf32, #tpu.memory_space<vmem_shared>>
      %dma_start3A_23 = arith.constant 0 : i32
      %dma_start3A_24 = tpu.memref_slice %arg2[%mul3A_10, %dma_start3A_23] : memref<10240x32xf32, #tpu.memory_space<hbm>> -> memref<640x32xf32, #tpu.memory_space<hbm>>
      tpu.enqueue_dma source(%dma_start3A_24 : memref<640x32xf32, #tpu.memory_space<hbm>>) target(%dma_start3A_22 : memref<640x32xf32, #tpu.memory_space<vmem_shared>>) target_semaphore(%run_scoped3A : memref<!tpu.dma_semaphore, #tpu.memory_space<semaphore_mem>>)
      %dma_wait3A = arith.constant 0 : i32
      %dma_wait3A_25 = tpu.memref_slice %arg21[%mul3A_10, %dma_wait3A] : memref<10240x32xf32, #tpu.memory_space<vmem_shared>> -> memref<640x32xf32, #tpu.memory_space<vmem_shared>>
      %dma_wait3A_26 = arith.constant 0 : i32
      %dma_wait3A_27 = tpu.memref_slice %arg2[%mul3A_10, %dma_wait3A_26] : memref<10240x32xf32, #tpu.memory_space<hbm>> -> memref<640x32xf32, #tpu.memory_space<hbm>>
      tpu.wait_dma2 semaphore(%run_scoped3A : memref<!tpu.dma_semaphore, #tpu.memory_space<semaphore_mem>>) src(%dma_wait3A_27 : memref<640x32xf32, #tpu.memory_space<hbm>>) dst(%dma_wait3A_25 : memref<640x32xf32, #tpu.memory_space<vmem_shared>>)
      tpu.yield
    }) : () -> ()
    "tpu.region"() ({
      %run_scoped3A = tpu.sem_alloc : memref<!tpu.dma_semaphore, #tpu.memory_space<semaphore_mem>>
      %dma_start3A = arith.constant 0 : i32
      %dma_start3A_22 = tpu.memref_slice %arg22[%add3A, %dma_start3A] : memref<10240x32xf32, #tpu.memory_space<vmem_shared>> -> memref<320x32xf32, #tpu.memory_space<vmem_shared>>
      %dma_start3A_23 = arith.constant 0 : i32
      %dma_start3A_24 = tpu.memref_slice %arg2[%add3A, %dma_start3A_23] : memref<10240x32xf32, #tpu.memory_space<hbm>> -> memref<320x32xf32, #tpu.memory_space<hbm>>
      tpu.enqueue_dma source(%dma_start3A_24 : memref<320x32xf32, #tpu.memory_space<hbm>>) target(%dma_start3A_22 : memref<320x32xf32, #tpu.memory_space<vmem_shared>>) target_semaphore(%run_scoped3A : memref<!tpu.dma_semaphore, #tpu.memory_space<semaphore_mem>>)
      %dma_wait3A = arith.constant 0 : i32
      %dma_wait3A_25 = tpu.memref_slice %arg22[%add3A, %dma_wait3A] : memref<10240x32xf32, #tpu.memory_space<vmem_shared>> -> memref<320x32xf32, #tpu.memory_space<vmem_shared>>
      %dma_wait3A_26 = arith.constant 0 : i32
      %dma_wait3A_27 = tpu.memref_slice %arg2[%add3A, %dma_wait3A_26] : memref<10240x32xf32, #tpu.memory_space<hbm>> -> memref<320x32xf32, #tpu.memory_space<hbm>>
      tpu.wait_dma2 semaphore(%run_scoped3A : memref<!tpu.dma_semaphore, #tpu.memory_space<semaphore_mem>>) src(%dma_wait3A_27 : memref<320x32xf32, #tpu.memory_space<hbm>>) dst(%dma_wait3A_25 : memref<320x32xf32, #tpu.memory_space<vmem_shared>>)
      tpu.yield
    }) : () -> ()
    %get3A = arith.constant 0 : index
    %get3A_11 = tpu.vector_load %arg19[%get3A] {strides = array<i32>} : memref<16xi32, #tpu.memory_space<vmem>>, vector<16xi32>,
    %slice3A = vector.extract_strided_slice %get3A_11 {offsets = [0], sizes = [1], strides = [1]} : vector<16xi32> to vector<1xi32>
    %squeeze3A = vector.extract %slice3A[0] : i32 from vector<1xi32>
    %add3A_12 = arith.constant 256 : i32
    %add3A_13 = arith.addi %squeeze3A, %add3A_12 : i32
    %sub3A_14 = arith.constant 1 : i32
    %sub3A_15 = arith.subi %add3A_13, %sub3A_14 : i32
    %shift_right_logical3A = arith.constant 8 : i32
    %shift_right_logical3A_16 = arith.shrui %sub3A_15, %shift_right_logical3A : i32
    %barrier3A = arith.constant 0 : index
    tpu.barrier barrier_id(%barrier3A)
    %scan3A = arith.constant 0 : i32
    %scan3A_17 = arith.constant 0 : i32
    %scan3A_18 = arith.constant 10 : i32
    %scan3A_19 = arith.addi %scan3A_17, %scan3A_18 : i32
    %scan3A_20 = arith.constant 1 : i32
    scf.for %scan3A_22 = %scan3A_17 to %scan3A_19 step %scan3A_20  : i32 {
      %gt3A = arith.constant 0 : i32
      %gt3A_23 = arith.cmpi sgt, %shift_right_logical3A_16, %gt3A : i32
      %convert_element_type3A = arith.extui %gt3A_23 : i1 to i32
      %cond3A = arith.constant 0 : i32
      %cond3A_24 = arith.cmpi ne, %convert_element_type3A, %cond3A : i32
      scf.if %cond3A_24 {
        %dma_start3A = arith.constant 0 : i32
        %dma_start3A_46 = arith.constant 0 : i32
        %dma_start3A_47 = tpu.memref_slice %arg11[%dma_start3A, %dma_start3A_46] : memref<144x128xi32, #tpu.memory_space<vmem>> -> memref<1x128xi32, #tpu.memory_space<vmem>>
        %dma_start3A_48 = tpu.memref_squeeze %dma_start3A_47 : memref<1x128xi32, #tpu.memory_space<vmem>> -> memref<128xi32, #tpu.memory_space<vmem>>
        %dma_start3A_49 = arith.constant 0 : i32
        %dma_start3A_50 = arith.constant 0 : i32
        %dma_start3A_51 = tpu.memref_slice %arg21[%dma_start3A_49, %dma_start3A_50] : memref<10240x32xf32, #tpu.memory_space<vmem_shared>> -> memref<10240x32xf32, #tpu.memory_space<vmem_shared>>
        tpu.enqueue_indirect_dma source(%dma_start3A_51 : memref<10240x32xf32, #tpu.memory_space<vmem_shared>>) target(%arg13 : memref<128x32xf32, #tpu.memory_space<vmem>>) offsets(%dma_start3A_48 : memref<128xi32, #tpu.memory_space<vmem>>) semaphore(%arg23 : memref<!tpu.dma_semaphore, #tpu.memory_space<semaphore_mem>>)
      } else {
      }
      %while3A = arith.constant 0 : i32
      %while3A_25 = arith.constant 0 : i32
      %while3A_26 = arith.subi %shift_right_logical3A_16, %while3A_25 : i32
      %while3A_27 = arith.addi %while3A_25, %while3A_26 : i32
      %while3A_28 = arith.constant 1 : i32
      %while3A_29 = arith.divsi %while3A_26, %while3A_28 : i32
      %while3A_30 = arith.muli %while3A_29, %while3A_28 : i32
      %while3A_31 = arith.addi %while3A_25, %while3A_30 : i32
      %while3A_32 = arith.constant 1 : i32
      scf.for %while3A_46 = %while3A_25 to %while3A_31 step %while3A_32  : i32 {
        %mul3A_47 = arith.constant 2 : i32
        %mul3A_48 = arith.muli %mul3A_47, %while3A_46 : i32
        %dma_wait3A = arith.constant 0 : i32
        %dma_wait3A_49 = tpu.memref_slice %arg11[%mul3A_48, %dma_wait3A] : memref<144x128xi32, #tpu.memory_space<vmem>> -> memref<1x128xi32, #tpu.memory_space<vmem>>
        %dma_wait3A_50 = tpu.memref_squeeze %dma_wait3A_49 : memref<1x128xi32, #tpu.memory_space<vmem>> -> memref<128xi32, #tpu.memory_space<vmem>>
        %dma_wait3A_51 = arith.constant 0 : i32
        %dma_wait3A_52 = arith.constant 0 : i32
        %dma_wait3A_53 = tpu.memref_slice %arg21[%dma_wait3A_51, %dma_wait3A_52] : memref<10240x32xf32, #tpu.memory_space<vmem_shared>> -> memref<10240x32xf32, #tpu.memory_space<vmem_shared>>
        tpu.wait_indirect_dma semaphore(%arg23 : memref<!tpu.dma_semaphore, #tpu.memory_space<semaphore_mem>>) src(%dma_wait3A_53 : memref<10240x32xf32, #tpu.memory_space<vmem_shared>>) dst(%arg13 : memref<128x32xf32, #tpu.memory_space<vmem>>)
        %add3A_54 = arith.constant 1 : i32
        %add3A_55 = arith.addi %mul3A_48, %add3A_54 : i32
        %dma_start3A = arith.constant 0 : i32
        %dma_start3A_56 = tpu.memref_slice %arg11[%add3A_55, %dma_start3A] : memref<144x128xi32, #tpu.memory_space<vmem>> -> memref<1x128xi32, #tpu.memory_space<vmem>>
        %dma_start3A_57 = tpu.memref_squeeze %dma_start3A_56 : memref<1x128xi32, #tpu.memory_space<vmem>> -> memref<128xi32, #tpu.memory_space<vmem>>
        %dma_start3A_58 = arith.constant 0 : i32
        %dma_start3A_59 = arith.constant 0 : i32
        %dma_start3A_60 = tpu.memref_slice %arg21[%dma_start3A_58, %dma_start3A_59] : memref<10240x32xf32, #tpu.memory_space<vmem_shared>> -> memref<10240x32xf32, #tpu.memory_space<vmem_shared>>
        tpu.enqueue_indirect_dma source(%dma_start3A_60 : memref<10240x32xf32, #tpu.memory_space<vmem_shared>>) target(%arg14 : memref<128x32xf32, #tpu.memory_space<vmem>>) offsets(%dma_start3A_57 : memref<128xi32, #tpu.memory_space<vmem>>) semaphore(%arg24 : memref<!tpu.dma_semaphore, #tpu.memory_space<semaphore_mem>>)
        "tpu.region"() ({
          %run_scoped3A = tpu.sem_alloc : memref<!tpu.dma_semaphore, #tpu.memory_space<semaphore_mem>>
          %dma_start3A_77 = arith.constant 0 : i32
          %dma_start3A_78 = tpu.memref_slice %arg12[%mul3A_48, %dma_start3A_77] : memref<144x128xi32, #tpu.memory_space<vmem>> -> memref<1x128xi32, #tpu.memory_space<vmem>>
          %dma_start3A_79 = tpu.memref_squeeze %dma_start3A_78 : memref<1x128xi32, #tpu.memory_space<vmem>> -> memref<128xi32, #tpu.memory_space<vmem>>
          %dma_start3A_80 = arith.constant 0 : i32
          %dma_start3A_81 = arith.constant 0 : i32
          %dma_start3A_82 = tpu.memref_slice %arg22[%dma_start3A_80, %dma_start3A_81] : memref<10240x32xf32, #tpu.memory_space<vmem_shared>> -> memref<10240x32xf32, #tpu.memory_space<vmem_shared>>
          tpu.enqueue_indirect_dma source(%arg13 : memref<128x32xf32, #tpu.memory_space<vmem>>) target(%dma_start3A_82 : memref<10240x32xf32, #tpu.memory_space<vmem_shared>>) offsets(%dma_start3A_79 : memref<128xi32, #tpu.memory_space<vmem>>) semaphore(%run_scoped3A : memref<!tpu.dma_semaphore, #tpu.memory_space<semaphore_mem>>) {add = true}
          %dma_wait3A_83 = arith.constant 0 : i32
          %dma_wait3A_84 = tpu.memref_slice %arg12[%mul3A_48, %dma_wait3A_83] : memref<144x128xi32, #tpu.memory_space<vmem>> -> memref<1x128xi32, #tpu.memory_space<vmem>>
          %dma_wait3A_85 = tpu.memref_squeeze %dma_wait3A_84 : memref<1x128xi32, #tpu.memory_space<vmem>> -> memref<128xi32, #tpu.memory_space<vmem>>
          %dma_wait3A_86 = arith.constant 0 : i32
          %dma_wait3A_87 = arith.constant 0 : i32
          %dma_wait3A_88 = tpu.memref_slice %arg22[%dma_wait3A_86, %dma_wait3A_87] : memref<10240x32xf32, #tpu.memory_space<vmem_shared>> -> memref<10240x32xf32, #tpu.memory_space<vmem_shared>>
          tpu.wait_indirect_dma semaphore(%run_scoped3A : memref<!tpu.dma_semaphore, #tpu.memory_space<semaphore_mem>>) src(%arg13 : memref<128x32xf32, #tpu.memory_space<vmem>>) dst(%dma_wait3A_88 : memref<10240x32xf32, #tpu.memory_space<vmem_shared>>)
          tpu.yield
        }) : () -> ()
        %add3A_61 = arith.constant 1 : i32
        %add3A_62 = arith.addi %mul3A_48, %add3A_61 : i32
        %dma_wait3A_63 = arith.constant 0 : i32
        %dma_wait3A_64 = tpu.memref_slice %arg11[%add3A_62, %dma_wait3A_63] : memref<144x128xi32, #tpu.memory_space<vmem>> -> memref<1x128xi32, #tpu.memory_space<vmem>>
        %dma_wait3A_65 = tpu.memref_squeeze %dma_wait3A_64 : memref<1x128xi32, #tpu.memory_space<vmem>> -> memref<128xi32, #tpu.memory_space<vmem>>
        %dma_wait3A_66 = arith.constant 0 : i32
        %dma_wait3A_67 = arith.constant 0 : i32
        %dma_wait3A_68 = tpu.memref_slice %arg21[%dma_wait3A_66, %dma_wait3A_67] : memref<10240x32xf32, #tpu.memory_space<vmem_shared>> -> memref<10240x32xf32, #tpu.memory_space<vmem_shared>>
        tpu.wait_indirect_dma semaphore(%arg24 : memref<!tpu.dma_semaphore, #tpu.memory_space<semaphore_mem>>) src(%dma_wait3A_68 : memref<10240x32xf32, #tpu.memory_space<vmem_shared>>) dst(%arg14 : memref<128x32xf32, #tpu.memory_space<vmem>>)
        %sub3A_69 = arith.constant 1 : i32
        %sub3A_70 = arith.subi %shift_right_logical3A_16, %sub3A_69 : i32
        %lt3A_71 = arith.cmpi slt, %while3A_46, %sub3A_70 : i32
        %convert_element_type3A_72 = arith.extui %lt3A_71 : i1 to i32
        %cond3A_73 = arith.constant 0 : i32
        %cond3A_74 = arith.cmpi ne, %convert_element_type3A_72, %cond3A_73 : i32
        scf.if %cond3A_74 {
          %add3A_77 = arith.constant 2 : i32
          %add3A_78 = arith.addi %mul3A_48, %add3A_77 : i32
          %dma_start3A_79 = arith.constant 0 : i32
          %dma_start3A_80 = tpu.memref_slice %arg11[%add3A_78, %dma_start3A_79] : memref<144x128xi32, #tpu.memory_space<vmem>> -> memref<1x128xi32, #tpu.memory_space<vmem>>
          %dma_start3A_81 = tpu.memref_squeeze %dma_start3A_80 : memref<1x128xi32, #tpu.memory_space<vmem>> -> memref<128xi32, #tpu.memory_space<vmem>>
          %dma_start3A_82 = arith.constant 0 : i32
          %dma_start3A_83 = arith.constant 0 : i32
          %dma_start3A_84 = tpu.memref_slice %arg21[%dma_start3A_82, %dma_start3A_83] : memref<10240x32xf32, #tpu.memory_space<vmem_shared>> -> memref<10240x32xf32, #tpu.memory_space<vmem_shared>>
          tpu.enqueue_indirect_dma source(%dma_start3A_84 : memref<10240x32xf32, #tpu.memory_space<vmem_shared>>) target(%arg13 : memref<128x32xf32, #tpu.memory_space<vmem>>) offsets(%dma_start3A_81 : memref<128xi32, #tpu.memory_space<vmem>>) semaphore(%arg23 : memref<!tpu.dma_semaphore, #tpu.memory_space<semaphore_mem>>)
        } else {
        }
        %add3A_75 = arith.constant 1 : i32
        %add3A_76 = arith.addi %mul3A_48, %add3A_75 : i32
        "tpu.region"() ({
          %run_scoped3A = tpu.sem_alloc : memref<!tpu.dma_semaphore, #tpu.memory_space<semaphore_mem>>
          %dma_start3A_77 = arith.constant 0 : i32
          %dma_start3A_78 = tpu.memref_slice %arg12[%add3A_76, %dma_start3A_77] : memref<144x128xi32, #tpu.memory_space<vmem>> -> memref<1x128xi32, #tpu.memory_space<vmem>>
          %dma_start3A_79 = tpu.memref_squeeze %dma_start3A_78 : memref<1x128xi32, #tpu.memory_space<vmem>> -> memref<128xi32, #tpu.memory_space<vmem>>
          %dma_start3A_80 = arith.constant 0 : i32
          %dma_start3A_81 = arith.constant 0 : i32
          %dma_start3A_82 = tpu.memref_slice %arg22[%dma_start3A_80, %dma_start3A_81] : memref<10240x32xf32, #tpu.memory_space<vmem_shared>> -> memref<10240x32xf32, #tpu.memory_space<vmem_shared>>
          tpu.enqueue_indirect_dma source(%arg14 : memref<128x32xf32, #tpu.memory_space<vmem>>) target(%dma_start3A_82 : memref<10240x32xf32, #tpu.memory_space<vmem_shared>>) offsets(%dma_start3A_79 : memref<128xi32, #tpu.memory_space<vmem>>) semaphore(%run_scoped3A : memref<!tpu.dma_semaphore, #tpu.memory_space<semaphore_mem>>) {add = true}
          %dma_wait3A_83 = arith.constant 0 : i32
          %dma_wait3A_84 = tpu.memref_slice %arg12[%add3A_76, %dma_wait3A_83] : memref<144x128xi32, #tpu.memory_space<vmem>> -> memref<1x128xi32, #tpu.memory_space<vmem>>
          %dma_wait3A_85 = tpu.memref_squeeze %dma_wait3A_84 : memref<1x128xi32, #tpu.memory_space<vmem>> -> memref<128xi32, #tpu.memory_space<vmem>>
          %dma_wait3A_86 = arith.constant 0 : i32
          %dma_wait3A_87 = arith.constant 0 : i32
          %dma_wait3A_88 = tpu.memref_slice %arg22[%dma_wait3A_86, %dma_wait3A_87] : memref<10240x32xf32, #tpu.memory_space<vmem_shared>> -> memref<10240x32xf32, #tpu.memory_space<vmem_shared>>
          tpu.wait_indirect_dma semaphore(%run_scoped3A : memref<!tpu.dma_semaphore, #tpu.memory_space<semaphore_mem>>) src(%arg14 : memref<128x32xf32, #tpu.memory_space<vmem>>) dst(%dma_wait3A_88 : memref<10240x32xf32, #tpu.memory_space<vmem_shared>>)
          tpu.yield
        }) : () -> ()
      }
      %while3A_33 = arith.constant 1 : i32
      scf.for %while3A_46 = %while3A_31 to %while3A_27 step %while3A_33  : i32 {
        %mul3A_47 = arith.constant 2 : i32
        %mul3A_48 = arith.muli %mul3A_47, %while3A_46 : i32
        %dma_wait3A = arith.constant 0 : i32
        %dma_wait3A_49 = tpu.memref_slice %arg11[%mul3A_48, %dma_wait3A] : memref<144x128xi32, #tpu.memory_space<vmem>> -> memref<1x128xi32, #tpu.memory_space<vmem>>
        %dma_wait3A_50 = tpu.memref_squeeze %dma_wait3A_49 : memref<1x128xi32, #tpu.memory_space<vmem>> -> memref<128xi32, #tpu.memory_space<vmem>>
        %dma_wait3A_51 = arith.constant 0 : i32
        %dma_wait3A_52 = arith.constant 0 : i32
        %dma_wait3A_53 = tpu.memref_slice %arg21[%dma_wait3A_51, %dma_wait3A_52] : memref<10240x32xf32, #tpu.memory_space<vmem_shared>> -> memref<10240x32xf32, #tpu.memory_space<vmem_shared>>
        tpu.wait_indirect_dma semaphore(%arg23 : memref<!tpu.dma_semaphore, #tpu.memory_space<semaphore_mem>>) src(%dma_wait3A_53 : memref<10240x32xf32, #tpu.memory_space<vmem_shared>>) dst(%arg13 : memref<128x32xf32, #tpu.memory_space<vmem>>)
        %add3A_54 = arith.constant 1 : i32
        %add3A_55 = arith.addi %mul3A_48, %add3A_54 : i32
        %dma_start3A = arith.constant 0 : i32
        %dma_start3A_56 = tpu.memref_slice %arg11[%add3A_55, %dma_start3A] : memref<144x128xi32, #tpu.memory_space<vmem>> -> memref<1x128xi32, #tpu.memory_space<vmem>>
        %dma_start3A_57 = tpu.memref_squeeze %dma_start3A_56 : memref<1x128xi32, #tpu.memory_space<vmem>> -> memref<128xi32, #tpu.memory_space<vmem>>
        %dma_start3A_58 = arith.constant 0 : i32
        %dma_start3A_59 = arith.constant 0 : i32
        %dma_start3A_60 = tpu.memref_slice %arg21[%dma_start3A_58, %dma_start3A_59] : memref<10240x32xf32, #tpu.memory_space<vmem_shared>> -> memref<10240x32xf32, #tpu.memory_space<vmem_shared>>
        tpu.enqueue_indirect_dma source(%dma_start3A_60 : memref<10240x32xf32, #tpu.memory_space<vmem_shared>>) target(%arg14 : memref<128x32xf32, #tpu.memory_space<vmem>>) offsets(%dma_start3A_57 : memref<128xi32, #tpu.memory_space<vmem>>) semaphore(%arg24 : memref<!tpu.dma_semaphore, #tpu.memory_space<semaphore_mem>>)
        "tpu.region"() ({
          %run_scoped3A = tpu.sem_alloc : memref<!tpu.dma_semaphore, #tpu.memory_space<semaphore_mem>>
          %dma_start3A_77 = arith.constant 0 : i32
          %dma_start3A_78 = tpu.memref_slice %arg12[%mul3A_48, %dma_start3A_77] : memref<144x128xi32, #tpu.memory_space<vmem>> -> memref<1x128xi32, #tpu.memory_space<vmem>>
          %dma_start3A_79 = tpu.memref_squeeze %dma_start3A_78 : memref<1x128xi32, #tpu.memory_space<vmem>> -> memref<128xi32, #tpu.memory_space<vmem>>
          %dma_start3A_80 = arith.constant 0 : i32
          %dma_start3A_81 = arith.constant 0 : i32
          %dma_start3A_82 = tpu.memref_slice %arg22[%dma_start3A_80, %dma_start3A_81] : memref<10240x32xf32, #tpu.memory_space<vmem_shared>> -> memref<10240x32xf32, #tpu.memory_space<vmem_shared>>
          tpu.enqueue_indirect_dma source(%arg13 : memref<128x32xf32, #tpu.memory_space<vmem>>) target(%dma_start3A_82 : memref<10240x32xf32, #tpu.memory_space<vmem_shared>>) offsets(%dma_start3A_79 : memref<128xi32, #tpu.memory_space<vmem>>) semaphore(%run_scoped3A : memref<!tpu.dma_semaphore, #tpu.memory_space<semaphore_mem>>) {add = true}
          %dma_wait3A_83 = arith.constant 0 : i32
          %dma_wait3A_84 = tpu.memref_slice %arg12[%mul3A_48, %dma_wait3A_83] : memref<144x128xi32, #tpu.memory_space<vmem>> -> memref<1x128xi32, #tpu.memory_space<vmem>>
          %dma_wait3A_85 = tpu.memref_squeeze %dma_wait3A_84 : memref<1x128xi32, #tpu.memory_space<vmem>> -> memref<128xi32, #tpu.memory_space<vmem>>
          %dma_wait3A_86 = arith.constant 0 : i32
          %dma_wait3A_87 = arith.constant 0 : i32
          %dma_wait3A_88 = tpu.memref_slice %arg22[%dma_wait3A_86, %dma_wait3A_87] : memref<10240x32xf32, #tpu.memory_space<vmem_shared>> -> memref<10240x32xf32, #tpu.memory_space<vmem_shared>>
          tpu.wait_indirect_dma semaphore(%run_scoped3A : memref<!tpu.dma_semaphore, #tpu.memory_space<semaphore_mem>>) src(%arg13 : memref<128x32xf32, #tpu.memory_space<vmem>>) dst(%dma_wait3A_88 : memref<10240x32xf32, #tpu.memory_space<vmem_shared>>)
          tpu.yield
        }) : () -> ()
        %add3A_61 = arith.constant 1 : i32
        %add3A_62 = arith.addi %mul3A_48, %add3A_61 : i32
        %dma_wait3A_63 = arith.constant 0 : i32
        %dma_wait3A_64 = tpu.memref_slice %arg11[%add3A_62, %dma_wait3A_63] : memref<144x128xi32, #tpu.memory_space<vmem>> -> memref<1x128xi32, #tpu.memory_space<vmem>>
        %dma_wait3A_65 = tpu.memref_squeeze %dma_wait3A_64 : memref<1x128xi32, #tpu.memory_space<vmem>> -> memref<128xi32, #tpu.memory_space<vmem>>
        %dma_wait3A_66 = arith.constant 0 : i32
        %dma_wait3A_67 = arith.constant 0 : i32
        %dma_wait3A_68 = tpu.memref_slice %arg21[%dma_wait3A_66, %dma_wait3A_67] : memref<10240x32xf32, #tpu.memory_space<vmem_shared>> -> memref<10240x32xf32, #tpu.memory_space<vmem_shared>>
        tpu.wait_indirect_dma semaphore(%arg24 : memref<!tpu.dma_semaphore, #tpu.memory_space<semaphore_mem>>) src(%dma_wait3A_68 : memref<10240x32xf32, #tpu.memory_space<vmem_shared>>) dst(%arg14 : memref<128x32xf32, #tpu.memory_space<vmem>>)
        %sub3A_69 = arith.constant 1 : i32
        %sub3A_70 = arith.subi %shift_right_logical3A_16, %sub3A_69 : i32
        %lt3A_71 = arith.cmpi slt, %while3A_46, %sub3A_70 : i32
        %convert_element_type3A_72 = arith.extui %lt3A_71 : i1 to i32
        %cond3A_73 = arith.constant 0 : i32
        %cond3A_74 = arith.cmpi ne, %convert_element_type3A_72, %cond3A_73 : i32
        scf.if %cond3A_74 {
          %add3A_77 = arith.constant 2 : i32
          %add3A_78 = arith.addi %mul3A_48, %add3A_77 : i32
          %dma_start3A_79 = arith.constant 0 : i32
          %dma_start3A_80 = tpu.memref_slice %arg11[%add3A_78, %dma_start3A_79] : memref<144x128xi32, #tpu.memory_space<vmem>> -> memref<1x128xi32, #tpu.memory_space<vmem>>
          %dma_start3A_81 = tpu.memref_squeeze %dma_start3A_80 : memref<1x128xi32, #tpu.memory_space<vmem>> -> memref<128xi32, #tpu.memory_space<vmem>>
          %dma_start3A_82 = arith.constant 0 : i32
          %dma_start3A_83 = arith.constant 0 : i32
          %dma_start3A_84 = tpu.memref_slice %arg21[%dma_start3A_82, %dma_start3A_83] : memref<10240x32xf32, #tpu.memory_space<vmem_shared>> -> memref<10240x32xf32, #tpu.memory_space<vmem_shared>>
          tpu.enqueue_indirect_dma source(%dma_start3A_84 : memref<10240x32xf32, #tpu.memory_space<vmem_shared>>) target(%arg13 : memref<128x32xf32, #tpu.memory_space<vmem>>) offsets(%dma_start3A_81 : memref<128xi32, #tpu.memory_space<vmem>>) semaphore(%arg23 : memref<!tpu.dma_semaphore, #tpu.memory_space<semaphore_mem>>)
        } else {
        }
        %add3A_75 = arith.constant 1 : i32
        %add3A_76 = arith.addi %mul3A_48, %add3A_75 : i32
        "tpu.region"() ({
          %run_scoped3A = tpu.sem_alloc : memref<!tpu.dma_semaphore, #tpu.memory_space<semaphore_mem>>
          %dma_start3A_77 = arith.constant 0 : i32
          %dma_start3A_78 = tpu.memref_slice %arg12[%add3A_76, %dma_start3A_77] : memref<144x128xi32, #tpu.memory_space<vmem>> -> memref<1x128xi32, #tpu.memory_space<vmem>>
          %dma_start3A_79 = tpu.memref_squeeze %dma_start3A_78 : memref<1x128xi32, #tpu.memory_space<vmem>> -> memref<128xi32, #tpu.memory_space<vmem>>
          %dma_start3A_80 = arith.constant 0 : i32
          %dma_start3A_81 = arith.constant 0 : i32
          %dma_start3A_82 = tpu.memref_slice %arg22[%dma_start3A_80, %dma_start3A_81] : memref<10240x32xf32, #tpu.memory_space<vmem_shared>> -> memref<10240x32xf32, #tpu.memory_space<vmem_shared>>
          tpu.enqueue_indirect_dma source(%arg14 : memref<128x32xf32, #tpu.memory_space<vmem>>) target(%dma_start3A_82 : memref<10240x32xf32, #tpu.memory_space<vmem_shared>>) offsets(%dma_start3A_79 : memref<128xi32, #tpu.memory_space<vmem>>) semaphore(%run_scoped3A : memref<!tpu.dma_semaphore, #tpu.memory_space<semaphore_mem>>) {add = true}
          %dma_wait3A_83 = arith.constant 0 : i32
          %dma_wait3A_84 = tpu.memref_slice %arg12[%add3A_76, %dma_wait3A_83] : memref<144x128xi32, #tpu.memory_space<vmem>> -> memref<1x128xi32, #tpu.memory_space<vmem>>
          %dma_wait3A_85 = tpu.memref_squeeze %dma_wait3A_84 : memref<1x128xi32, #tpu.memory_space<vmem>> -> memref<128xi32, #tpu.memory_space<vmem>>
          %dma_wait3A_86 = arith.constant 0 : i32
          %dma_wait3A_87 = arith.constant 0 : i32
          %dma_wait3A_88 = tpu.memref_slice %arg22[%dma_wait3A_86, %dma_wait3A_87] : memref<10240x32xf32, #tpu.memory_space<vmem_shared>> -> memref<10240x32xf32, #tpu.memory_space<vmem_shared>>
          tpu.wait_indirect_dma semaphore(%run_scoped3A : memref<!tpu.dma_semaphore, #tpu.memory_space<semaphore_mem>>) src(%arg14 : memref<128x32xf32, #tpu.memory_space<vmem>>) dst(%dma_wait3A_88 : memref<10240x32xf32, #tpu.memory_space<vmem_shared>>)
          tpu.yield
        }) : () -> ()
      }
      %barrier3A_34 = arith.constant 0 : index
      tpu.barrier barrier_id(%barrier3A_34)
      "tpu.region"() ({
        %run_scoped3A = tpu.sem_alloc : memref<!tpu.dma_semaphore, #tpu.memory_space<semaphore_mem>>
        %dma_start3A = arith.constant 0 : i32
        %dma_start3A_46 = tpu.memref_slice %arg22[%add3A, %dma_start3A] : memref<10240x32xf32, #tpu.memory_space<vmem_shared>> -> memref<320x32xf32, #tpu.memory_space<vmem_shared>>
        %dma_start3A_47 = arith.constant 0 : i32
        %dma_start3A_48 = tpu.memref_slice %arg22[%add3A, %dma_start3A_47] : memref<10240x32xf32, #tpu.memory_space<vmem_shared>> -> memref<320x32xf32, #tpu.memory_space<vmem_shared>>
        tpu.enqueue_dma source(%dma_start3A_48 : memref<320x32xf32, #tpu.memory_space<vmem_shared>>) target(%arg17 : memref<320x32xf32, #tpu.memory_space<vmem>>) target_semaphore(%run_scoped3A : memref<!tpu.dma_semaphore, #tpu.memory_space<semaphore_mem>>)
        %dma_wait3A = arith.constant 0 : i32
        %dma_wait3A_49 = tpu.memref_slice %arg22[%add3A, %dma_wait3A] : memref<10240x32xf32, #tpu.memory_space<vmem_shared>> -> memref<320x32xf32, #tpu.memory_space<vmem_shared>>
        %dma_wait3A_50 = arith.constant 0 : i32
        %dma_wait3A_51 = tpu.memref_slice %arg22[%add3A, %dma_wait3A_50] : memref<10240x32xf32, #tpu.memory_space<vmem_shared>> -> memref<320x32xf32, #tpu.memory_space<vmem_shared>>
        tpu.wait_dma2 semaphore(%run_scoped3A : memref<!tpu.dma_semaphore, #tpu.memory_space<semaphore_mem>>) src(%dma_wait3A_51 : memref<320x32xf32, #tpu.memory_space<vmem_shared>>) dst(%arg17 : memref<320x32xf32, #tpu.memory_space<vmem>>)
        tpu.yield
      }) : () -> ()
      %scan3A_35 = arith.constant 0 : i32
      %scan3A_36 = arith.constant 0 : i32
      %scan3A_37 = arith.constant 320 : i32
      %scan3A_38 = arith.addi %scan3A_36, %scan3A_37 : i32
      %scan3A_39 = arith.constant 1 : i32
      scf.for %scan3A_46 = %scan3A_36 to %scan3A_38 step %scan3A_39  : i32 {
        %get3A_47 = arith.index_cast %scan3A_46 : i32 to index
        %get3A_48 = arith.constant 0 : index
        %get3A_49 = tpu.vector_load %arg15[%get3A_47, %get3A_48] {strides = array<i32>} : memref<320x32xf32, #tpu.memory_space<vmem>>, vector<16xf32>,
        %get3A_50 = arith.index_cast %scan3A_46 : i32 to index
        %get3A_51 = arith.constant 0 : index
        %get3A_52 = tpu.vector_load %arg17[%get3A_50, %get3A_51] {strides = array<i32>} : memref<320x32xf32, #tpu.memory_space<vmem>>, vector<16xf32>,
        %mul3A_53 = arith.mulf %get3A_49, %get3A_52 : vector<16xf32>
        %get3A_54 = arith.index_cast %scan3A_46 : i32 to index
        %get3A_55 = arith.constant 0 : index
        %get3A_56 = tpu.vector_load %arg16[%get3A_54, %get3A_55] {strides = array<i32>} : memref<320x32xf32, #tpu.memory_space<vmem>>, vector<16xf32>,
        %add3A_57 = arith.addf %mul3A_53, %get3A_56 : vector<16xf32>
        %swap3A = arith.index_cast %scan3A_46 : i32 to index
        %swap3A_58 = arith.constant 0 : index
        %swap3A_59 = tpu.vector_load %arg18[%swap3A, %swap3A_58] {strides = array<i32>} : memref<320x32xf32, #tpu.memory_space<vmem>>, vector<16xf32>,
        tpu.vector_store %arg18[%swap3A, %swap3A_58], %add3A_57 {strides = array<i32>} : memref<320x32xf32, #tpu.memory_space<vmem>>, vector<16xf32>,
        %get3A_60 = arith.index_cast %scan3A_46 : i32 to index
        %get3A_61 = arith.constant 16 : index
        %get3A_62 = tpu.vector_load %arg15[%get3A_60, %get3A_61] {strides = array<i32>} : memref<320x32xf32, #tpu.memory_space<vmem>>, vector<16xf32>,
        %get3A_63 = arith.index_cast %scan3A_46 : i32 to index
        %get3A_64 = arith.constant 16 : index
        %get3A_65 = tpu.vector_load %arg17[%get3A_63, %get3A_64] {strides = array<i32>} : memref<320x32xf32, #tpu.memory_space<vmem>>, vector<16xf32>,
        %mul3A_66 = arith.mulf %get3A_62, %get3A_65 : vector<16xf32>
        %get3A_67 = arith.index_cast %scan3A_46 : i32 to index
        %get3A_68 = arith.constant 16 : index
        %get3A_69 = tpu.vector_load %arg16[%get3A_67, %get3A_68] {strides = array<i32>} : memref<320x32xf32, #tpu.memory_space<vmem>>, vector<16xf32>,
        %add3A_70 = arith.addf %mul3A_66, %get3A_69 : vector<16xf32>
        %swap3A_71 = arith.index_cast %scan3A_46 : i32 to index
        %swap3A_72 = arith.constant 16 : index
        %swap3A_73 = tpu.vector_load %arg18[%swap3A_71, %swap3A_72] {strides = array<i32>} : memref<320x32xf32, #tpu.memory_space<vmem>>, vector<16xf32>,
        tpu.vector_store %arg18[%swap3A_71, %swap3A_72], %add3A_70 {strides = array<i32>} : memref<320x32xf32, #tpu.memory_space<vmem>>, vector<16xf32>,
      }
      %scan3A_40 = arith.constant 320 : i32
      "tpu.region"() ({
        %run_scoped3A = tpu.sem_alloc : memref<!tpu.dma_semaphore, #tpu.memory_space<semaphore_mem>>
        %dma_start3A = arith.constant 0 : i32
        %dma_start3A_46 = tpu.memref_slice %arg21[%add3A, %dma_start3A] : memref<10240x32xf32, #tpu.memory_space<vmem_shared>> -> memref<320x32xf32, #tpu.memory_space<vmem_shared>>
        %dma_start3A_47 = arith.constant 0 : i32
        %dma_start3A_48 = tpu.memref_slice %arg21[%add3A, %dma_start3A_47] : memref<10240x32xf32, #tpu.memory_space<vmem_shared>> -> memref<320x32xf32, #tpu.memory_space<vmem_shared>>
        tpu.enqueue_dma source(%arg18 : memref<320x32xf32, #tpu.memory_space<vmem>>) target(%dma_start3A_48 : memref<320x32xf32, #tpu.memory_space<vmem_shared>>) target_semaphore(%run_scoped3A : memref<!tpu.dma_semaphore, #tpu.memory_space<semaphore_mem>>)
        %dma_wait3A = arith.constant 0 : i32
        %dma_wait3A_49 = tpu.memref_slice %arg21[%add3A, %dma_wait3A] : memref<10240x32xf32, #tpu.memory_space<vmem_shared>> -> memref<320x32xf32, #tpu.memory_space<vmem_shared>>
        %dma_wait3A_50 = arith.constant 0 : i32
        %dma_wait3A_51 = tpu.memref_slice %arg21[%add3A, %dma_wait3A_50] : memref<10240x32xf32, #tpu.memory_space<vmem_shared>> -> memref<320x32xf32, #tpu.memory_space<vmem_shared>>
        tpu.wait_dma2 semaphore(%run_scoped3A : memref<!tpu.dma_semaphore, #tpu.memory_space<semaphore_mem>>) src(%arg18 : memref<320x32xf32, #tpu.memory_space<vmem>>) dst(%dma_wait3A_51 : memref<320x32xf32, #tpu.memory_space<vmem_shared>>)
        tpu.yield
      }) : () -> ()
      "tpu.region"() ({
        %run_scoped3A = tpu.sem_alloc : memref<!tpu.dma_semaphore, #tpu.memory_space<semaphore_mem>>
        %dma_start3A = arith.constant 0 : i32
        %dma_start3A_46 = tpu.memref_slice %arg22[%add3A, %dma_start3A] : memref<10240x32xf32, #tpu.memory_space<vmem_shared>> -> memref<320x32xf32, #tpu.memory_space<vmem_shared>>
        %dma_start3A_47 = arith.constant 0 : i32
        %dma_start3A_48 = tpu.memref_slice %arg22[%add3A, %dma_start3A_47] : memref<10240x32xf32, #tpu.memory_space<vmem_shared>> -> memref<320x32xf32, #tpu.memory_space<vmem_shared>>
        tpu.enqueue_dma source(%arg18 : memref<320x32xf32, #tpu.memory_space<vmem>>) target(%dma_start3A_48 : memref<320x32xf32, #tpu.memory_space<vmem_shared>>) target_semaphore(%run_scoped3A : memref<!tpu.dma_semaphore, #tpu.memory_space<semaphore_mem>>)
        %dma_wait3A = arith.constant 0 : i32
        %dma_wait3A_49 = tpu.memref_slice %arg22[%add3A, %dma_wait3A] : memref<10240x32xf32, #tpu.memory_space<vmem_shared>> -> memref<320x32xf32, #tpu.memory_space<vmem_shared>>
        %dma_wait3A_50 = arith.constant 0 : i32
        %dma_wait3A_51 = tpu.memref_slice %arg22[%add3A, %dma_wait3A_50] : memref<10240x32xf32, #tpu.memory_space<vmem_shared>> -> memref<320x32xf32, #tpu.memory_space<vmem_shared>>
        tpu.wait_dma2 semaphore(%run_scoped3A : memref<!tpu.dma_semaphore, #tpu.memory_space<semaphore_mem>>) src(%arg18 : memref<320x32xf32, #tpu.memory_space<vmem>>) dst(%dma_wait3A_51 : memref<320x32xf32, #tpu.memory_space<vmem_shared>>)
        tpu.yield
      }) : () -> ()
      %lt3A = arith.constant 9 : i32
      %lt3A_41 = arith.cmpi slt, %scan3A_22, %lt3A : i32
      %convert_element_type3A_42 = arith.extui %lt3A_41 : i1 to i32
      %cond3A_43 = arith.constant 0 : i32
      %cond3A_44 = arith.cmpi ne, %convert_element_type3A_42, %cond3A_43 : i32
      scf.if %cond3A_44 {
        %add3A_46 = arith.constant 1 : i32
        %add3A_47 = arith.addi %scan3A_22, %add3A_46 : i32
        %and3A = arith.constant 1 : i32
        %and3A_48 = arith.andi %add3A_47, %and3A : i32
        %mul3A_49 = arith.constant 320 : i32
        %mul3A_50 = arith.muli %arg1, %mul3A_49 : i32
        "tpu.region"() ({
          %run_scoped3A = tpu.sem_alloc : memref<!tpu.dma_semaphore, #tpu.memory_space<semaphore_mem>>
          %dma_start3A = arith.constant 0 : i32
          %dma_start3A_58 = tpu.memref_slice %arg8[%and3A_48, %arg0, %mul3A_50, %dma_start3A] : memref<2x2x5120x32xf32, #tpu.memory_space<hbm>> -> memref<1x1x320x32xf32, #tpu.memory_space<hbm>>
          %dma_start3A_59 = tpu.memref_squeeze %dma_start3A_58 : memref<1x1x320x32xf32, #tpu.memory_space<hbm>> -> memref<320x32xf32, #tpu.memory_space<hbm>>
          %dma_start3A_60 = arith.constant 0 : i32
          %dma_start3A_61 = tpu.memref_slice %arg8[%and3A_48, %arg0, %mul3A_50, %dma_start3A_60] : memref<2x2x5120x32xf32, #tpu.memory_space<hbm>> -> memref<1x1x320x32xf32, #tpu.memory_space<hbm>>
          %dma_start3A_62 = tpu.memref_squeeze %dma_start3A_61 : memref<1x1x320x32xf32, #tpu.memory_space<hbm>> -> memref<320x32xf32, #tpu.memory_space<hbm>>
          tpu.enqueue_dma source(%arg18 : memref<320x32xf32, #tpu.memory_space<vmem>>) target(%dma_start3A_62 : memref<320x32xf32, #tpu.memory_space<hbm>>) target_semaphore(%run_scoped3A : memref<!tpu.dma_semaphore, #tpu.memory_space<semaphore_mem>>)
          %dma_wait3A = arith.constant 0 : i32
          %dma_wait3A_63 = tpu.memref_slice %arg8[%and3A_48, %arg0, %mul3A_50, %dma_wait3A] : memref<2x2x5120x32xf32, #tpu.memory_space<hbm>> -> memref<1x1x320x32xf32, #tpu.memory_space<hbm>>
          %dma_wait3A_64 = tpu.memref_squeeze %dma_wait3A_63 : memref<1x1x320x32xf32, #tpu.memory_space<hbm>> -> memref<320x32xf32, #tpu.memory_space<hbm>>
          %dma_wait3A_65 = arith.constant 0 : i32
          %dma_wait3A_66 = tpu.memref_slice %arg8[%and3A_48, %arg0, %mul3A_50, %dma_wait3A_65] : memref<2x2x5120x32xf32, #tpu.memory_space<hbm>> -> memref<1x1x320x32xf32, #tpu.memory_space<hbm>>
          %dma_wait3A_67 = tpu.memref_squeeze %dma_wait3A_66 : memref<1x1x320x32xf32, #tpu.memory_space<hbm>> -> memref<320x32xf32, #tpu.memory_space<hbm>>
          tpu.wait_dma2 semaphore(%run_scoped3A : memref<!tpu.dma_semaphore, #tpu.memory_space<semaphore_mem>>) src(%arg18 : memref<320x32xf32, #tpu.memory_space<vmem>>) dst(%dma_wait3A_67 : memref<320x32xf32, #tpu.memory_space<hbm>>)
          tpu.yield
        }) : () -> ()
        %add3A_51 = arith.constant 1554480641 : i32
        %add3A_52 = arith.addi %add3A_51, %scan3A_22 : i32
        %broadcast_in_dim3A = vector.broadcast %add3A_52 : i32 to vector<16xi32>
        %swap3A = arith.constant 0 : index
        %swap3A_53 = tpu.vector_load %arg20[%swap3A] {strides = array<i32>} : memref<16xi32, #tpu.memory_space<vmem>>, vector<16xi32>,
        tpu.vector_store %arg20[%swap3A], %broadcast_in_dim3A {strides = array<i32>} : memref<16xi32, #tpu.memory_space<vmem>>, vector<16xi32>,
        "tpu.region"() ({
          %run_scoped3A = tpu.sem_alloc : memref<!tpu.dma_semaphore, #tpu.memory_space<semaphore_mem>>
          %dma_start3A = arith.constant 0 : i32
          %dma_start3A_58 = tpu.memref_slice %arg9[%arg0, %arg1, %dma_start3A] : memref<2x16x16xi32, #tpu.memory_space<hbm>> -> memref<1x1x16xi32, #tpu.memory_space<hbm>>
          %dma_start3A_59 = tpu.memref_squeeze %dma_start3A_58 : memref<1x1x16xi32, #tpu.memory_space<hbm>> -> memref<16xi32, #tpu.memory_space<hbm>>
          %dma_start3A_60 = arith.constant 0 : i32
          %dma_start3A_61 = tpu.memref_slice %arg9[%arg0, %arg1, %dma_start3A_60] : memref<2x16x16xi32, #tpu.memory_space<hbm>> -> memref<1x1x16xi32, #tpu.memory_space<hbm>>
          %dma_start3A_62 = tpu.memref_squeeze %dma_start3A_61 : memref<1x1x16xi32, #tpu.memory_space<hbm>> -> memref<16xi32, #tpu.memory_space<hbm>>
          tpu.enqueue_dma source(%arg20 : memref<16xi32, #tpu.memory_space<vmem>>) target(%dma_start3A_62 : memref<16xi32, #tpu.memory_space<hbm>>) target_semaphore(%run_scoped3A : memref<!tpu.dma_semaphore, #tpu.memory_space<semaphore_mem>>)
          %dma_wait3A = arith.constant 0 : i32
          %dma_wait3A_63 = tpu.memref_slice %arg9[%arg0, %arg1, %dma_wait3A] : memref<2x16x16xi32, #tpu.memory_space<hbm>> -> memref<1x1x16xi32, #tpu.memory_space<hbm>>
          %dma_wait3A_64 = tpu.memref_squeeze %dma_wait3A_63 : memref<1x1x16xi32, #tpu.memory_space<hbm>> -> memref<16xi32, #tpu.memory_space<hbm>>
          %dma_wait3A_65 = arith.constant 0 : i32
          %dma_wait3A_66 = tpu.memref_slice %arg9[%arg0, %arg1, %dma_wait3A_65] : memref<2x16x16xi32, #tpu.memory_space<hbm>> -> memref<1x1x16xi32, #tpu.memory_space<hbm>>
          %dma_wait3A_67 = tpu.memref_squeeze %dma_wait3A_66 : memref<1x1x16xi32, #tpu.memory_space<hbm>> -> memref<16xi32, #tpu.memory_space<hbm>>
          tpu.wait_dma2 semaphore(%run_scoped3A : memref<!tpu.dma_semaphore, #tpu.memory_space<semaphore_mem>>) src(%arg20 : memref<16xi32, #tpu.memory_space<vmem>>) dst(%dma_wait3A_67 : memref<16xi32, #tpu.memory_space<hbm>>)
          tpu.yield
        }) : () -> ()
        %while3A_54 = arith.constant 0 : i32
        %while3A_55 = scf.while (%while3A_58 = %while3A_54) : (i32) -> i32 {
          %add3A_59 = arith.constant 1554480641 : i32
          %add3A_60 = arith.addi %add3A_59, %scan3A_22 : i32
          %ne3A = arith.cmpi ne, %while3A_58, %add3A_60 : i32
          scf.condition(%ne3A) %while3A_58 : i32
        } do {
        ^bb0(%while3A_58: i32):
          "tpu.region"() ({
            %run_scoped3A = tpu.sem_alloc : memref<!tpu.dma_semaphore, #tpu.memory_space<semaphore_mem>>
            %dma_start3A = arith.constant 0 : i32
            %dma_start3A_63 = tpu.memref_slice %arg9[%sub3A_0, %arg1, %dma_start3A] : memref<2x16x16xi32, #tpu.memory_space<hbm>> -> memref<1x1x16xi32, #tpu.memory_space<hbm>>
            %dma_start3A_64 = tpu.memref_squeeze %dma_start3A_63 : memref<1x1x16xi32, #tpu.memory_space<hbm>> -> memref<16xi32, #tpu.memory_space<hbm>>
            %dma_start3A_65 = arith.constant 0 : i32
            %dma_start3A_66 = tpu.memref_slice %arg9[%sub3A_0, %arg1, %dma_start3A_65] : memref<2x16x16xi32, #tpu.memory_space<hbm>> -> memref<1x1x16xi32, #tpu.memory_space<hbm>>
            %dma_start3A_67 = tpu.memref_squeeze %dma_start3A_66 : memref<1x1x16xi32, #tpu.memory_space<hbm>> -> memref<16xi32, #tpu.memory_space<hbm>>
            tpu.enqueue_dma source(%dma_start3A_67 : memref<16xi32, #tpu.memory_space<hbm>>) target(%arg20 : memref<16xi32, #tpu.memory_space<vmem>>) target_semaphore(%run_scoped3A : memref<!tpu.dma_semaphore, #tpu.memory_space<semaphore_mem>>)
            %dma_wait3A = arith.constant 0 : i32
            %dma_wait3A_68 = tpu.memref_slice %arg9[%sub3A_0, %arg1, %dma_wait3A] : memref<2x16x16xi32, #tpu.memory_space<hbm>> -> memref<1x1x16xi32, #tpu.memory_space<hbm>>
            %dma_wait3A_69 = tpu.memref_squeeze %dma_wait3A_68 : memref<1x1x16xi32, #tpu.memory_space<hbm>> -> memref<16xi32, #tpu.memory_space<hbm>>
            %dma_wait3A_70 = arith.constant 0 : i32
            %dma_wait3A_71 = tpu.memref_slice %arg9[%sub3A_0, %arg1, %dma_wait3A_70] : memref<2x16x16xi32, #tpu.memory_space<hbm>> -> memref<1x1x16xi32, #tpu.memory_space<hbm>>
            %dma_wait3A_72 = tpu.memref_squeeze %dma_wait3A_71 : memref<1x1x16xi32, #tpu.memory_space<hbm>> -> memref<16xi32, #tpu.memory_space<hbm>>
            tpu.wait_dma2 semaphore(%run_scoped3A : memref<!tpu.dma_semaphore, #tpu.memory_space<semaphore_mem>>) src(%dma_wait3A_72 : memref<16xi32, #tpu.memory_space<hbm>>) dst(%arg20 : memref<16xi32, #tpu.memory_space<vmem>>)
            tpu.yield
          }) : () -> ()
          %get3A_59 = arith.constant 0 : index
          %get3A_60 = tpu.vector_load %arg20[%get3A_59] {strides = array<i32>} : memref<16xi32, #tpu.memory_space<vmem>>, vector<16xi32>,
          %slice3A_61 = vector.extract_strided_slice %get3A_60 {offsets = [0], sizes = [1], strides = [1]} : vector<16xi32> to vector<1xi32>
          %squeeze3A_62 = vector.extract %slice3A_61[0] : i32 from vector<1xi32>
          scf.yield %squeeze3A_62 : i32
        }
        %mul3A_56 = arith.constant 320 : i32
        %mul3A_57 = arith.muli %arg1, %mul3A_56 : i32
        "tpu.region"() ({
          %run_scoped3A = tpu.sem_alloc : memref<!tpu.dma_semaphore, #tpu.memory_space<semaphore_mem>>
          %dma_start3A = arith.constant 0 : i32
          %dma_start3A_58 = tpu.memref_slice %arg21[%add3A_8, %dma_start3A] : memref<10240x32xf32, #tpu.memory_space<vmem_shared>> -> memref<320x32xf32, #tpu.memory_space<vmem_shared>>
          %dma_start3A_59 = arith.constant 0 : i32
          %dma_start3A_60 = tpu.memref_slice %arg8[%and3A_48, %sub3A_0, %mul3A_57, %dma_start3A_59] : memref<2x2x5120x32xf32, #tpu.memory_space<hbm>> -> memref<1x1x320x32xf32, #tpu.memory_space<hbm>>
          %dma_start3A_61 = tpu.memref_squeeze %dma_start3A_60 : memref<1x1x320x32xf32, #tpu.memory_space<hbm>> -> memref<320x32xf32, #tpu.memory_space<hbm>>
          tpu.enqueue_dma source(%dma_start3A_61 : memref<320x32xf32, #tpu.memory_space<hbm>>) target(%dma_start3A_58 : memref<320x32xf32, #tpu.memory_space<vmem_shared>>) target_semaphore(%run_scoped3A : memref<!tpu.dma_semaphore, #tpu.memory_space<semaphore_mem>>)
          %dma_wait3A = arith.constant 0 : i32
          %dma_wait3A_62 = tpu.memref_slice %arg21[%add3A_8, %dma_wait3A] : memref<10240x32xf32, #tpu.memory_space<vmem_shared>> -> memref<320x32xf32, #tpu.memory_space<vmem_shared>>
          %dma_wait3A_63 = arith.constant 0 : i32
          %dma_wait3A_64 = tpu.memref_slice %arg8[%and3A_48, %sub3A_0, %mul3A_57, %dma_wait3A_63] : memref<2x2x5120x32xf32, #tpu.memory_space<hbm>> -> memref<1x1x320x32xf32, #tpu.memory_space<hbm>>
          %dma_wait3A_65 = tpu.memref_squeeze %dma_wait3A_64 : memref<1x1x320x32xf32, #tpu.memory_space<hbm>> -> memref<320x32xf32, #tpu.memory_space<hbm>>
          tpu.wait_dma2 semaphore(%run_scoped3A : memref<!tpu.dma_semaphore, #tpu.memory_space<semaphore_mem>>) src(%dma_wait3A_65 : memref<320x32xf32, #tpu.memory_space<hbm>>) dst(%dma_wait3A_62 : memref<320x32xf32, #tpu.memory_space<vmem_shared>>)
          tpu.yield
        }) : () -> ()
      } else {
      }
      %barrier3A_45 = arith.constant 0 : index
      tpu.barrier barrier_id(%barrier3A_45)
    }
    %scan3A_21 = arith.constant 10 : i32
    "tpu.region"() ({
      %run_scoped3A = tpu.sem_alloc : memref<!tpu.dma_semaphore, #tpu.memory_space<semaphore_mem>>
      %dma_start3A = arith.constant 0 : i32
      %dma_start3A_22 = tpu.memref_slice %arg10[%add3A, %dma_start3A] : memref<10240x32xf32, #tpu.memory_space<hbm>> -> memref<320x32xf32, #tpu.memory_space<hbm>>
      %dma_start3A_23 = arith.constant 0 : i32
      %dma_start3A_24 = tpu.memref_slice %arg10[%add3A, %dma_start3A_23] : memref<10240x32xf32, #tpu.memory_space<hbm>> -> memref<320x32xf32, #tpu.memory_space<hbm>>
      tpu.enqueue_dma source(%arg18 : memref<320x32xf32, #tpu.memory_space<vmem>>) target(%dma_start3A_24 : memref<320x32xf32, #tpu.memory_space<hbm>>) target_semaphore(%run_scoped3A : memref<!tpu.dma_semaphore, #tpu.memory_space<semaphore_mem>>)
      %dma_wait3A = arith.constant 0 : i32
      %dma_wait3A_25 = tpu.memref_slice %arg10[%add3A, %dma_wait3A] : memref<10240x32xf32, #tpu.memory_space<hbm>> -> memref<320x32xf32, #tpu.memory_space<hbm>>
      %dma_wait3A_26 = arith.constant 0 : i32
      %dma_wait3A_27 = tpu.memref_slice %arg10[%add3A, %dma_wait3A_26] : memref<10240x32xf32, #tpu.memory_space<hbm>> -> memref<320x32xf32, #tpu.memory_space<hbm>>
      tpu.wait_dma2 semaphore(%run_scoped3A : memref<!tpu.dma_semaphore, #tpu.memory_space<semaphore_mem>>) src(%arg18 : memref<320x32xf32, #tpu.memory_space<vmem>>) dst(%dma_wait3A_27 : memref<320x32xf32, #tpu.memory_space<hbm>>)
      tpu.yield
    }) : () -> ()
    return
  }
}

module attributes {stable_mosaic.version = 14 : i64} {
  func.func @_mlp_body(%arg0: i32, %arg1: memref<1000x128xf32, #tpu.memory_space<vmem>>, %arg2: memref<128x256xf32, #tpu.memory_space<vmem>>, %arg3: memref<1x256xf32, #tpu.memory_space<vmem>>, %arg4: memref<256x32xf32, #tpu.memory_space<vmem>>, %arg5: memref<1x32xf32, #tpu.memory_space<vmem>>, %arg6: memref<1000x32xf32, #tpu.memory_space<vmem>>) attributes {dimension_semantics = [#tpu.dimension_semantics<arbitrary>], iteration_bounds = array<i64: 10>, scalar_prefetch = 0 : i64, scratch_operands = 0 : i64, tpu.core_type = #tpu.core_type<tc>, window_params = [{transform_indices = @transform_0, window_bounds = array<i64: 1000, 128>}, {pipeline_mode = #tpu.pipeline_mode<synchronous>, transform_indices = @transform_1, window_bounds = array<i64: 128, 256>}, {pipeline_mode = #tpu.pipeline_mode<synchronous>, transform_indices = @transform_2, window_bounds = array<i64: 1, 256>}, {pipeline_mode = #tpu.pipeline_mode<synchronous>, transform_indices = @transform_3, window_bounds = array<i64: 256, 32>}, {pipeline_mode = #tpu.pipeline_mode<synchronous>, transform_indices = @transform_4, window_bounds = array<i64: 1, 32>}, {transform_indices = @transform_5, window_bounds = array<i64: 1000, 32>}]} {
    %get3A = arith.constant 0 : index
    %get3A_0 = arith.constant 0 : index
    %get3A_1 = vector.load %arg1[%get3A, %get3A_0] : memref<1000x128xf32, #tpu.memory_space<vmem>>, vector<1000x128xf32>
    %get3A_2 = arith.constant 0 : index
    %get3A_3 = arith.constant 0 : index
    %get3A_4 = vector.load %arg2[%get3A_2, %get3A_3] : memref<128x256xf32, #tpu.memory_space<vmem>>, vector<128x256xf32>
    %dot_general3A = arith.constant dense<0.000000e+00> : vector<1000x256xf32>
    %dot_general3A_5 = tpu.matmul %get3A_1, %get3A_4, %dot_general3A {dimension_numbers = #tpu.dot_dimension_numbers<[1], [0], [0], [1], [0, 0, 1, 1], [], []>, transpose_lhs_hint = false} : vector<1000x128xf32>, vector<128x256xf32>, vector<1000x256xf32> -> vector<1000x256xf32>
    %get3A_6 = arith.constant 0 : index
    %get3A_7 = arith.constant 0 : index
    %get3A_8 = vector.load %arg3[%get3A_6, %get3A_7] : memref<1x256xf32, #tpu.memory_space<vmem>>, vector<1x256xf32>
    %add3A = vector.broadcast %get3A_8 : vector<1x256xf32> to vector<1000x256xf32>
    %add3A_9 = arith.addf %dot_general3A_5, %add3A : vector<1000x256xf32>
    %max3A = arith.constant 0.000000e+00 : f32
    %max3A_10 = vector.broadcast %max3A : f32 to vector<1000x256xf32>
    %max3A_11 = arith.maximumf %add3A_9, %max3A_10 : vector<1000x256xf32>
    %get3A_12 = arith.constant 0 : index
    %get3A_13 = arith.constant 0 : index
    %get3A_14 = vector.load %arg4[%get3A_12, %get3A_13] : memref<256x32xf32, #tpu.memory_space<vmem>>, vector<256x32xf32>
    %dot_general3A_15 = arith.constant dense<0.000000e+00> : vector<1000x32xf32>
    %dot_general3A_16 = tpu.matmul %max3A_11, %get3A_14, %dot_general3A_15 {dimension_numbers = #tpu.dot_dimension_numbers<[1], [0], [0], [1], [0, 0, 1, 1], [], []>, transpose_lhs_hint = false} : vector<1000x256xf32>, vector<256x32xf32>, vector<1000x32xf32> -> vector<1000x32xf32>
    %get3A_17 = arith.constant 0 : index
    %get3A_18 = arith.constant 0 : index
    %get3A_19 = vector.load %arg5[%get3A_17, %get3A_18] : memref<1x32xf32, #tpu.memory_space<vmem>>, vector<1x32xf32>
    %add3A_20 = vector.broadcast %get3A_19 : vector<1x32xf32> to vector<1000x32xf32>
    %add3A_21 = arith.addf %dot_general3A_16, %add3A_20 : vector<1000x32xf32>
    %swap3A = arith.constant 0 : index
    %swap3A_22 = arith.constant 0 : index
    %swap3A_23 = vector.load %arg6[%swap3A, %swap3A_22] : memref<1000x32xf32, #tpu.memory_space<vmem>>, vector<1000x32xf32>
    tpu.vector_store %arg6[%swap3A, %swap3A_22], %add3A_21 {strides = array<i32>} : memref<1000x32xf32, #tpu.memory_space<vmem>>, vector<1000x32xf32>,
    return
  }
  func.func @transform_0(%arg0: i32) -> (i32, i32) {
    %c0_i32 = arith.constant 0 : i32
    %c0_i32_0 = arith.constant 0 : i32
    return %arg0, %c0_i32 : i32, i32
  }
  func.func @transform_1(%arg0: i32) -> (i32, i32) {
    %c0_i32 = arith.constant 0 : i32
    %c0_i32_0 = arith.constant 0 : i32
    %c0_i32_1 = arith.constant 0 : i32
    return %c0_i32, %c0_i32_0 : i32, i32
  }
  func.func @transform_2(%arg0: i32) -> (i32, i32) {
    %c0_i32 = arith.constant 0 : i32
    %c0_i32_0 = arith.constant 0 : i32
    %c0_i32_1 = arith.constant 0 : i32
    return %c0_i32, %c0_i32_0 : i32, i32
  }
  func.func @transform_3(%arg0: i32) -> (i32, i32) {
    %c0_i32 = arith.constant 0 : i32
    %c0_i32_0 = arith.constant 0 : i32
    %c0_i32_1 = arith.constant 0 : i32
    return %c0_i32, %c0_i32_0 : i32, i32
  }
  func.func @transform_4(%arg0: i32) -> (i32, i32) {
    %c0_i32 = arith.constant 0 : i32
    %c0_i32_0 = arith.constant 0 : i32
    %c0_i32_1 = arith.constant 0 : i32
    return %c0_i32, %c0_i32_0 : i32, i32
  }
  func.func @transform_5(%arg0: i32) -> (i32, i32) {
    %c0_i32 = arith.constant 0 : i32
    %c0_i32_0 = arith.constant 0 : i32
    return %arg0, %c0_i32 : i32, i32
  }
}

module attributes {stable_mosaic.version = 14 : i64} {
  func.func @_prep_body(%arg0: memref<10240x32xf32, #tpu.memory_space<vmem>>, %arg1: memref<10240x32xf32, #tpu.memory_space<vmem>>, %arg2: memref<10240x32xf32, #tpu.memory_space<vmem>>, %arg3: memref<10240x32xf32, #tpu.memory_space<vmem>>, %arg4: memref<10240x32xf32, #tpu.memory_space<vmem>>, %arg5: memref<10240x32xf32, #tpu.memory_space<vmem>>) attributes {dimension_semantics = [], scalar_prefetch = 0 : i64, scratch_operands = 0 : i64, tpu.core_type = #tpu.core_type<tc>} {
    %get3A = arith.constant 0 : index
    %get3A_0 = arith.constant 0 : index
    %get3A_1 = vector.load %arg0[%get3A, %get3A_0] : memref<10240x32xf32, #tpu.memory_space<vmem>>, vector<10240x32xf32>
    %rsqrt3A = math.rsqrt %get3A_1 : vector<10240x32xf32>
    %get3A_2 = arith.constant 0 : index
    %get3A_3 = arith.constant 0 : index
    %get3A_4 = vector.load %arg1[%get3A_2, %get3A_3] : memref<10240x32xf32, #tpu.memory_space<vmem>>, vector<10240x32xf32>
    %div3A = arith.constant 0.899999976 : f32
    %div3A_5 = vector.broadcast %div3A : f32 to vector<10240x32xf32>
    %div3A_6 = arith.divf %div3A_5, %get3A_1 : vector<10240x32xf32>
    %swap3A = arith.constant 0 : index
    %swap3A_7 = arith.constant 0 : index
    %swap3A_8 = vector.load %arg2[%swap3A, %swap3A_7] : memref<10240x32xf32, #tpu.memory_space<vmem>>, vector<10240x32xf32>
    tpu.vector_store %arg2[%swap3A, %swap3A_7], %div3A_6 {strides = array<i32>} : memref<10240x32xf32, #tpu.memory_space<vmem>>, vector<10240x32xf32>,
    %mul3A = arith.constant 1.000000e-01 : f32
    %mul3A_9 = vector.broadcast %mul3A : f32 to vector<10240x32xf32>
    %mul3A_10 = arith.mulf %mul3A_9, %rsqrt3A : vector<10240x32xf32>
    %mul3A_11 = arith.mulf %mul3A_10, %get3A_4 : vector<10240x32xf32>
    %swap3A_12 = arith.constant 0 : index
    %swap3A_13 = arith.constant 0 : index
    %swap3A_14 = vector.load %arg3[%swap3A_12, %swap3A_13] : memref<10240x32xf32, #tpu.memory_space<vmem>>, vector<10240x32xf32>
    tpu.vector_store %arg3[%swap3A_12, %swap3A_13], %mul3A_11 {strides = array<i32>} : memref<10240x32xf32, #tpu.memory_space<vmem>>, vector<10240x32xf32>,
    %mul3A_15 = arith.mulf %rsqrt3A, %get3A_4 : vector<10240x32xf32>
    %swap3A_16 = arith.constant 0 : index
    %swap3A_17 = arith.constant 0 : index
    %swap3A_18 = vector.load %arg4[%swap3A_16, %swap3A_17] : memref<10240x32xf32, #tpu.memory_space<vmem>>, vector<10240x32xf32>
    tpu.vector_store %arg4[%swap3A_16, %swap3A_17], %mul3A_15 {strides = array<i32>} : memref<10240x32xf32, #tpu.memory_space<vmem>>, vector<10240x32xf32>,
    %sqrt3A = math.sqrt %get3A_1 : vector<10240x32xf32>
    %swap3A_19 = arith.constant 0 : index
    %swap3A_20 = arith.constant 0 : index
    %swap3A_21 = vector.load %arg5[%swap3A_19, %swap3A_20] : memref<10240x32xf32, #tpu.memory_space<vmem>>, vector<10240x32xf32>
    tpu.vector_store %arg5[%swap3A_19, %swap3A_20], %sqrt3A {strides = array<i32>} : memref<10240x32xf32, #tpu.memory_space<vmem>>, vector<10240x32xf32>,
    return
  }
}

module attributes {stable_mosaic.version = 14 : i64} {
  func.func @_final_body(%arg0: memref<10000x32xf32, #tpu.memory_space<vmem>>, %arg1: memref<10000x32xf32, #tpu.memory_space<vmem>>, %arg2: memref<10000x32xf32, #tpu.memory_space<vmem>>, %arg3: memref<10000x32xf32, #tpu.memory_space<vmem>>) attributes {dimension_semantics = [], scalar_prefetch = 0 : i64, scratch_operands = 0 : i64, tpu.core_type = #tpu.core_type<tc>} {
    %get3A = arith.constant 0 : index
    %get3A_0 = arith.constant 0 : index
    %get3A_1 = vector.load %arg0[%get3A, %get3A_0] : memref<10000x32xf32, #tpu.memory_space<vmem>>, vector<10000x32xf32>
    %get3A_2 = arith.constant 0 : index
    %get3A_3 = arith.constant 0 : index
    %get3A_4 = vector.load %arg1[%get3A_2, %get3A_3] : memref<10000x32xf32, #tpu.memory_space<vmem>>, vector<10000x32xf32>
    %mul3A = arith.mulf %get3A_1, %get3A_4 : vector<10000x32xf32>
    %reduce_max3A = arith.constant dense<0xFF800000> : vector<10000xf32>
    %reduce_max3A_5 = vector.multi_reduction <maximumf>, %mul3A, %reduce_max3A [1] : vector<10000x32xf32> to vector<10000xf32>
    %broadcast_in_dim3A = vector.shape_cast %reduce_max3A_5 : vector<10000xf32> to vector<10000x1xf32>
    %sub3A = vector.broadcast %broadcast_in_dim3A : vector<10000x1xf32> to vector<10000x32xf32>
    %sub3A_6 = arith.subf %mul3A, %sub3A : vector<10000x32xf32>
    %exp3A = math.exp %sub3A_6 : vector<10000x32xf32>
    %reduce_sum3A = arith.constant dense<0.000000e+00> : vector<10000xf32>
    %reduce_sum3A_7 = vector.multi_reduction <add>, %exp3A, %reduce_sum3A [1] : vector<10000x32xf32> to vector<10000xf32>
    %broadcast_in_dim3A_8 = vector.shape_cast %reduce_sum3A_7 : vector<10000xf32> to vector<10000x1xf32>
    %sub3A_9 = vector.broadcast %broadcast_in_dim3A : vector<10000x1xf32> to vector<10000x32xf32>
    %sub3A_10 = arith.subf %mul3A, %sub3A_9 : vector<10000x32xf32>
    %log3A = math.log %broadcast_in_dim3A_8 : vector<10000x1xf32>
    %sub3A_11 = vector.broadcast %log3A : vector<10000x1xf32> to vector<10000x32xf32>
    %sub3A_12 = arith.subf %sub3A_10, %sub3A_11 : vector<10000x32xf32>
    %swap3A = arith.constant 0 : index
    %swap3A_13 = arith.constant 0 : index
    %swap3A_14 = vector.load %arg2[%swap3A, %swap3A_13] : memref<10000x32xf32, #tpu.memory_space<vmem>>, vector<10000x32xf32>
    tpu.vector_store %arg2[%swap3A, %swap3A_13], %sub3A_12 {strides = array<i32>} : memref<10000x32xf32, #tpu.memory_space<vmem>>, vector<10000x32xf32>,
    %swap3A_15 = arith.constant 0 : index
    %swap3A_16 = arith.constant 0 : index
    %swap3A_17 = vector.load %arg3[%swap3A_15, %swap3A_16] : memref<10000x32xf32, #tpu.memory_space<vmem>>, vector<10000x32xf32>
    tpu.vector_store %arg3[%swap3A_15, %swap3A_16], %mul3A {strides = array<i32>} : memref<10000x32xf32, #tpu.memory_space<vmem>>, vector<10000x32xf32>,
    return
  }
}

</mosaic_0001>

<sc_bundles>
// kernel: kernel.11.cloned.1.call-start
scs
__scs_entry_jumppad:
0x0: {  	(pc) =	sbr.rel $0x88, $3  }
0x1: {  	(tag) =	ssettag $0x0;
	lr =	simm.s32 $0x1  }
0x2: {  	[smem:$0x3F9B] =	sst lr;
	_ =	strace $0xD0000000  }
0x3: {  	_ = 	snop  }
0x4: {  	_ = 	snop  }
0x5: {  	_ = 	snop  }
0x6: {  	_ = 	snop  }
0x7: {  	_ = 	snop  }
__scs_overlays_trampoline_lowered:
0x8: {  	[smem:$0x3FAA] =	sst s0  }
0x9: {  	[smem:$0x3FAB] =	sst s1  }
0xa: {  	[smem:$0x3FAC] =	sst s2  }
0xb: {  	[smem:$0x3FAD] =	sst s3  }
0xc: {  	[smem:$0x3FAE] =	sst s4  }
0xd: {  	[smem:$0x3FAF] =	sst s5  }
0xe: {  	[smem:$0x3FB0] =	sst s6  }
0xf: {  	[smem:$0x3FB1] =	sst s7  }
0x10: {  	[smem:$0x3FB2] =	sst s8  }
0x11: {  	[smem:$0x3FB3] =	sst s9;
	s0 =	simm.s32 @!p0 $0x0  }
0x12: {  	s1 =	sld [smem:$0x3F99];
	s0 =	simm.s32 @p0 $0x1  }
0x13: {  	[smem:$0x3FB4] =	sst s0;
	s0 =	simm.s32 @!p1 $0x0  }
0x14: {  	s2 =	sld [smem:$0x3F98];
	s0 =	simm.s32 @p1 $0x1  }
0x15: {  	[smem:$0x3FB5] =	sst s0;
	s0 =	simm.s32 @!p2 $0x0  }
0x16: {  	s3 =	sld [smem:$0x3FDB];
	s0 =	simm.s32 @p2 $0x1  }
0x17: {  	s4 =	simm.s32 $0x1BF5;
	[smem:$0x3FB7] =	sst s0  }
0x18: {  	s0 =	sld [smem:$0x3F9A];
	_ =	swait.ge [sflag:s4], $0x0  }
0x19: {  	s7 =	sld [smem:$0x3F9B]  }
0x1a: {  	s8 =	sadd.s32 $0xFFFFE003, lr  }
0x1b: {  	s9 =	sadd.s32 $0xFFFFFEF7, lr;
	s5 =	simm.s32 $0xFFFFFFFF;
	p2 =	slt.u32 s8, $0xFFFFF086  }
0x1c: {  	p1 =	slt.u32 s9, $0xF7A;
	s5 =	simm.s32 @!p2 $0x0  }
0x1d: {  	s5 =	simm.s32 @p1 $0x1;
	p0 =	seq.s32 s7, s2  }
0x1e: {  	s7 =	smul.u32 @!p0 $0xF7A, s2;
	p2 =	seq.s32 @!p0 s5, $0x0  }
0x1f: {  	s9 =	smul.u32 $0xF7A, s1;
	s8 =	simm.s32 @!p0 $0x1BF5;
	p2 =	por !p2, p0  }
0x20: {  	[sflag:s8] =	ssyncset.s32 @!p0 $0xFFFFF086;
	s6 =	sadd.s32 @!p0 s3, s7;
	s7 =	simm.s32 @!p0 $0x108  }
0x21: {  	s3 =	sadd.s32 s3, s9;
	s6 =	sadd.s32 @!p0 $0x88, s6;
	s7 =	simm.s32 @p2 $0x1082  }
0x22: {  	[simem:s7], [sflag:s8] =	dma.local @!p0 [hbm:s6], $0xF7A  }
0x23: {  	s9 =	sor.u32 $0xD0000000, s2;
	s6 =	simm.s32 $0x108;
	_ =	swait.ge @!p0 [sflag:s8], $0x0  }
0x24: {  	s3 =	sadd.s32 $0x88, s3;
	s6 =	simm.s32 @!p1 $0x1082;
	[sflag:s4] =	ssyncset.s32 $0xFFFFF086  }
0x25: {  	[simem:s6], [sflag:s4] =	dma.local [hbm:s3], $0xF7A  }
0x26: {  	[smem:$0x3F9B] =	sst s1;
	(tag) =	ssettag s2;
	_ =	strace s9  }
0x27: {  	s1 =	sld [smem:$0x3FAB]  }
0x28: {  	s2 =	sld [smem:$0x3FAC]  }
0x29: {  	s4 =	sld [smem:$0x3FAE]  }
0x2a: {  	p0 =	seq.s32 s5, $0x0;
	s5 =	sld [smem:$0x3FAF]  }
0x2b: {  	s6 =	sld [smem:$0x3FB0]  }
0x2c: {  	s7 =	sld [smem:$0x3FB1]  }
0x2d: {  	s3 =	simm.s32 $0x108;
	s8 =	sld [smem:$0x3FB2]  }
0x2e: {  	s3 =	simm.s32 @!p0 $0x1082;
	s9 =	sld [smem:$0x3FB3]  }
0x2f: {  	lr =	sadd.s32 s0, s3;
	s0 =	sld [smem:$0x3FAA]  }
0x30: {  	s3 =	sld [smem:$0x3FAD]  }
0x31: {  	[smem:$0x3FB6] =	sst s10  }
0x32: {  	s10 =	sld [smem:$0x3FB4];
	_ =	sdelay $0x3  }
0x33: {  	p0 =	seq.s32 s10, $0x1;
	s10 =	sld [smem:$0x3FB6];
	_ =	sdelay $0x3  }
0x34: {  	[smem:$0x3FB6] =	sst s10  }
0x35: {  	s10 =	sld [smem:$0x3FB5];
	_ =	sdelay $0x3  }
0x36: {  	p1 =	seq.s32 s10, $0x1;
	s10 =	sld [smem:$0x3FB6];
	_ =	sdelay $0x3  }
0x37: {  	[smem:$0x3FB6] =	sst s10  }
0x38: {  	s10 =	sld [smem:$0x3FB7]  }
0x39: {  	_ = 	snop;
	(pc) =	sbr.ind lr, $3  }
0x3a: {  	_ = 	snop  }
0x3b: {  	_ = 	snop  }
0x3c: {  	p2 =	seq.s32 s10, $0x1;
	s10 =	sld [smem:$0x3FB6]  }
0x3d: {  	_ =	shalt  }
0x3e: {  	_ =	shalt  }
0x3f: {  	_ =	shalt  }
0x40: {  	_ =	shalt  }
0x41: {  	_ =	shalt  }
0x42: {  	_ =	shalt  }
0x43: {  	_ =	shalt  }
0x44: {  	_ =	shalt  }
0x45: {  	_ =	shalt  }
0x46: {  	_ =	shalt  }
0x47: {  	_ =	shalt  }
0x48: {  	_ =	shalt  }
0x49: {  	_ =	shalt  }
0x4a: {  	_ =	shalt  }
0x4b: {  	_ =	shalt  }
0x4c: {  	_ =	shalt  }
0x4d: {  	_ =	shalt  }
0x4e: {  	_ =	shalt  }
0x4f: {  	_ =	shalt  }
0x50: {  	_ =	shalt  }
0x51: {  	_ =	shalt  }
0x52: {  	_ =	shalt  }
0x53: {  	_ =	shalt  }
0x54: {  	_ =	shalt  }
0x55: {  	_ =	shalt  }
0x56: {  	_ =	shalt  }
0x57: {  	_ =	shalt  }
0x58: {  	_ =	shalt  }
0x59: {  	_ =	shalt  }
0x5a: {  	_ =	shalt  }
0x5b: {  	_ =	shalt  }
0x5c: {  	_ =	shalt  }
0x5d: {  	_ =	shalt  }
0x5e: {  	_ =	shalt  }
0x5f: {  	_ =	shalt  }
0x60: {  	_ =	shalt  }
0x61: {  	_ =	shalt  }
0x62: {  	_ =	shalt  }
0x63: {  	_ =	shalt  }
0x64: {  	_ =	shalt  }
0x65: {  	_ =	shalt  }
0x66: {  	_ =	shalt  }
0x67: {  	_ =	shalt  }
0x68: {  	_ =	shalt  }
0x69: {  	_ =	shalt  }
0x6a: {  	_ =	shalt  }
0x6b: {  	_ =	shalt  }
0x6c: {  	_ =	shalt  }
0x6d: {  	_ =	shalt  }
0x6e: {  	_ =	shalt  }
0x6f: {  	_ =	shalt  }
0x70: {  	_ =	shalt  }
0x71: {  	_ =	shalt  }
0x72: {  	_ =	shalt  }
0x73: {  	_ =	shalt  }
0x74: {  	_ =	shalt  }
0x75: {  	_ =	shalt  }
0x76: {  	_ =	shalt  }
0x77: {  	_ =	shalt  }
0x78: {  	_ =	shalt  }
0x79: {  	_ =	shalt  }
0x7a: {  	_ =	shalt  }
0x7b: {  	_ =	shalt  }
0x7c: {  	_ =	shalt  }
0x7d: {  	_ =	shalt  }
0x7e: {  	_ =	shalt  }
0x7f: {  	_ =	shalt  }
0x80: {  	_ =	shalt  }
0x81: {  	_ =	shalt  }
0x82: {  	_ =	shalt  }
0x83: {  	_ =	shalt  }
0x84: {  	_ =	shalt  }
0x85: {  	_ =	shalt  }
0x86: {  	_ =	shalt  }
0x87: {  	_ =	shalt  }
.Lfunc_end0:
.L_simem_size_0:
called_computation.1_lowered:
.L_overlay_start_0:
0x88: {  	s2 =	sld [smem:$0x3FD9]  }
0x89: {  	s3 =	sld [smem:$0x3FFE];
	_ =	sdelay $0x1  }
0x8a: {  	s1 =	srdreg.scid  }
0x8b: {  	s0 =	sand.u32 $0x1, s1  }
0x8c: {  	s14 =	sshll.u32 s0, $0xA;
	s2 =	sadd.s32 s3, s2  }
0x8d: {  	s2 =	sadd.s32 s2, s14  }
0x8e: {  	[smem:$0x3FC2] =	sst s2  }
0x8f: {  	_ = 	snop  }
0x90: {  	s2 =	sld [smem:$0x3FD0];
	_ =	sdelay $0x2  }
0x91: {  	s15 =	simm.s32 $0xA;
	s4 =	simm.s32 $0x10  }
0x92: {  	[smem:s4], [sflag:s15] =	dma.local [hbm:s2], $0x1  }
0x93: {  	_ =	swait.eq [sflag:s15], $0x1  }
0x94: {  	[sflag:s15] =	ssyncset.done $0x0  }
0x95: {  	[sflag:s15] =	ssyncadd.s32 $0xFFFFFFFF  }
0x96: {  	s16 =	sld [smem:$0x10];
	(tm) =	ssettm $0x1  }
0x97: {  	s17 =	sld [smem:$0x3FFB];
	_ =	sdelay $0x3  }
0x98: {  	_ =	strace s17  }
0x99: {  	s3 =	sld [smem:$0x3FFC];
	_ =	sdelay $0x3  }
0x9a: {  	_ =	strace s3  }
0x9b: {  	s3 =	sld [smem:$0x3FFD];
	_ =	sdelay $0x3  }
0x9c: {  	_ =	strace s3  }
0x9d: {  	_ =	strace $0x8FFFFFFF  }
0x9e: {  	s18 =	sld [smem:$0x3FDB];
	_ =	sdelay $0x1  }
0x9f: {  	s19 =	simm.s32 $_scs_section_size  }
0xa0: {  	s5 =	simm.s32 $_size__tile_overlayer_lowered;
	s6 =	simm.s32 $_tile_overlayer_lowered  }
0xa1: {  	s22 =	simm.s32 $0x1BFF;
	s21 =	sshll.u32 s6, $0x1;
	s3 =	sadd.s32 s19, s18  }
0xa2: {  	s7 =	simm.s32 $0x0;
	s20 =	sshll.u32 s5, $0x1;
	s5 =	sadd.s32 s21, s3  }
0xa3: {  	[timem:s7], [sflag:s22] =	dma.local [hbm:s5], s20  }
0xa4: {  	_ =	swait.ge [sflag:s22], s20  }
0xa5: {  	s4 =	ssub.s32 $0x0, s20;
	[sflag:s22] =	ssyncset.done $0x0  }
0xa6: {  	[sflag:s22] =	ssyncadd.s32 s4;
	_ =	sdelay $0x1  }
0xa7: {  	s23 =	simm.s32 $0x1B8B  }
0xa8: {  	_ =	swait.ge [sflag:s23], $0x1  }
0xa9: {  	[sflag:s23] =	ssyncset.done $0x0  }
0xaa: {  	s25 =	simm.s32 $0x1B8E;
	s24 =	sld [smem:$0x3FFE];
	[sflag:s23] =	ssyncadd.s32 $0xFFFFFFFF  }
0xab: {  	s26 =	simm.s32 $execute0_lowered;
	[smem:$0x3FD2] =	sst s25  }
0xac: {  	s5 =	sshll.u32 s26, $0x1;
	_ =	strace $0x80000049;
	[dreg:$0x1] =	wrdreg $0xFFFFFFFF  }
0xad: {  	s28 =	simm.s32 $_size_execute0_lowered;
	s3 =	sadd.s32 s3, s5;
	[dreg:$0x0] =	wrdreg $0x0  }
0xae: {  	s5 =	sshll.u32 s28, $0x1;
	[dreg:$0x2] =	wrdreg s3  }
0xaf: {  	[dreg:$0x3] =	wrdreg s5  }
0xb0: {  	[dreg:$0x4] =	wrdreg $0xC0  }
0xb1: {  	_ =	task [dreg:s7], $0x5FFFF  }
0xb2: {  	[dreg:$0x1] =	wrdreg $0xFFFFFFFF  }
0xb3: {  	[dreg:$0x0] =	wrdreg $0x60  }
0xb4: {  	[dreg:$0x2] =	wrdreg s24  }
0xb5: {  	[dreg:$0x3] =	wrdreg s16  }
0xb6: {  	[dreg:$0x4] =	wrdreg $0x150100  }
0xb7: {  	[dreg:$0x5] =	wrdreg $0x1A0100  }
0xb8: {  	[dreg:$0x6] =	wrdreg $0x9  }
0xb9: {  	_ =	task.clear_ibuf [dreg:s7], $0x7FFFF;
	_ =	strace $0x90000049  }
0xba: {  	s29 =	simm.s32 $0x9;
	_ =	strace $0x8000004B  }
0xbb: {  	_ =	swait.ge [sflag:s29], $0x1  }
0xbc: {  	[sflag:s29] =	ssyncadd.s32 $0xFFFFFFFF  }
0xbd: {  	_ =	strace $0x9000004B  }
0xbe: {  	_ =	sfence  }
0xbf: {  	s30 =	sld [smem:$0x0];
	_ =	sdelay $0x2  }
0xc0: {  	s31 =	sshll.u32 s1, $0xD;
	s1 =	sshrl.u32 s1, $0x2  }
0xc1: {  	s3 =	sand.u32 $0x4000, s31;
	s1 =	sadd.s32 s1, s30  }
0xc2: {  	s0 =	sor.u32 s3, s0;
	s1 =	sshll.u32 s1, $0x11  }
0xc3: {  	s0 =	sor.u32 s1, s0  }
0xc4: {  	s0 =	sadd.s32 $0x8F2B, s0  }
0xc5: {  	[sflag:s0] =	ssyncadd.remote.s32 $0x1  }
0xc6: {  	_ =	sfence.sel $0xFFFF  }
0xc7: {  	[dreg:$0x0] =	wrdreg $0xFFFFFFFF;
	(pc) =	sbr.abs _section_cstart, $3  }
0xc8: {  	[dreg:$0x1] =	wrdreg $0xFFFFFFFF  }
0xc9: {  	_ =	task.clear_ibuf [dreg:s7], $0x2FFFF;
	_ =	strace $0x9FFFFFFF  }
0xca: {  	(tm) =	ssettm $0x7FFFFFFF  }
0xcb: {  	_ =	shalt  }
tec
execute0_lowered:
.L_overlay_start_1:
0x0: {  	(tag) =	ssettag $0x1  }
0x1: {  	s0 =	rddreg [dreg:$0x0]  }
0x2: {  	s1 =	rddreg [dreg:$0x1]  }
0x3: {  	s3 =	srdreg.scid;
	s2 =	rddreg [dreg:$0x2]  }
0x4: {  	s12 =	stileid.u32;
	s4 =	simm.s32 $0x0;
	s15 =	simm.s32 $0x3  }
0x5: {  	s19 =	simm.s32 $0xD800;
	s21 =	simm.s32 $0x10000;
	s22 =	simm.s32 $0x12800  }
0x6: {  	s23 =	simm.s32 $0x80;
	s28 =	simm.s32 $0x2;
	s7 =	smul.u32 $0x4800, s12  }
0x7: {  	s29 =	simm.s32 $0x0;
	s5 =	sand.u32 $0x1, s3;
	s9 =	smul.u32 $0x140, s12  }
0x8: {  	s3 =	rddreg [dreg:$0x3];
	s25 =	sshll.u32 s12, $0x1;
	s12 =	smul.u32 $0x5000, s12  }
0x9: {  	[smem:$0x7FF] =	sst s4;
	s10 =	sadd.s32 $0xBE00, s0;
	s6 =	smul.u32 $0x48000, s5  }
0xa: {  	s8 =	smul.u32 $0x1400, s5;
	_ =	strace $0x8000004A;
	s24 =	ssub.s32 $0x2, s5  }
0xb: {  	s26 =	sshll.u32 s5, $0x5;
	s1 =	sadd.s32 s1, s25;
	s25 =	simm.s32 $0x1  }
0xc: {  	s11 =	sshrl.u32 s24, $0x1;
	s31 =	sshrl.u32 s12, $0x3;
	s16 =	sadd.s32 s12, s2  }
0xd: {  	s6 =	sadd.s32 s7, s6;
	s8 =	sadd.s32 s9, s8;
	s14 =	ssub.s32 s24, s11  }
0xe: {  	s7 =	sadd.s32 s26, s1;
	s20 =	sshrl.u32 s16, $0x3;
	s24 =	simm.s32 $0x9000  }
0xf: {  	s26 =	simm.s32 $0xA000;
	s6 =	sshrl.u32 s6, $0x3;
	s9 =	sshll.u32 s8, $0x2  }
0x10: {  	s30 =	sshll.u32 s8, $0x5;
	s14 =	smax.u32 s14, $0x1;
	s6 =	sadd.s32 s6, s0  }
0x11: {  	s0 =	sadd.s32 s9, s0;
	s8 =	sadd.s32 s10, s9;
	s10 =	sadd.s32 s10, s31  }
0x12: {  	s11 =	sadd.s32 s30, s3;
	s12 =	sadd.s32 s30, s2;
	s5 =	sadd.s32 $0x15E00, s6  }
0x13: {  	s6 =	sadd.s32 $0x27E00, s6;
	s9 =	sadd.s32 $0x1E00, s0;
	s13 =	sadd.s32 $0x4DE00, s0  }
.LBB2_1:
0x14: {  	[tilespmem:s4], [sflag:$0x3] =	stream.linear.gather [hbm4b:s5+s4], $0x4800, $0x38;
	[tilespmem:$0x1F010] =	vst v63  }
0x15: {  	_ =	swait.ge [sflag:s15], $0x4800  }
0x16: {  	[sflag:s15] =	ssyncset.done $0x0  }
0x17: {  	s0 =	simm.s32 $0x4800;
	[sflag:s15] =	ssyncadd.s32 $0xFFFFB800  }
0x18: {  	[tilespmem:s0], [sflag:$0x3] =	stream.linear.gather [hbm4b:s6+s4], $0x4800, $0x38;
	[tilespmem:$0x1F010] =	vst v63  }
0x19: {  	_ =	swait.ge [sflag:s15], $0x4800  }
0x1a: {  	[sflag:s15] =	ssyncset.done $0x0  }
0x1b: {  	s16 =	simm.s32 $0x15000;
	[sflag:s15] =	ssyncadd.s32 $0xFFFFB800  }
0x1c: {  	[tilespmem:s16], [sflag:$0x3] =	stream.linear.gather [hbm4b:s7+s4], $0x10, $0x38;
	[tilespmem:$0x1F010] =	vst v63  }
0x1d: {  	_ =	swait.ge [sflag:s15], $0x10  }
0x1e: {  	[sflag:s15] =	ssyncset.done $0x0  }
0x1f: {  	s17 =	simm.s32 $0xB000;
	[sflag:s15] =	ssyncadd.s32 $0xFFFFFFF0  }
0x20: {  	[tilespmem:s17], [sflag:$0x3] =	stream.linear.gather [hbm4b:s8+s4], $0x2800, $0x38;
	[tilespmem:$0x1F010] =	vst v63  }
0x21: {  	_ =	swait.ge [sflag:s15], $0x2800  }
0x22: {  	[sflag:s15] =	ssyncset.done $0x0  }
0x23: {  	[sflag:s15] =	ssyncadd.s32 $0xFFFFD800  }
0x24: {  	[tilespmem:s19], [sflag:$0x3] =	stream.linear.gather [hbm4b:s9+s4], $0x2800, $0x38;
	[tilespmem:$0x1F010] =	vst v63  }
0x25: {  	s18 =	stileid.u32;
	_ =	swait.ge [sflag:s15], $0x2800  }
0x26: {  	s0 =	sshll.u32 s18, $0x6;
	[sflag:s15] =	ssyncset.done $0x0  }
0x27: {  	s0 =	sor.u32 $0x1C03, s0;
	[sflag:s15] =	ssyncadd.s32 $0xFFFFD800  }
0x28: {  	[spmem:s20], [sflag:s0] =	dma.local [hbm:s10], $0xA00  }
0x29: {  	_ =	swait.ge [sflag:s15], $0xA00  }
0x2a: {  	[sflag:s15] =	ssyncset.done $0x0  }
0x2b: {  	s1 =	sshrl.u32 s11, $0x3;
	[sflag:s15] =	ssyncadd.s32 $0xFFFFF600  }
0x2c: {  	[spmem:s1], [sflag:s0] =	dma.local [hbm:s8], $0x500  }
0x2d: {  	_ =	swait.ge [sflag:s15], $0x500  }
0x2e: {  	[sflag:s15] =	ssyncset.done $0x0  }
0x2f: {  	[sflag:s15] =	ssyncadd.s32 $0xFFFFFB00  }
0x30: {  	v0 =	vld [tilespmem:$0x15000];
	_ =	sdelay $0x4  }
0x31: {  	(v2sf) =	vpush v0, $0x0;
	_ =	sdelay $0xe  }
0x32: {  	s31 =	spop (v2sf)  }
0x33: {  	s0 =	sadd.s32 $0xFF, s31  }
0x34: {  	s30 =	sshrl.u32 s0, $0x8  }
0x35: {  	p0 =	seq.s32 s30, $0x0  }
.Ltmp0:
0x36: {  	_ = 	snop;
	(pc) =	sbr.rel @p0 .LBB2_5-.Ltmp0, $2  }
0x37: {  	_ =	sdelay $0x1  }
0x38: {  	[bflag:$0x0] =	sbarrier.arrive $0xFFFF;
	_ =	sdelay $0x1  }
0x39: {  	s0 =	simm.s32 $0x0  }
0x3a: {  	[tilespmem:s24], [sflag:$0x1] =	stream.indirect.gather [spmem:s2], $0x20, s0, s23, $0xb8;
	[tilespmem:$0x1F010] =	vst v63  }
0x3b: {  	_ =	swait.ge [sflag:s25], $0x1000  }
0x3c: {  	[sflag:s25] =	ssyncset.done $0x0  }
0x3d: {  	s16 =	simm.s32 $0x80;
	[sflag:s25] =	ssyncadd.s32 $0xFFFFF000  }
0x3e: {  	[tilespmem:s26], [sflag:$0x2] =	stream.indirect.gather [spmem:s2], $0x20, s16, s23, $0xb8;
	[tilespmem:$0x1F010] =	vst v63  }
0x3f: {  	s17 =	simm.s32 $0x4800  }
0x40: {  	[spmem:s3] =	stream.indirect.scatter.add.f32 [tilespmem:s24], [sflag:$0x3], $0x20, s17, s23, $0xb8;
	[tilespmem:$0x1F010] =	vst v63  }
0x41: {  	_ =	swait.ge [sflag:s15], $0x1000  }
0x42: {  	[sflag:s15] =	ssyncset.done $0x0  }
0x43: {  	[sflag:s15] =	ssyncadd.s32 $0xFFFFF000  }
0x44: {  	s31 =	sadd.s32 $0xFFFFFFFF, s30;
	_ =	swait.ge [sflag:s28], $0x1000  }
0x45: {  	s1 =	simm.s32 $0x100;
	p0 =	sle.s32 s31, $0x0;
	[sflag:s28] =	ssyncset.done $0x0  }
0x46: {  	s0 =	simm.s32 @!p0 $0x80;
	s16 =	simm.s32 @!p0 $0x9000;
	[sflag:s28] =	ssyncadd.s32 $0xFFFFF000  }
0x47: {  	[tilespmem:s16], [sflag:$0x1] =	stream.indirect.gather @!p0 [spmem:s2], $0x20, s1, s0, $0xb8;
	[tilespmem:$0x1F010] =	vst v63  }
0x48: {  	p0 =	sne.s32 s30, $0x1  }
.Ltmp1:
0x49: {  	_ = 	snop;
	(pc) =	sbr.rel @!p0 .LBB2_4-.Ltmp1, $4  }
0x4a: {  	s18 =	simm.s32 $0x4880  }
0x4b: {  	[spmem:s3] =	stream.indirect.scatter.add.f32 [tilespmem:s26], [sflag:$0x3], $0x20, s18, s23, $0xb8;
	[tilespmem:$0x1F010] =	vst v63  }
0x4c: {  	_ =	swait.ge [sflag:s15], $0x1000  }
0x4d: {  	s0 =	simm.s32 $0x1;
	s16 =	simm.s32 $0x4900;
	[sflag:s15] =	ssyncset.done $0x0  }
.LBB2_3:
0x4e: {  	[sflag:s15] =	ssyncadd.s32 $0xFFFFF000  }
0x4f: {  	s1 =	sadd.s32 $0x100, s1;
	s17 =	smov.u32 s0;
	s0 =	sadd.s32 $0x1, s0  }
0x50: {  	p0 =	sne.s32 s30, s0  }
0x51: {  	_ =	swait.ge [sflag:s25], $0x1000  }
0x52: {  	[sflag:s25] =	ssyncset.done $0x0  }
0x53: {  	s18 =	sadd.s32 $0xFFFFFF80, s1;
	[sflag:s25] =	ssyncadd.s32 $0xFFFFF000  }
0x54: {  	[tilespmem:s26], [sflag:$0x2] =	stream.indirect.gather [spmem:s2], $0x20, s18, s23, $0xb8;
	[tilespmem:$0x1F010] =	vst v63  }
0x55: {  	_ = 	snop  }
0x56: {  	[spmem:s3] =	stream.indirect.scatter.add.f32 [tilespmem:s24], [sflag:$0x3], $0x20, s16, s23, $0xb8;
	[tilespmem:$0x1F010] =	vst v63  }
0x57: {  	_ =	swait.ge [sflag:s15], $0x1000  }
0x58: {  	[sflag:s15] =	ssyncset.done $0x0  }
0x59: {  	[sflag:s15] =	ssyncadd.s32 $0xFFFFF000  }
0x5a: {  	_ =	swait.ge [sflag:s28], $0x1000  }
0x5b: {  	p1 =	sge.s32 s17, s31;
	[sflag:s28] =	ssyncset.done $0x0  }
0x5c: {  	s17 =	simm.s32 @!p1 $0x80;
	s18 =	simm.s32 @!p1 $0x9000;
	[sflag:s28] =	ssyncadd.s32 $0xFFFFF000  }
0x5d: {  	[tilespmem:s18], [sflag:$0x1] =	stream.indirect.gather @!p1 [spmem:s2], $0x20, s1, s17, $0xb8;
	[tilespmem:$0x1F010] =	vst v63  }
.Ltmp2:
0x5e: {  	_ = 	snop;
	(pc) =	sbr.rel @p0 .LBB2_3-.Ltmp2, $4  }
0x5f: {  	s17 =	sadd.s32 $0x80, s16  }
0x60: {  	[spmem:s3] =	stream.indirect.scatter.add.f32 [tilespmem:s26], [sflag:$0x3], $0x20, s17, s23, $0xb8;
	[tilespmem:$0x1F010] =	vst v63  }
0x61: {  	_ =	swait.ge [sflag:s15], $0x1000  }
0x62: {  	s16 =	sadd.s32 $0x100, s16;
	[sflag:s15] =	ssyncset.done $0x0  }
.LBB2_4:
0x63: {  	[sflag:s15] =	ssyncadd.s32 $0xFFFFF000  }
.LBB2_5:
0x64: {  	[bflag:$0x0] =	sbarrier.arrive $0xFFFF  }
0x65: {  	[tilespmem:s21], [sflag:$0x3] =	stream.linear.gather [spmem:s11], $0x2800, $0x38;
	[tilespmem:$0x1F010] =	vst v63  }
0x66: {  	_ =	swait.ge [sflag:s15], $0x2800  }
0x67: {  	[sflag:s15] =	ssyncset.done $0x0  }
0x68: {  	s0 =	simm.s32 $0x0;
	[sflag:s15] =	ssyncadd.s32 $0xFFFFD800  }
0x69: {  	v2 =	vld [tilespmem:s0+$0xB010]  }
0x6a: {  	v3 =	vld [tilespmem:s0+$0x10010]  }
0x6b: {  	v6 =	vld [tilespmem:s0+$0xB000]  }
0x6c: {  	v5 =	vld [tilespmem:s0+$0xD810]  }
0x6d: {  	v7 =	vld [tilespmem:s0+$0x10000]  }
0x6e: {  	s1 =	simm.s32 $0x20;
	v0 =	vld [tilespmem:s0+$0xD800]  }
0x6f: {  	v1 =	vld [tilespmem:s1+$0xB010];
	v2 =	vmul.f32 v3, v2  }
0x70: {  	v3 =	vld [tilespmem:s1+$0x10010]  }
0x71: {  	v4 =	vld [tilespmem:s1+$0xB000];
	v8 =	vadd.f32 v5, v2  }
0x72: {  	v6 =	vmul.f32 v7, v6;
	v2 =	vld [tilespmem:s1+$0xD810]  }
0x73: {  	s16 =	simm.s32 $0x100;
	v5 =	vld [tilespmem:s1+$0x10000];
	[tilespmem:s0+$0x12810] =	vst v8  }
.LBB2_6:
0x74: {  	s17 =	sshra.s32 s16, $0x2;
	v8 =	vadd.f32 v0, v6;
	v0 =	vld [tilespmem:s1+$0xD800];
	p0 =	sne.s32 s16, $0x9F80  }
.Ltmp3:
0x75: {  	s16 =	sadd.s32 $0x80, s16;
	v7 =	vmul.f32 v3, v1;
	v1 =	vld [tilespmem:s17+$0xB010];
	(pc) =	sbr.rel @p0 .LBB2_6-.Ltmp3, $4  }
0x76: {  	v3 =	vld [tilespmem:s17+$0x10010];
	[tilespmem:s0+$0x12800] =	vst v8;
	v6 =	vmov v4;
	s0 =	smov.u32 s1;
	s1 =	smov.u32 s17  }
0x77: {  	v4 =	vld [tilespmem:s1+$0xB000];
	v7 =	vadd.f32 v2, v7  }
0x78: {  	v2 =	vld [tilespmem:s1+$0xD810];
	v6 =	vmul.f32 v5, v6  }
0x79: {  	v5 =	vld [tilespmem:s1+$0x10000];
	[tilespmem:s0+$0x12810] =	vst v7  }
0x7a: {  	_ = 	snop  }
0x7b: {  	v7 =	vld [tilespmem:s1+$0xD800];
	_ =	sdelay $0x1  }
0x7c: {  	v1 =	vmul.f32 v3, v1  }
0x7d: {  	v0 =	vadd.f32 v0, v6;
	v62 =	vmul.f32 v5, v4  }
0x7e: {  	v1 =	vadd.f32 v2, v1  }
0x7f: {  	[tilespmem:s0+$0x12800] =	vst v0;
	v63 =	vadd.f32 v7, v62  }
0x80: {  	[tilespmem:s1+$0x12810] =	vst v1  }
0x81: {  	[tilespmem:s1+$0x12800] =	vst v63  }
0x82: {  	[spmem:s12] =	stream.linear.scatter [tilespmem:s22], [sflag:$0x3], $0x2800, $0x38;
	[tilespmem:$0x1F010] =	vst v63  }
0x83: {  	_ =	swait.ge [sflag:s15], $0x2800  }
0x84: {  	[sflag:s15] =	ssyncset.done $0x0  }
0x85: {  	[sflag:s15] =	ssyncadd.s32 $0xFFFFD800  }
0x86: {  	[spmem:s11] =	stream.linear.scatter [tilespmem:s22], [sflag:$0x3], $0x2800, $0x38;
	[tilespmem:$0x1F010] =	vst v63  }
0x87: {  	_ =	swait.ge [sflag:s15], $0x2800  }
0x88: {  	s29 =	sadd.s32 $0x1, s29;
	[sflag:s15] =	ssyncset.done $0x0  }
0x89: {  	p0 =	sne.s32 s29, s14;
	[sflag:s15] =	ssyncadd.s32 $0xFFFFD800  }
.Ltmp4:
0x8a: {  	[bflag:$0x0] =	sbarrier.arrive $0xFFFF;
	(pc) =	sbr.rel @p0 .LBB2_1-.Ltmp4, $4  }
0x8b: {  	[hbm4b:s13+s4] =	stream.linear.scatter [tilespmem:s22], [sflag:$0x3], $0x2800, $0x38;
	[tilespmem:$0x1F010] =	vst v63  }
0x8c: {  	_ =	swait.ge [sflag:s15], $0x2800  }
0x8d: {  	[sflag:s15] =	ssyncset.done $0x0  }
0x8e: {  	[sflag:s15] =	ssyncadd.s32 $0xFFFFD800  }
0x8f: {  	_ =	sfence.sel $0x180000  }
0x90: {  	[bflag:$0x0] =	sbarrier.arrive $0xFFFF  }
0x91: {  	_ =	strace $0x9000004A  }
0x92: {  	s0 =	stileid.u32;
	[bflag:$0x2] =	sbarrier.arrive $0xFFFF  }
0x93: {  	p0 =	sne.s32 s0, $0x0;
	s0 =	rddreg [dreg:$0x4]  }
0x94: {  	s0 =	sadd.s32 @!p0 $0x100000, s0  }
0x95: {  	[sflag:s0] =	ssyncadd.tile.s32 @!p0 $0x1;
	_ =	shalt  }
.Lfunc_end2:
_tile_overlayer_lowered:
.L_overlay_start_2:
0x96: {  	(tag) =	ssettag $0x2  }
0x97: {  	s0 =	rddreg [dreg:$0x0];
	s2 =	stileid.u32  }
0x98: {  	s1 =	rddreg [dreg:$0x1];
	p0 =	sne.s32 s2, $0x0  }
0x99: {  	s3 =	rddreg [dreg:$0x2];
	[bflag:$0x3] =	sbarrier.arrive $0xFFFF;
	s2 =	simm.s32 @!p0 $0x1C03  }
0x9a: {  	[timem:s3], [sflag:s2] =	dma.local @!p0 [hbm:s0], s1  }
0x9b: {  	s0 =	simm.s32 @!p0 $0x3  }
0x9c: {  	_ =	swait.ge @!p0 [sflag:s0], s1  }
0x9d: {  	s1 =	ssub.s32 @!p0 $0x0, s1;
	[sflag:s0] =	ssyncset.done @!p0 $0x0  }
0x9e: {  	[sflag:s0] =	ssyncadd.s32 @!p0 s1  }
0x9f: {  	[bflag:$0x3] =	sbarrier.arrive $0xFFFF  }
0xa0: {  	_ =	shalt  }

// kernel: kernel.14.cloned.1.call-start
scs
__scs_entry_jumppad:
0x0: {  	(pc) =	sbr.rel $0x88, $3  }
0x1: {  	(tag) =	ssettag $0x0;
	lr =	simm.s32 $0x1  }
0x2: {  	[smem:$0x3F9B] =	sst lr;
	_ =	strace $0xD0000000  }
0x3: {  	_ = 	snop  }
0x4: {  	_ = 	snop  }
0x5: {  	_ = 	snop  }
0x6: {  	_ = 	snop  }
0x7: {  	_ = 	snop  }
__scs_overlays_trampoline_lowered:
0x8: {  	[smem:$0x3FAA] =	sst s0  }
0x9: {  	[smem:$0x3FAB] =	sst s1  }
0xa: {  	[smem:$0x3FAC] =	sst s2  }
0xb: {  	[smem:$0x3FAD] =	sst s3  }
0xc: {  	[smem:$0x3FAE] =	sst s4  }
0xd: {  	[smem:$0x3FAF] =	sst s5  }
0xe: {  	[smem:$0x3FB0] =	sst s6  }
0xf: {  	[smem:$0x3FB1] =	sst s7  }
0x10: {  	[smem:$0x3FB2] =	sst s8  }
0x11: {  	[smem:$0x3FB3] =	sst s9;
	s0 =	simm.s32 @!p0 $0x0  }
0x12: {  	s1 =	sld [smem:$0x3F99];
	s0 =	simm.s32 @p0 $0x1  }
0x13: {  	[smem:$0x3FB4] =	sst s0;
	s0 =	simm.s32 @!p1 $0x0  }
0x14: {  	s2 =	sld [smem:$0x3F98];
	s0 =	simm.s32 @p1 $0x1  }
0x15: {  	[smem:$0x3FB5] =	sst s0;
	s0 =	simm.s32 @!p2 $0x0  }
0x16: {  	s3 =	sld [smem:$0x3FDB];
	s0 =	simm.s32 @p2 $0x1  }
0x17: {  	s4 =	simm.s32 $0x1BF5;
	[smem:$0x3FB7] =	sst s0  }
0x18: {  	s0 =	sld [smem:$0x3F9A];
	_ =	swait.ge [sflag:s4], $0x0  }
0x19: {  	s7 =	sld [smem:$0x3F9B]  }
0x1a: {  	s8 =	sadd.s32 $0xFFFFE003, lr  }
0x1b: {  	s9 =	sadd.s32 $0xFFFFFEF7, lr;
	s5 =	simm.s32 $0xFFFFFFFF;
	p2 =	slt.u32 s8, $0xFFFFF086  }
0x1c: {  	p1 =	slt.u32 s9, $0xF7A;
	s5 =	simm.s32 @!p2 $0x0  }
0x1d: {  	s5 =	simm.s32 @p1 $0x1;
	p0 =	seq.s32 s7, s2  }
0x1e: {  	s7 =	smul.u32 @!p0 $0xF7A, s2;
	p2 =	seq.s32 @!p0 s5, $0x0  }
0x1f: {  	s9 =	smul.u32 $0xF7A, s1;
	s8 =	simm.s32 @!p0 $0x1BF5;
	p2 =	por !p2, p0  }
0x20: {  	[sflag:s8] =	ssyncset.s32 @!p0 $0xFFFFF086;
	s6 =	sadd.s32 @!p0 s3, s7;
	s7 =	simm.s32 @!p0 $0x108  }
0x21: {  	s3 =	sadd.s32 s3, s9;
	s6 =	sadd.s32 @!p0 $0x88, s6;
	s7 =	simm.s32 @p2 $0x1082  }
0x22: {  	[simem:s7], [sflag:s8] =	dma.local @!p0 [hbm:s6], $0xF7A  }
0x23: {  	s9 =	sor.u32 $0xD0000000, s2;
	s6 =	simm.s32 $0x108;
	_ =	swait.ge @!p0 [sflag:s8], $0x0  }
0x24: {  	s3 =	sadd.s32 $0x88, s3;
	s6 =	simm.s32 @!p1 $0x1082;
	[sflag:s4] =	ssyncset.s32 $0xFFFFF086  }
0x25: {  	[simem:s6], [sflag:s4] =	dma.local [hbm:s3], $0xF7A  }
0x26: {  	[smem:$0x3F9B] =	sst s1;
	(tag) =	ssettag s2;
	_ =	strace s9  }
0x27: {  	s1 =	sld [smem:$0x3FAB]  }
0x28: {  	s2 =	sld [smem:$0x3FAC]  }
0x29: {  	s4 =	sld [smem:$0x3FAE]  }
0x2a: {  	p0 =	seq.s32 s5, $0x0;
	s5 =	sld [smem:$0x3FAF]  }
0x2b: {  	s6 =	sld [smem:$0x3FB0]  }
0x2c: {  	s7 =	sld [smem:$0x3FB1]  }
0x2d: {  	s3 =	simm.s32 $0x108;
	s8 =	sld [smem:$0x3FB2]  }
0x2e: {  	s3 =	simm.s32 @!p0 $0x1082;
	s9 =	sld [smem:$0x3FB3]  }
0x2f: {  	lr =	sadd.s32 s0, s3;
	s0 =	sld [smem:$0x3FAA]  }
0x30: {  	s3 =	sld [smem:$0x3FAD]  }
0x31: {  	[smem:$0x3FB6] =	sst s10  }
0x32: {  	s10 =	sld [smem:$0x3FB4];
	_ =	sdelay $0x3  }
0x33: {  	p0 =	seq.s32 s10, $0x1;
	s10 =	sld [smem:$0x3FB6];
	_ =	sdelay $0x3  }
0x34: {  	[smem:$0x3FB6] =	sst s10  }
0x35: {  	s10 =	sld [smem:$0x3FB5];
	_ =	sdelay $0x3  }
0x36: {  	p1 =	seq.s32 s10, $0x1;
	s10 =	sld [smem:$0x3FB6];
	_ =	sdelay $0x3  }
0x37: {  	[smem:$0x3FB6] =	sst s10  }
0x38: {  	s10 =	sld [smem:$0x3FB7]  }
0x39: {  	_ = 	snop;
	(pc) =	sbr.ind lr, $3  }
0x3a: {  	_ = 	snop  }
0x3b: {  	_ = 	snop  }
0x3c: {  	p2 =	seq.s32 s10, $0x1;
	s10 =	sld [smem:$0x3FB6]  }
0x3d: {  	_ =	shalt  }
0x3e: {  	_ =	shalt  }
0x3f: {  	_ =	shalt  }
0x40: {  	_ =	shalt  }
0x41: {  	_ =	shalt  }
0x42: {  	_ =	shalt  }
0x43: {  	_ =	shalt  }
0x44: {  	_ =	shalt  }
0x45: {  	_ =	shalt  }
0x46: {  	_ =	shalt  }
0x47: {  	_ =	shalt  }
0x48: {  	_ =	shalt  }
0x49: {  	_ =	shalt  }
0x4a: {  	_ =	shalt  }
0x4b: {  	_ =	shalt  }
0x4c: {  	_ =	shalt  }
0x4d: {  	_ =	shalt  }
0x4e: {  	_ =	shalt  }
0x4f: {  	_ =	shalt  }
0x50: {  	_ =	shalt  }
0x51: {  	_ =	shalt  }
0x52: {  	_ =	shalt  }
0x53: {  	_ =	shalt  }
0x54: {  	_ =	shalt  }
0x55: {  	_ =	shalt  }
0x56: {  	_ =	shalt  }
0x57: {  	_ =	shalt  }
0x58: {  	_ =	shalt  }
0x59: {  	_ =	shalt  }
0x5a: {  	_ =	shalt  }
0x5b: {  	_ =	shalt  }
0x5c: {  	_ =	shalt  }
0x5d: {  	_ =	shalt  }
0x5e: {  	_ =	shalt  }
0x5f: {  	_ =	shalt  }
0x60: {  	_ =	shalt  }
0x61: {  	_ =	shalt  }
0x62: {  	_ =	shalt  }
0x63: {  	_ =	shalt  }
0x64: {  	_ =	shalt  }
0x65: {  	_ =	shalt  }
0x66: {  	_ =	shalt  }
0x67: {  	_ =	shalt  }
0x68: {  	_ =	shalt  }
0x69: {  	_ =	shalt  }
0x6a: {  	_ =	shalt  }
0x6b: {  	_ =	shalt  }
0x6c: {  	_ =	shalt  }
0x6d: {  	_ =	shalt  }
0x6e: {  	_ =	shalt  }
0x6f: {  	_ =	shalt  }
0x70: {  	_ =	shalt  }
0x71: {  	_ =	shalt  }
0x72: {  	_ =	shalt  }
0x73: {  	_ =	shalt  }
0x74: {  	_ =	shalt  }
0x75: {  	_ =	shalt  }
0x76: {  	_ =	shalt  }
0x77: {  	_ =	shalt  }
0x78: {  	_ =	shalt  }
0x79: {  	_ =	shalt  }
0x7a: {  	_ =	shalt  }
0x7b: {  	_ =	shalt  }
0x7c: {  	_ =	shalt  }
0x7d: {  	_ =	shalt  }
0x7e: {  	_ =	shalt  }
0x7f: {  	_ =	shalt  }
0x80: {  	_ =	shalt  }
0x81: {  	_ =	shalt  }
0x82: {  	_ =	shalt  }
0x83: {  	_ =	shalt  }
0x84: {  	_ =	shalt  }
0x85: {  	_ =	shalt  }
0x86: {  	_ =	shalt  }
0x87: {  	_ =	shalt  }
.Lfunc_end0:
.L_simem_size_0:
called_computation.2_lowered:
.L_overlay_start_0:
0x88: {  	s2 =	sld [smem:$0x3FD9]  }
0x89: {  	s3 =	sld [smem:$0x3FFE];
	_ =	sdelay $0x1  }
0x8a: {  	s1 =	srdreg.scid  }
0x8b: {  	s0 =	sand.u32 $0x1, s1  }
0x8c: {  	s14 =	sshll.u32 s0, $0xA;
	s2 =	sadd.s32 s3, s2  }
0x8d: {  	s2 =	sadd.s32 s2, s14  }
0x8e: {  	[smem:$0x3FC2] =	sst s2  }
0x8f: {  	_ = 	snop  }
0x90: {  	s2 =	sld [smem:$0x3FD0];
	_ =	sdelay $0x2  }
0x91: {  	s15 =	simm.s32 $0xA;
	s4 =	simm.s32 $0x10  }
0x92: {  	[smem:s4], [sflag:s15] =	dma.local [hbm:s2], $0x1  }
0x93: {  	_ =	swait.eq [sflag:s15], $0x1  }
0x94: {  	[sflag:s15] =	ssyncset.done $0x0  }
0x95: {  	s16 =	sld [smem:$0x10];
	[sflag:s15] =	ssyncadd.s32 $0xFFFFFFFF  }
0x96: {  	s17 =	sld [smem:$0x11];
	(tm) =	ssettm $0x1  }
0x97: {  	s18 =	sld [smem:$0x3FFB];
	_ =	sdelay $0x3  }
0x98: {  	_ =	strace s18  }
0x99: {  	s4 =	sld [smem:$0x3FFC];
	_ =	sdelay $0x3  }
0x9a: {  	_ =	strace s4  }
0x9b: {  	s4 =	sld [smem:$0x3FFD];
	_ =	sdelay $0x3  }
0x9c: {  	_ =	strace s4  }
0x9d: {  	_ =	strace $0x8FFFFFFF  }
0x9e: {  	s19 =	sld [smem:$0x3FDB];
	_ =	sdelay $0x1  }
0x9f: {  	s5 =	simm.s32 $_scs_section_size  }
0xa0: {  	s6 =	simm.s32 $_size__tile_overlayer_lowered;
	s7 =	simm.s32 $_tile_overlayer_lowered  }
0xa1: {  	s22 =	simm.s32 $0x1BFF;
	s21 =	sshll.u32 s7, $0x1;
	s4 =	sadd.s32 s5, s19  }
0xa2: {  	s8 =	simm.s32 $0x0;
	s20 =	sshll.u32 s6, $0x1;
	s6 =	sadd.s32 s21, s4  }
0xa3: {  	[timem:s8], [sflag:s22] =	dma.local [hbm:s6], s20  }
0xa4: {  	_ =	swait.ge [sflag:s22], s20  }
0xa5: {  	s5 =	ssub.s32 $0x0, s20;
	[sflag:s22] =	ssyncset.done $0x0  }
0xa6: {  	[sflag:s22] =	ssyncadd.s32 s5;
	_ =	sdelay $0x1  }
0xa7: {  	s23 =	simm.s32 $0x1B8B  }
0xa8: {  	_ =	swait.ge [sflag:s23], $0x1  }
0xa9: {  	[sflag:s23] =	ssyncset.done $0x0  }
0xaa: {  	s25 =	simm.s32 $0x1B8E;
	s24 =	sld [smem:$0x3FFE];
	[sflag:s23] =	ssyncadd.s32 $0xFFFFFFFF  }
0xab: {  	s26 =	simm.s32 $execute0_lowered;
	[smem:$0x3FD2] =	sst s25  }
0xac: {  	s6 =	sshll.u32 s26, $0x1;
	_ =	strace $0x8000004C;
	[dreg:$0x1] =	wrdreg $0xFFFFFFFF  }
0xad: {  	s28 =	simm.s32 $_size_execute0_lowered;
	s4 =	sadd.s32 s4, s6;
	[dreg:$0x0] =	wrdreg $0x0  }
0xae: {  	s6 =	sshll.u32 s28, $0x1;
	[dreg:$0x2] =	wrdreg s4  }
0xaf: {  	[dreg:$0x3] =	wrdreg s6  }
0xb0: {  	[dreg:$0x4] =	wrdreg $0xC0  }
0xb1: {  	_ =	task [dreg:s8], $0x5FFFF  }
0xb2: {  	[dreg:$0x1] =	wrdreg $0xFFFFFFFF  }
0xb3: {  	[dreg:$0x0] =	wrdreg $0x60  }
0xb4: {  	[dreg:$0x2] =	wrdreg s24  }
0xb5: {  	[dreg:$0x3] =	wrdreg s16  }
0xb6: {  	[dreg:$0x4] =	wrdreg s17  }
0xb7: {  	[dreg:$0x5] =	wrdreg $0x150200  }
0xb8: {  	[dreg:$0x6] =	wrdreg $0x1A0200  }
0xb9: {  	[dreg:$0x7] =	wrdreg $0x9  }
0xba: {  	_ =	task.clear_ibuf [dreg:s8], $0x8FFFF;
	_ =	strace $0x9000004C  }
0xbb: {  	s29 =	simm.s32 $0x9;
	_ =	strace $0x8000004E  }
0xbc: {  	_ =	swait.ge [sflag:s29], $0x1  }
0xbd: {  	[sflag:s29] =	ssyncadd.s32 $0xFFFFFFFF  }
0xbe: {  	_ =	strace $0x9000004E  }
0xbf: {  	_ =	sfence  }
0xc0: {  	s30 =	sld [smem:$0x0];
	_ =	sdelay $0x2  }
0xc1: {  	s31 =	sshll.u32 s1, $0xD;
	s1 =	sshrl.u32 s1, $0x2  }
0xc2: {  	s3 =	sand.u32 $0x4000, s31;
	s1 =	sadd.s32 s1, s30  }
0xc3: {  	s0 =	sor.u32 s3, s0;
	s1 =	sshll.u32 s1, $0x11  }
0xc4: {  	s0 =	sor.u32 s1, s0  }
0xc5: {  	s0 =	sadd.s32 $0x8F2B, s0  }
0xc6: {  	[sflag:s0] =	ssyncadd.remote.s32 $0x1  }
0xc7: {  	_ =	sfence.sel $0xFFFF  }
0xc8: {  	[dreg:$0x0] =	wrdreg $0xFFFFFFFF;
	(pc) =	sbr.abs _section_cstart, $3  }
0xc9: {  	[dreg:$0x1] =	wrdreg $0xFFFFFFFF  }
0xca: {  	_ =	task.clear_ibuf [dreg:s8], $0x2FFFF;
	_ =	strace $0x9FFFFFFF  }
0xcb: {  	(tm) =	ssettm $0x7FFFFFFF  }
tec
execute0_lowered:
.L_overlay_start_1:
0x0: {  	(tag) =	ssettag $0x1  }
0x1: {  	s0 =	rddreg [dreg:$0x0]  }
0x2: {  	s1 =	rddreg [dreg:$0x1]  }
0x3: {  	s6 =	rddreg [dreg:$0x2]  }
0x4: {  	s3 =	srdreg.scid;
	s19 =	stileid.u32  }
0x5: {  	s2 =	rddreg [dreg:$0x3];
	s8 =	smul.u32 $0x4800, s19  }
0x6: {  	s4 =	simm.s32 $0x0;
	s29 =	simm.s32 $0x10000;
	s9 =	smul.u32 $0x140, s19  }
0x7: {  	s30 =	simm.s32 $0x12800;
	s31 =	simm.s32 $0x15010;
	s23 =	smul.u32 $0x5000, s19  }
0x8: {  	s7 =	sand.u32 $0x1, s3;
	s17 =	sshll.u32 s19, $0x4;
	s19 =	smul.u32 $0x2800, s19  }
0x9: {  	s28 =	simm.s32 $0x0;
	s3 =	rddreg [dreg:$0x4];
	s5 =	smul.u32 $0x48000, s7  }
0xa: {  	[smem:$0x7FF] =	sst s4;
	s10 =	sadd.s32 $0x1E00, s0;
	s20 =	smul.u32 $0x1400, s7  }
0xb: {  	_ =	strace $0x8000004D;
	s12 =	ssub.s32 $0x2, s7;
	s16 =	sxor.u32 $0x1, s7  }
0xc: {  	s18 =	sshll.u32 s7, $0x8;
	s26 =	smul.u32 $0x28000, s7;
	s14 =	sshrl.u32 s12, $0x1  }
0xd: {  	s15 =	smul.u32 $0x1400, s16;
	s21 =	sor.u32 s17, s18;
	s5 =	sadd.s32 s8, s5  }
0xe: {  	s8 =	sadd.s32 s9, s20;
	s20 =	ssub.s32 s12, s14;
	s18 =	sshrl.u32 s21, $0x3  }
0xf: {  	s21 =	sshll.u32 s16, $0x8;
	s5 =	sshrl.u32 s5, $0x3;
	s13 =	sshll.u32 s8, $0x2  }
0x10: {  	s9 =	sadd.s32 s9, s15;
	s1 =	sadd.s32 s1, s18;
	s8 =	sshll.u32 s8, $0x5  }
0x11: {  	s11 =	sadd.s32 s5, s0;
	s5 =	sadd.s32 $0x39E00, s0;
	s0 =	sadd.s32 s13, s0  }
0x12: {  	[dreg:$0x8] =	wrdreg s1;
	s1 =	sshrl.u32 s23, $0x3;
	s15 =	sadd.s32 s10, s13  }
0x13: {  	s12 =	sadd.s32 s8, s3;
	s22 =	sadd.s32 $0x15E00, s11;
	[dreg:$0xc] =	wrdreg s15  }
0x14: {  	s14 =	sadd.s32 s8, s2;
	s11 =	sadd.s32 $0x27E00, s11;
	[dreg:$0x6] =	wrdreg s22  }
0x15: {  	s24 =	sadd.s32 $0xBE00, s0;
	s25 =	sadd.s32 $0x4DE00, s0;
	[dreg:$0x7] =	wrdreg s11  }
0x16: {  	s1 =	sadd.s32 s10, s1;
	s15 =	sadd.s32 s26, s19;
	[dreg:$0x9] =	wrdreg s24  }
0x17: {  	s0 =	sadd.s32 $0x57E00, s0;
	s26 =	smax.u32 s20, $0x1;
	[dreg:$0xa] =	wrdreg s25  }
0x18: {  	s11 =	sadd.s32 s23, s2;
	[dreg:$0xb] =	wrdreg s1;
	s22 =	sor.u32 s17, s21  }
0x19: {  	s23 =	smul.u32 $0x28000, s16;
	s16 =	sadd.s32 s6, s18;
	[dreg:$0xd] =	wrdreg s0  }
.Ltmp0:
0x1a: {  	s24 =	sshll.u32 s9, $0x5;
	[dreg:$0xe] =	wrdreg s26;
	(pc) =	sbr.rel .LBB2_1-.Ltmp0, $4  }
0x1b: {  	s21 =	simm.s32 $0x3;
	s0 =	simm.s32 $0x9000;
	s26 =	simm.s32 $0x2  }
0x1c: {  	s1 =	sshrl.u32 s22, $0x3;
	s25 =	sadd.s32 s24, s2;
	s24 =	sshrl.u32 s11, $0x3  }
0x1d: {  	s22 =	simm.s32 $0x1;
	s17 =	sadd.s32 s6, s1;
	s18 =	sadd.s32 s19, s23  }
0x1e: {  	s25 =	sshrl.u32 s25, $0x3;
	s1 =	simm.s32 $0x80;
	s23 =	simm.s32 $0xA000  }
.LBB2_12:
0x1f: {  	[bflag:$0x0] =	sbarrier.arrive $0xFFFF  }
0x20: {  	s6 =	rddreg [dreg:$0xd]  }
0x21: {  	[hbm4b:s6+s4] =	stream.linear.scatter [tilespmem:s30], [sflag:$0x3], $0x2800, $0x38;
	[tilespmem:$0x1F020] =	vst v63  }
0x22: {  	_ =	swait.ge [sflag:s21], $0x2800  }
0x23: {  	s28 =	sadd.s32 $0x1, s28;
	s20 =	rddreg [dreg:$0xe]  }
0x24: {  	p0 =	sne.s32 s28, s20  }
.Ltmp1:
0x25: {  	_ = 	snop;
	(pc) =	sbr.rel @!p0 .LBB2_13-.Ltmp1, $3  }
0x26: {  	_ =	sdelay $0x1  }
0x27: {  	[sflag:s21] =	ssyncset.done $0x0  }
0x28: {  	[sflag:s21] =	ssyncadd.s32 $0xFFFFD800  }
.LBB2_1:
0x29: {  	s6 =	rddreg [dreg:$0x6]  }
0x2a: {  	[tilespmem:s4], [sflag:$0x3] =	stream.linear.gather [hbm4b:s6+s4], $0x4800, $0x38;
	[tilespmem:$0x1F020] =	vst v63  }
0x2b: {  	_ =	swait.ge [sflag:s21], $0x4800  }
0x2c: {  	[sflag:s21] =	ssyncset.done $0x0  }
0x2d: {  	s7 =	simm.s32 $0x4800;
	s13 =	rddreg [dreg:$0x7];
	[sflag:s21] =	ssyncadd.s32 $0xFFFFB800  }
0x2e: {  	[tilespmem:s7], [sflag:$0x3] =	stream.linear.gather [hbm4b:s13+s4], $0x4800, $0x38;
	[tilespmem:$0x1F020] =	vst v63  }
0x2f: {  	_ =	swait.ge [sflag:s21], $0x4800  }
0x30: {  	[sflag:s21] =	ssyncset.done $0x0  }
0x31: {  	s20 =	simm.s32 $0x15000;
	s19 =	rddreg [dreg:$0x8];
	[sflag:s21] =	ssyncadd.s32 $0xFFFFB800  }
0x32: {  	[tilespmem:s20], [sflag:$0x3] =	stream.linear.gather [hbm4b:s19+s4], $0x10, $0x38;
	[tilespmem:$0x1F020] =	vst v63  }
0x33: {  	_ =	swait.ge [sflag:s21], $0x10  }
0x34: {  	[sflag:s21] =	ssyncset.done $0x0  }
0x35: {  	s8 =	simm.s32 $0xB000;
	s7 =	rddreg [dreg:$0x9];
	[sflag:s21] =	ssyncadd.s32 $0xFFFFFFF0  }
0x36: {  	[tilespmem:s8], [sflag:$0x3] =	stream.linear.gather [hbm4b:s7+s4], $0x2800, $0x38;
	[tilespmem:$0x1F020] =	vst v63  }
0x37: {  	_ =	swait.ge [sflag:s21], $0x2800  }
0x38: {  	[sflag:s21] =	ssyncset.done $0x0  }
0x39: {  	s10 =	simm.s32 $0xD800;
	s9 =	rddreg [dreg:$0xa];
	[sflag:s21] =	ssyncadd.s32 $0xFFFFD800  }
0x3a: {  	[tilespmem:s10], [sflag:$0x3] =	stream.linear.gather [hbm4b:s9+s4], $0x2800, $0x38;
	[tilespmem:$0x1F020] =	vst v63  }
0x3b: {  	s11 =	stileid.u32;
	_ =	swait.ge [sflag:s21], $0x2800  }
0x3c: {  	s6 =	sshll.u32 s11, $0x6;
	[sflag:s21] =	ssyncset.done $0x0  }
0x3d: {  	s6 =	sor.u32 $0x1C03, s6;
	s13 =	rddreg [dreg:$0xb];
	[sflag:s21] =	ssyncadd.s32 $0xFFFFD800  }
0x3e: {  	[spmem:s24], [sflag:s6] =	dma.local [hbm:s13], $0xA00  }
0x3f: {  	_ =	swait.ge [sflag:s21], $0xA00  }
0x40: {  	[sflag:s21] =	ssyncset.done $0x0  }
0x41: {  	s19 =	sshrl.u32 s12, $0x3;
	s8 =	rddreg [dreg:$0xc];
	[sflag:s21] =	ssyncadd.s32 $0xFFFFF600  }
0x42: {  	[spmem:s19], [sflag:s6] =	dma.local [hbm:s8], $0x500  }
0x43: {  	_ =	swait.ge [sflag:s21], $0x500  }
0x44: {  	[sflag:s21] =	ssyncset.done $0x0  }
0x45: {  	[sflag:s21] =	ssyncadd.s32 $0xFFFFFB00  }
0x46: {  	v0 =	vld [tilespmem:$0x15000];
	_ =	sdelay $0x4  }
0x47: {  	(v2sf) =	vpush v0, $0x0;
	_ =	sdelay $0xe  }
0x48: {  	s20 =	spop (v2sf)  }
0x49: {  	s7 =	sadd.s32 $0xFF, s20  }
0x4a: {  	s9 =	simm.s32 $0x0;
	s7 =	sshrl.u32 s7, $0x8  }
0x4b: {  	[bflag:$0x0] =	sbarrier.arrive $0xFFFF;
	s8 =	sadd.s32 $0xFFFFFFFF, s7;
	p0 =	seq.s32 s7, $0x0  }
.LBB2_2:
.Ltmp2:
0x4c: {  	(pc) =	sbr.rel @p0 .LBB2_6-.Ltmp2, $1  }
0x4d: {  	_ =	sdelay $0x3  }
0x4e: {  	s10 =	simm.s32 $0x0  }
0x4f: {  	[tilespmem:s0], [sflag:$0x1] =	stream.indirect.gather [spmem:s2], $0x20, s10, s1, $0xb8;
	[tilespmem:$0x1F020] =	vst v63  }
0x50: {  	_ =	swait.ge [sflag:s22], $0x1000  }
0x51: {  	[sflag:s22] =	ssyncset.done $0x0  }
0x52: {  	s13 =	simm.s32 $0x80;
	[sflag:s22] =	ssyncadd.s32 $0xFFFFF000  }
0x53: {  	[tilespmem:s23], [sflag:$0x2] =	stream.indirect.gather [spmem:s2], $0x20, s13, s1, $0xb8;
	[tilespmem:$0x1F020] =	vst v63  }
0x54: {  	s19 =	simm.s32 $0x4800  }
0x55: {  	[spmem:s3] =	stream.indirect.scatter.add.f32 [tilespmem:s0], [sflag:$0x3], $0x20, s19, s1, $0xb8;
	[tilespmem:$0x1F020] =	vst v63  }
0x56: {  	_ =	swait.ge [sflag:s21], $0x1000  }
0x57: {  	[sflag:s21] =	ssyncset.done $0x0  }
0x58: {  	[sflag:s21] =	ssyncadd.s32 $0xFFFFF000  }
0x59: {  	_ =	swait.ge [sflag:s26], $0x1000  }
0x5a: {  	p1 =	sle.s32 s8, $0x0;
	s10 =	simm.s32 $0x100;
	[sflag:s26] =	ssyncset.done $0x0  }
0x5b: {  	s11 =	simm.s32 @!p1 $0x80;
	s13 =	simm.s32 @!p1 $0x9000;
	[sflag:s26] =	ssyncadd.s32 $0xFFFFF000  }
0x5c: {  	[tilespmem:s13], [sflag:$0x1] =	stream.indirect.gather @!p1 [spmem:s2], $0x20, s10, s11, $0xb8;
	[tilespmem:$0x1F020] =	vst v63  }
0x5d: {  	p1 =	sne.s32 s7, $0x1  }
.Ltmp3:
0x5e: {  	_ = 	snop;
	(pc) =	sbr.rel @!p1 .LBB2_5-.Ltmp3, $4  }
0x5f: {  	s20 =	simm.s32 $0x4880  }
0x60: {  	[spmem:s3] =	stream.indirect.scatter.add.f32 [tilespmem:s23], [sflag:$0x3], $0x20, s20, s1, $0xb8;
	[tilespmem:$0x1F020] =	vst v63  }
0x61: {  	_ =	swait.ge [sflag:s21], $0x1000  }
0x62: {  	s11 =	simm.s32 $0x1;
	s13 =	simm.s32 $0x4900;
	[sflag:s21] =	ssyncset.done $0x0  }
.LBB2_4:
0x63: {  	[sflag:s21] =	ssyncadd.s32 $0xFFFFF000  }
0x64: {  	s10 =	sadd.s32 $0x100, s10;
	s19 =	smov.u32 s11;
	s11 =	sadd.s32 $0x1, s11  }
0x65: {  	p1 =	sne.s32 s7, s11  }
0x66: {  	_ =	swait.ge [sflag:s22], $0x1000  }
0x67: {  	[sflag:s22] =	ssyncset.done $0x0  }
0x68: {  	s20 =	sadd.s32 $0xFFFFFF80, s10;
	[sflag:s22] =	ssyncadd.s32 $0xFFFFF000  }
0x69: {  	[tilespmem:s23], [sflag:$0x2] =	stream.indirect.gather [spmem:s2], $0x20, s20, s1, $0xb8;
	[tilespmem:$0x1F020] =	vst v63  }
0x6a: {  	_ = 	snop  }
0x6b: {  	[spmem:s3] =	stream.indirect.scatter.add.f32 [tilespmem:s0], [sflag:$0x3], $0x20, s13, s1, $0xb8;
	[tilespmem:$0x1F020] =	vst v63  }
0x6c: {  	_ =	swait.ge [sflag:s21], $0x1000  }
0x6d: {  	[sflag:s21] =	ssyncset.done $0x0  }
0x6e: {  	[sflag:s21] =	ssyncadd.s32 $0xFFFFF000  }
0x6f: {  	_ =	swait.ge [sflag:s26], $0x1000  }
0x70: {  	p2 =	sge.s32 s19, s8;
	[sflag:s26] =	ssyncset.done $0x0  }
0x71: {  	s19 =	simm.s32 @!p2 $0x80;
	s20 =	simm.s32 @!p2 $0x9000;
	[sflag:s26] =	ssyncadd.s32 $0xFFFFF000  }
0x72: {  	[tilespmem:s20], [sflag:$0x1] =	stream.indirect.gather @!p2 [spmem:s2], $0x20, s10, s19, $0xb8;
	[tilespmem:$0x1F020] =	vst v63  }
.Ltmp4:
0x73: {  	_ = 	snop;
	(pc) =	sbr.rel @p1 .LBB2_4-.Ltmp4, $4  }
0x74: {  	s19 =	sadd.s32 $0x80, s13  }
0x75: {  	[spmem:s3] =	stream.indirect.scatter.add.f32 [tilespmem:s23], [sflag:$0x3], $0x20, s19, s1, $0xb8;
	[tilespmem:$0x1F020] =	vst v63  }
0x76: {  	_ =	swait.ge [sflag:s21], $0x1000  }
0x77: {  	s13 =	sadd.s32 $0x100, s13;
	[sflag:s21] =	ssyncset.done $0x0  }
.LBB2_5:
0x78: {  	[sflag:s21] =	ssyncadd.s32 $0xFFFFF000  }
.LBB2_6:
0x79: {  	[bflag:$0x0] =	sbarrier.arrive $0xFFFF  }
0x7a: {  	[tilespmem:s29], [sflag:$0x3] =	stream.linear.gather [spmem:s12], $0x2800, $0x38;
	[tilespmem:$0x1F020] =	vst v63  }
0x7b: {  	_ =	swait.ge [sflag:s21], $0x2800  }
0x7c: {  	[sflag:s21] =	ssyncset.done $0x0  }
0x7d: {  	s10 =	simm.s32 $0x0;
	[sflag:s21] =	ssyncadd.s32 $0xFFFFD800  }
0x7e: {  	v2 =	vld [tilespmem:s10+$0xB010]  }
0x7f: {  	v3 =	vld [tilespmem:s10+$0x10010]  }
0x80: {  	v6 =	vld [tilespmem:s10+$0xB000]  }
0x81: {  	v5 =	vld [tilespmem:s10+$0xD810]  }
0x82: {  	v7 =	vld [tilespmem:s10+$0x10000]  }
0x83: {  	s11 =	simm.s32 $0x20;
	v0 =	vld [tilespmem:s10+$0xD800]  }
0x84: {  	v1 =	vld [tilespmem:s11+$0xB010];
	v2 =	vmul.f32 v3, v2  }
0x85: {  	v3 =	vld [tilespmem:s11+$0x10010]  }
0x86: {  	v4 =	vld [tilespmem:s11+$0xB000];
	v8 =	vadd.f32 v5, v2  }
0x87: {  	v6 =	vmul.f32 v7, v6;
	v2 =	vld [tilespmem:s11+$0xD810]  }
0x88: {  	s13 =	simm.s32 $0x100;
	v5 =	vld [tilespmem:s11+$0x10000];
	[tilespmem:s10+$0x12810] =	vst v8  }
.LBB2_7:
0x89: {  	s19 =	sshra.s32 s13, $0x2;
	v8 =	vadd.f32 v0, v6;
	v0 =	vld [tilespmem:s11+$0xD800];
	p1 =	sne.s32 s13, $0x9F80  }
.Ltmp5:
0x8a: {  	s13 =	sadd.s32 $0x80, s13;
	v7 =	vmul.f32 v3, v1;
	v1 =	vld [tilespmem:s19+$0xB010];
	(pc) =	sbr.rel @p1 .LBB2_7-.Ltmp5, $4  }
0x8b: {  	v3 =	vld [tilespmem:s19+$0x10010];
	[tilespmem:s10+$0x12800] =	vst v8;
	v6 =	vmov v4;
	s10 =	smov.u32 s11;
	s11 =	smov.u32 s19  }
0x8c: {  	v4 =	vld [tilespmem:s11+$0xB000];
	v7 =	vadd.f32 v2, v7  }
0x8d: {  	v2 =	vld [tilespmem:s11+$0xD810];
	v6 =	vmul.f32 v5, v6  }
0x8e: {  	v5 =	vld [tilespmem:s11+$0x10000];
	[tilespmem:s10+$0x12810] =	vst v7  }
0x8f: {  	_ = 	snop  }
0x90: {  	v7 =	vld [tilespmem:s11+$0xD800];
	_ =	sdelay $0x1  }
0x91: {  	v1 =	vmul.f32 v3, v1  }
0x92: {  	v0 =	vadd.f32 v0, v6;
	v62 =	vmul.f32 v5, v4  }
0x93: {  	v1 =	vadd.f32 v2, v1  }
0x94: {  	[tilespmem:s10+$0x12800] =	vst v0;
	v63 =	vadd.f32 v7, v62  }
0x95: {  	[tilespmem:s11+$0x12810] =	vst v1  }
0x96: {  	[tilespmem:s11+$0x12800] =	vst v63  }
0x97: {  	[spmem:s14] =	stream.linear.scatter [tilespmem:s30], [sflag:$0x3], $0x2800, $0x38;
	[tilespmem:$0x1F020] =	vst v63  }
0x98: {  	_ =	swait.ge [sflag:s21], $0x2800  }
0x99: {  	p1 =	seq.s32 s9, $0x9;
	[sflag:s21] =	ssyncset.done $0x0  }
.Ltmp6:
0x9a: {  	[sflag:s21] =	ssyncadd.s32 $0xFFFFD800;
	(pc) =	sbr.rel @p1 .LBB2_12-.Ltmp6, $4  }
0x9b: {  	[spmem:s12] =	stream.linear.scatter [tilespmem:s30], [sflag:$0x3], $0x2800, $0x38;
	[tilespmem:$0x1F020] =	vst v63  }
0x9c: {  	_ =	swait.ge [sflag:s21], $0x2800  }
0x9d: {  	[sflag:s21] =	ssyncset.done $0x0  }
0x9e: {  	[sflag:s21] =	ssyncadd.s32 $0xFFFFD800  }
0x9f: {  	s10 =	sxor.u32 $0xFFFFFFFF, s9  }
0xa0: {  	s10 =	sand.u32 $0x1, s10  }
0xa1: {  	s10 =	smul.u32 $0x50000, s10;
	_ =	sdelay $0x1  }
0xa2: {  	s11 =	sadd.s32 s15, s10  }
0xa3: {  	s11 =	sshrl.u32 s11, $0x3  }
0xa4: {  	s11 =	sadd.s32 s5, s11  }
0xa5: {  	[hbm4b:s11+s4] =	stream.linear.scatter [tilespmem:s30], [sflag:$0x3], $0x2800, $0x38;
	[tilespmem:$0x1F020] =	vst v63  }
0xa6: {  	_ =	swait.ge [sflag:s21], $0x2800  }
0xa7: {  	s11 =	sadd.s32 $0x5CA77E01, s9;
	[sflag:s21] =	ssyncset.done $0x0  }
0xa8: {  	v0 =	vmov s11;
	[sflag:s21] =	ssyncadd.s32 $0xFFFFD800  }
0xa9: {  	[tilespmem:$0x15010] =	vst v0  }
0xaa: {  	[hbm4b:s16+s4] =	stream.linear.scatter [tilespmem:s31], [sflag:$0x3], $0x10, $0x38;
	[tilespmem:$0x1F020] =	vst v63  }
0xab: {  	_ =	swait.ge [sflag:s21], $0x10  }
0xac: {  	[sflag:s21] =	ssyncset.done $0x0  }
0xad: {  	[sflag:s21] =	ssyncadd.s32 $0xFFFFFFF0  }
.LBB2_10:
0xae: {  	[tilespmem:s31], [sflag:$0x3] =	stream.linear.gather [hbm4b:s17+s4], $0x10, $0x38;
	[tilespmem:$0x1F020] =	vst v63  }
0xaf: {  	_ =	swait.ge [sflag:s21], $0x10  }
0xb0: {  	[sflag:s21] =	ssyncset.done $0x0  }
0xb1: {  	[sflag:s21] =	ssyncadd.s32 $0xFFFFFFF0  }
0xb2: {  	v0 =	vld [tilespmem:$0x15010];
	_ =	sdelay $0x4  }
0xb3: {  	(v2sf) =	vpush v0, $0x0;
	_ =	sdelay $0xe  }
0xb4: {  	s13 =	spop (v2sf)  }
0xb5: {  	p1 =	sne.s32 s13, s11  }
.Ltmp7:
0xb6: {  	_ = 	snop;
	(pc) =	sbr.rel @p1 .LBB2_10-.Ltmp7, $1  }
0xb7: {  	_ =	sdelay $0x3  }
0xb8: {  	s10 =	sadd.s32 s10, s18  }
0xb9: {  	s10 =	sshrl.u32 s10, $0x3  }
0xba: {  	s10 =	sadd.s32 s5, s10  }
0xbb: {  	[spmem:s25], [sflag:s6] =	dma.local [hbm:s10], $0x500  }
.Ltmp8:
0xbc: {  	_ =	swait.ge [sflag:s21], $0x500;
	(pc) =	sbr.rel .LBB2_2-.Ltmp8, $4  }
0xbd: {  	[sflag:s21] =	ssyncset.done $0x0  }
0xbe: {  	[sflag:s21] =	ssyncadd.s32 $0xFFFFFB00  }
0xbf: {  	[bflag:$0x0] =	sbarrier.arrive $0xFFFF  }
0xc0: {  	s9 =	sadd.s32 $0x1, s9  }
.LBB2_13:
0xc1: {  	_ =	sfence.sel $0x180000  }
0xc2: {  	[bflag:$0x0] =	sbarrier.arrive $0xFFFF  }
0xc3: {  	_ =	strace $0x9000004D  }
0xc4: {  	s0 =	stileid.u32;
	[bflag:$0x2] =	sbarrier.arrive $0xFFFF  }
0xc5: {  	p0 =	sne.s32 s0, $0x0;
	s0 =	rddreg [dreg:$0x5]  }
0xc6: {  	s0 =	sadd.s32 @!p0 $0x100000, s0  }
0xc7: {  	[sflag:s0] =	ssyncadd.tile.s32 @!p0 $0x1;
	_ =	shalt  }
.Lfunc_end2:
_tile_overlayer_lowered:
.L_overlay_start_2:
0xc8: {  	(tag) =	ssettag $0x2  }
0xc9: {  	s0 =	rddreg [dreg:$0x0];
	s2 =	stileid.u32  }
0xca: {  	s1 =	rddreg [dreg:$0x1];
	p0 =	sne.s32 s2, $0x0  }
0xcb: {  	s3 =	rddreg [dreg:$0x2];
	[bflag:$0x3] =	sbarrier.arrive $0xFFFF;
	s2 =	simm.s32 @!p0 $0x1C03  }
0xcc: {  	[timem:s3], [sflag:s2] =	dma.local @!p0 [hbm:s0], s1  }
0xcd: {  	s0 =	simm.s32 @!p0 $0x3  }
0xce: {  	_ =	swait.ge @!p0 [sflag:s0], s1  }
0xcf: {  	s1 =	ssub.s32 @!p0 $0x0, s1;
	[sflag:s0] =	ssyncset.done @!p0 $0x0  }
0xd0: {  	[sflag:s0] =	ssyncadd.s32 @!p0 s1  }
0xd1: {  	[bflag:$0x3] =	sbarrier.arrive $0xFFFF  }
0xd2: {  	_ =	shalt  }

// kernel: kernel.8.cloned.1.call-start
scs
__scs_entry_jumppad:
0x0: {  	(pc) =	sbr.rel $0x88, $3  }
0x1: {  	(tag) =	ssettag $0x0;
	lr =	simm.s32 $0x1  }
0x2: {  	[smem:$0x3F9B] =	sst lr;
	_ =	strace $0xD0000000  }
0x3: {  	_ = 	snop  }
0x4: {  	_ = 	snop  }
0x5: {  	_ = 	snop  }
0x6: {  	_ = 	snop  }
0x7: {  	_ = 	snop  }
__scs_overlays_trampoline_lowered:
0x8: {  	[smem:$0x3FAA] =	sst s0  }
0x9: {  	[smem:$0x3FAB] =	sst s1  }
0xa: {  	[smem:$0x3FAC] =	sst s2  }
0xb: {  	[smem:$0x3FAD] =	sst s3  }
0xc: {  	[smem:$0x3FAE] =	sst s4  }
0xd: {  	[smem:$0x3FAF] =	sst s5  }
0xe: {  	[smem:$0x3FB0] =	sst s6  }
0xf: {  	[smem:$0x3FB1] =	sst s7  }
0x10: {  	[smem:$0x3FB2] =	sst s8  }
0x11: {  	[smem:$0x3FB3] =	sst s9;
	s0 =	simm.s32 @!p0 $0x0  }
0x12: {  	s1 =	sld [smem:$0x3F99];
	s0 =	simm.s32 @p0 $0x1  }
0x13: {  	[smem:$0x3FB4] =	sst s0;
	s0 =	simm.s32 @!p1 $0x0  }
0x14: {  	s2 =	sld [smem:$0x3F98];
	s0 =	simm.s32 @p1 $0x1  }
0x15: {  	[smem:$0x3FB5] =	sst s0;
	s0 =	simm.s32 @!p2 $0x0  }
0x16: {  	s3 =	sld [smem:$0x3FDB];
	s0 =	simm.s32 @p2 $0x1  }
0x17: {  	s4 =	simm.s32 $0x1BF5;
	[smem:$0x3FB7] =	sst s0  }
0x18: {  	s0 =	sld [smem:$0x3F9A];
	_ =	swait.ge [sflag:s4], $0x0  }
0x19: {  	s7 =	sld [smem:$0x3F9B]  }
0x1a: {  	s8 =	sadd.s32 $0xFFFFE003, lr  }
0x1b: {  	s9 =	sadd.s32 $0xFFFFFEF7, lr;
	s5 =	simm.s32 $0xFFFFFFFF;
	p2 =	slt.u32 s8, $0xFFFFF086  }
0x1c: {  	p1 =	slt.u32 s9, $0xF7A;
	s5 =	simm.s32 @!p2 $0x0  }
0x1d: {  	s5 =	simm.s32 @p1 $0x1;
	p0 =	seq.s32 s7, s2  }
0x1e: {  	s7 =	smul.u32 @!p0 $0xF7A, s2;
	p2 =	seq.s32 @!p0 s5, $0x0  }
0x1f: {  	s9 =	smul.u32 $0xF7A, s1;
	s8 =	simm.s32 @!p0 $0x1BF5;
	p2 =	por !p2, p0  }
0x20: {  	[sflag:s8] =	ssyncset.s32 @!p0 $0xFFFFF086;
	s6 =	sadd.s32 @!p0 s3, s7;
	s7 =	simm.s32 @!p0 $0x108  }
0x21: {  	s3 =	sadd.s32 s3, s9;
	s6 =	sadd.s32 @!p0 $0x88, s6;
	s7 =	simm.s32 @p2 $0x1082  }
0x22: {  	[simem:s7], [sflag:s8] =	dma.local @!p0 [hbm:s6], $0xF7A  }
0x23: {  	s9 =	sor.u32 $0xD0000000, s2;
	s6 =	simm.s32 $0x108;
	_ =	swait.ge @!p0 [sflag:s8], $0x0  }
0x24: {  	s3 =	sadd.s32 $0x88, s3;
	s6 =	simm.s32 @!p1 $0x1082;
	[sflag:s4] =	ssyncset.s32 $0xFFFFF086  }
0x25: {  	[simem:s6], [sflag:s4] =	dma.local [hbm:s3], $0xF7A  }
0x26: {  	[smem:$0x3F9B] =	sst s1;
	(tag) =	ssettag s2;
	_ =	strace s9  }
0x27: {  	s1 =	sld [smem:$0x3FAB]  }
0x28: {  	s2 =	sld [smem:$0x3FAC]  }
0x29: {  	s4 =	sld [smem:$0x3FAE]  }
0x2a: {  	p0 =	seq.s32 s5, $0x0;
	s5 =	sld [smem:$0x3FAF]  }
0x2b: {  	s6 =	sld [smem:$0x3FB0]  }
0x2c: {  	s7 =	sld [smem:$0x3FB1]  }
0x2d: {  	s3 =	simm.s32 $0x108;
	s8 =	sld [smem:$0x3FB2]  }
0x2e: {  	s3 =	simm.s32 @!p0 $0x1082;
	s9 =	sld [smem:$0x3FB3]  }
0x2f: {  	lr =	sadd.s32 s0, s3;
	s0 =	sld [smem:$0x3FAA]  }
0x30: {  	s3 =	sld [smem:$0x3FAD]  }
0x31: {  	[smem:$0x3FB6] =	sst s10  }
0x32: {  	s10 =	sld [smem:$0x3FB4];
	_ =	sdelay $0x3  }
0x33: {  	p0 =	seq.s32 s10, $0x1;
	s10 =	sld [smem:$0x3FB6];
	_ =	sdelay $0x3  }
0x34: {  	[smem:$0x3FB6] =	sst s10  }
0x35: {  	s10 =	sld [smem:$0x3FB5];
	_ =	sdelay $0x3  }
0x36: {  	p1 =	seq.s32 s10, $0x1;
	s10 =	sld [smem:$0x3FB6];
	_ =	sdelay $0x3  }
0x37: {  	[smem:$0x3FB6] =	sst s10  }
0x38: {  	s10 =	sld [smem:$0x3FB7]  }
0x39: {  	_ = 	snop;
	(pc) =	sbr.ind lr, $3  }
0x3a: {  	_ = 	snop  }
0x3b: {  	_ = 	snop  }
0x3c: {  	p2 =	seq.s32 s10, $0x1;
	s10 =	sld [smem:$0x3FB6]  }
0x3d: {  	_ =	shalt  }
0x3e: {  	_ =	shalt  }
0x3f: {  	_ =	shalt  }
0x40: {  	_ =	shalt  }
0x41: {  	_ =	shalt  }
0x42: {  	_ =	shalt  }
0x43: {  	_ =	shalt  }
0x44: {  	_ =	shalt  }
0x45: {  	_ =	shalt  }
0x46: {  	_ =	shalt  }
0x47: {  	_ =	shalt  }
0x48: {  	_ =	shalt  }
0x49: {  	_ =	shalt  }
0x4a: {  	_ =	shalt  }
0x4b: {  	_ =	shalt  }
0x4c: {  	_ =	shalt  }
0x4d: {  	_ =	shalt  }
0x4e: {  	_ =	shalt  }
0x4f: {  	_ =	shalt  }
0x50: {  	_ =	shalt  }
0x51: {  	_ =	shalt  }
0x52: {  	_ =	shalt  }
0x53: {  	_ =	shalt  }
0x54: {  	_ =	shalt  }
0x55: {  	_ =	shalt  }
0x56: {  	_ =	shalt  }
0x57: {  	_ =	shalt  }
0x58: {  	_ =	shalt  }
0x59: {  	_ =	shalt  }
0x5a: {  	_ =	shalt  }
0x5b: {  	_ =	shalt  }
0x5c: {  	_ =	shalt  }
0x5d: {  	_ =	shalt  }
0x5e: {  	_ =	shalt  }
0x5f: {  	_ =	shalt  }
0x60: {  	_ =	shalt  }
0x61: {  	_ =	shalt  }
0x62: {  	_ =	shalt  }
0x63: {  	_ =	shalt  }
0x64: {  	_ =	shalt  }
0x65: {  	_ =	shalt  }
0x66: {  	_ =	shalt  }
0x67: {  	_ =	shalt  }
0x68: {  	_ =	shalt  }
0x69: {  	_ =	shalt  }
0x6a: {  	_ =	shalt  }
0x6b: {  	_ =	shalt  }
0x6c: {  	_ =	shalt  }
0x6d: {  	_ =	shalt  }
0x6e: {  	_ =	shalt  }
0x6f: {  	_ =	shalt  }
0x70: {  	_ =	shalt  }
0x71: {  	_ =	shalt  }
0x72: {  	_ =	shalt  }
0x73: {  	_ =	shalt  }
0x74: {  	_ =	shalt  }
0x75: {  	_ =	shalt  }
0x76: {  	_ =	shalt  }
0x77: {  	_ =	shalt  }
0x78: {  	_ =	shalt  }
0x79: {  	_ =	shalt  }
0x7a: {  	_ =	shalt  }
0x7b: {  	_ =	shalt  }
0x7c: {  	_ =	shalt  }
0x7d: {  	_ =	shalt  }
0x7e: {  	_ =	shalt  }
0x7f: {  	_ =	shalt  }
0x80: {  	_ =	shalt  }
0x81: {  	_ =	shalt  }
0x82: {  	_ =	shalt  }
0x83: {  	_ =	shalt  }
0x84: {  	_ =	shalt  }
0x85: {  	_ =	shalt  }
0x86: {  	_ =	shalt  }
0x87: {  	_ =	shalt  }
.Lfunc_end0:
.L_simem_size_0:
called_computation_lowered:
.L_overlay_start_0:
0x88: {  	s2 =	sld [smem:$0x3FD9]  }
0x89: {  	s3 =	sld [smem:$0x3FFE];
	_ =	sdelay $0x1  }
0x8a: {  	s1 =	srdreg.scid  }
0x8b: {  	s0 =	sand.u32 $0x1, s1  }
0x8c: {  	s14 =	sshll.u32 s0, $0xA;
	s2 =	sadd.s32 s3, s2  }
0x8d: {  	s2 =	sadd.s32 s2, s14  }
0x8e: {  	[smem:$0x3FC2] =	sst s2  }
0x8f: {  	_ = 	snop  }
0x90: {  	s2 =	sld [smem:$0x3FD0];
	_ =	sdelay $0x2  }
0x91: {  	s15 =	simm.s32 $0xA;
	s4 =	simm.s32 $0x10  }
0x92: {  	[smem:s4], [sflag:s15] =	dma.local [hbm:s2], $0x1  }
0x93: {  	_ =	swait.eq [sflag:s15], $0x1  }
0x94: {  	[sflag:s15] =	ssyncset.done $0x0  }
0x95: {  	s16 =	sld [smem:$0x10];
	[sflag:s15] =	ssyncadd.s32 $0xFFFFFFFF  }
0x96: {  	s17 =	sld [smem:$0x11];
	(tm) =	ssettm $0x1  }
0x97: {  	s18 =	sld [smem:$0x3FFB];
	_ =	sdelay $0x3  }
0x98: {  	_ =	strace s18  }
0x99: {  	s4 =	sld [smem:$0x3FFC];
	_ =	sdelay $0x3  }
0x9a: {  	_ =	strace s4  }
0x9b: {  	s4 =	sld [smem:$0x3FFD];
	_ =	sdelay $0x3  }
0x9c: {  	_ =	strace s4  }
0x9d: {  	_ =	strace $0x8FFFFFFF  }
0x9e: {  	s19 =	sld [smem:$0x3FDB];
	_ =	sdelay $0x1  }
0x9f: {  	s5 =	simm.s32 $_scs_section_size  }
0xa0: {  	s6 =	simm.s32 $_size__tile_overlayer_lowered;
	s7 =	simm.s32 $_tile_overlayer_lowered  }
0xa1: {  	s22 =	simm.s32 $0x1BFF;
	s21 =	sshll.u32 s7, $0x1;
	s4 =	sadd.s32 s5, s19  }
0xa2: {  	s8 =	simm.s32 $0x0;
	s20 =	sshll.u32 s6, $0x1;
	s6 =	sadd.s32 s21, s4  }
0xa3: {  	[timem:s8], [sflag:s22] =	dma.local [hbm:s6], s20  }
0xa4: {  	_ =	swait.ge [sflag:s22], s20  }
0xa5: {  	s5 =	ssub.s32 $0x0, s20;
	[sflag:s22] =	ssyncset.done $0x0  }
0xa6: {  	[sflag:s22] =	ssyncadd.s32 s5;
	_ =	sdelay $0x1  }
0xa7: {  	s23 =	simm.s32 $0x1B8B  }
0xa8: {  	_ =	swait.ge [sflag:s23], $0x1  }
0xa9: {  	[sflag:s23] =	ssyncset.done $0x0  }
0xaa: {  	s25 =	simm.s32 $0x1B8E;
	s24 =	sld [smem:$0x3FFE];
	[sflag:s23] =	ssyncadd.s32 $0xFFFFFFFF  }
0xab: {  	s26 =	simm.s32 $execute0_lowered;
	[smem:$0x3FD2] =	sst s25  }
0xac: {  	s6 =	sshll.u32 s26, $0x1;
	_ =	strace $0x80000046;
	[dreg:$0x1] =	wrdreg $0xFFFFFFFF  }
0xad: {  	s28 =	simm.s32 $_size_execute0_lowered;
	s4 =	sadd.s32 s4, s6;
	[dreg:$0x0] =	wrdreg $0x0  }
0xae: {  	s6 =	sshll.u32 s28, $0x1;
	[dreg:$0x2] =	wrdreg s4  }
0xaf: {  	[dreg:$0x3] =	wrdreg s6  }
0xb0: {  	[dreg:$0x4] =	wrdreg $0xC0  }
0xb1: {  	_ =	task [dreg:s8], $0x5FFFF  }
0xb2: {  	[dreg:$0x1] =	wrdreg $0xFFFFFFFF  }
0xb3: {  	[dreg:$0x0] =	wrdreg $0x60  }
0xb4: {  	[dreg:$0x2] =	wrdreg s24  }
0xb5: {  	[dreg:$0x3] =	wrdreg s17  }
0xb6: {  	[dreg:$0x4] =	wrdreg s16  }
0xb7: {  	[dreg:$0x5] =	wrdreg $0x9  }
0xb8: {  	_ =	task.clear_ibuf [dreg:s8], $0x6FFFF;
	_ =	strace $0x90000046  }
0xb9: {  	s29 =	simm.s32 $0x9;
	_ =	strace $0x80000048  }
0xba: {  	_ =	swait.ge [sflag:s29], $0x1  }
0xbb: {  	[sflag:s29] =	ssyncadd.s32 $0xFFFFFFFF  }
0xbc: {  	_ =	strace $0x90000048  }
0xbd: {  	_ =	sfence  }
0xbe: {  	s30 =	sld [smem:$0x0];
	_ =	sdelay $0x2  }
0xbf: {  	s31 =	sshll.u32 s1, $0xD;
	s1 =	sshrl.u32 s1, $0x2  }
0xc0: {  	s3 =	sand.u32 $0x4000, s31;
	s1 =	sadd.s32 s1, s30  }
0xc1: {  	s0 =	sor.u32 s3, s0;
	s1 =	sshll.u32 s1, $0x11  }
0xc2: {  	s0 =	sor.u32 s1, s0  }
0xc3: {  	s0 =	sadd.s32 $0x8F2B, s0  }
0xc4: {  	[sflag:s0] =	ssyncadd.remote.s32 $0x1  }
0xc5: {  	_ =	sfence.sel $0xFFFF  }
0xc6: {  	[dreg:$0x0] =	wrdreg $0xFFFFFFFF;
	(pc) =	sbr.abs _section_cstart, $3  }
0xc7: {  	[dreg:$0x1] =	wrdreg $0xFFFFFFFF  }
0xc8: {  	_ =	task.clear_ibuf [dreg:s8], $0x2FFFF;
	_ =	strace $0x9FFFFFFF  }
0xc9: {  	(tm) =	ssettm $0x7FFFFFFF  }
tec
execute0_lowered:
.L_overlay_start_1:
0x0: {  	(tag) =	ssettag $0x1  }
0x1: {  	s4 =	rddreg [dreg:$0x0]  }
0x2: {  	s1 =	rddreg [dreg:$0x1]  }
0x3: {  	s9 =	rddreg [dreg:$0x2];
	s2 =	srdreg.scid  }
0x4: {  	s0 =	rddreg [dreg:$0x3];
	s10 =	sand.u32 $0x1, s2  }
0x5: {  	s3 =	simm.s32 $0x0;
	s2 =	stileid.u32;
	s5 =	smul.u32 $0x48000, s10  }
0x6: {  	s14 =	simm.s32 $0x9800;
	s16 =	simm.s32 $0xE000;
	s6 =	smul.u32 $0x4800, s2  }
0x7: {  	s17 =	simm.s32 $0x0;
	[smem:$0x7FF] =	sst s3;
	s11 =	smul.u32 $0x2800, s2  }
0x8: {  	s7 =	sadd.s32 $0xBE00, s4;
	s8 =	sadd.s32 $0x1E00, s4;
	s29 =	smul.u32 $0x500, s2  }
0x9: {  	_ =	strace $0x80000047;
	s26 =	ssub.s32 $0x2, s10;
	s15 =	smul.u32 $0x1400, s10  }
0xa: {  	s31 =	sshll.u32 s2, $0x1;
	s10 =	sshll.u32 s10, $0x5;
	s28 =	sshrl.u32 s26, $0x1  }
0xb: {  	s5 =	sadd.s32 s6, s5;
	s13 =	ssub.s32 s26, s28;
	s30 =	sshrl.u32 s11, $0x3  }
0xc: {  	v0 =	vmov s15;
	s15 =	simm.s32 $0x2800;
	s5 =	sshrl.u32 s5, $0x3;
	s11 =	sadd.s32 $0x5000, s30  }
0xd: {  	s12 =	sadd.s32 s5, s4;
	s4 =	sadd.s32 s7, s29;
	s5 =	sadd.s32 s8, s29  }
0xe: {  	s6 =	sadd.s32 s7, s11;
	s7 =	sadd.s32 s8, s11;
	s11 =	sadd.s32 s9, s31  }
0xf: {  	s8 =	sadd.s32 $0x15E00, s12;
	s9 =	sadd.s32 $0x27E00, s12;
	s10 =	sadd.s32 s10, s11  }
0x10: {  	v1 =	vimm.s32 $0x0;
	s11 =	smax.u32 s13, $0x1;
	s12 =	simm.s32 $0x5000;
	s13 =	simm.s32 $0x1  }
.LBB2_1:
0x11: {  	[tilespmem:s12], [sflag:$0x1] =	stream.linear.gather [hbm4b:s1+s3], $0x4800, $0x38;
	[tilespmem:$0xE010] =	vst v63  }
0x12: {  	_ =	swait.ge [sflag:s13], $0x4800  }
0x13: {  	[sflag:s13] =	ssyncset.done $0x0  }
0x14: {  	[sflag:s13] =	ssyncadd.s32 $0xFFFFB800  }
0x15: {  	[tilespmem:s14], [sflag:$0x1] =	stream.linear.gather [hbm4b:s1+s3], $0x4800, $0x38;
	[tilespmem:$0xE010] =	vst v63  }
0x16: {  	_ =	swait.ge [sflag:s13], $0x4800  }
0x17: {  	[sflag:s13] =	ssyncset.done $0x0  }
0x18: {  	[sflag:s13] =	ssyncadd.s32 $0xFFFFB800  }
0x19: {  	[tilespmem:s3], [sflag:$0x1] =	stream.linear.gather [hbm4b:s4+s3], $0x2800, $0x38;
	[tilespmem:$0xE010] =	vst v63  }
0x1a: {  	_ =	swait.ge [sflag:s13], $0x2800  }
0x1b: {  	[sflag:s13] =	ssyncset.done $0x0  }
0x1c: {  	[sflag:s13] =	ssyncadd.s32 $0xFFFFD800  }
0x1d: {  	[tilespmem:s15], [sflag:$0x1] =	stream.linear.gather [hbm4b:s5+s3], $0x2800, $0x38;
	[tilespmem:$0xE010] =	vst v63  }
0x1e: {  	_ =	swait.ge [sflag:s13], $0x2800  }
0x1f: {  	[sflag:s13] =	ssyncset.done $0x0  }
0x20: {  	s18 =	simm.s32 $0x0;
	[sflag:s13] =	ssyncadd.s32 $0xFFFFD800  }
0x21: {  	s19 =	simm.s32 $0x40;
	v2 =	vimm.s32 $0x0;
	v4 =	vimm.s32 $0x0;
	v3 =	vld [tilespmem:s18+$0x2800]  }
.LBB2_2:
0x22: {  	p0 =	sne.s32 s19, $0x9FC0;
	_ =	sdelay $0x3  }
0x23: {  	v5 =	vsub.s32 v3, v0  }
0x24: {  	vm0 =	vlt.u32 v5, $0x1400  }
0x25: {  	v5 =	vsel vm0, $0x1, v1;
	v6 =	vmpcnt.ones.xlane vm0  }
0x26: {  	(xrf0) =	vadd.scan.msk.s32 $0xffff, v5  }
0x27: {  	v2 =	vadd.s32 v2, v6;
	_ =	sdelay $0x4  }
0x28: {  	v5, _, _ =	vpop (xrf0)  }
0x29: {  	v5 =	vadd.s32 v5, v4;
	v4 =	vmov v2  }
0x2a: {  	v6 =	vld [tilespmem:s18+$0x0];
	v5 =	vadd.s32 $0xFFFFFFFF, v5;
	_ =	sdelay $0x2  }
.Ltmp0:
0x2b: {  	(pc) =	sbr.rel @p0 .LBB2_2-.Ltmp0, $4  }
0x2c: {  	_ = 	snop  }
0x2d: {  	[tilespmem:v5+s12+$0x0] =	vst.idx.msk vm0, v6  }
0x2e: {  	s18 =	sshra.s32 s19, $0x2;
	[tilespmem:v5+s14+$0x0] =	vst.idx.msk vm0, v3  }
0x2f: {  	s19 =	sadd.s32 $0x40, s19;
	v3 =	vld [tilespmem:s18+$0x2800]  }
0x30: {  	_ =	sdelay $0x3  }
0x31: {  	v5 =	vsub.s32 v3, v0  }
0x32: {  	vm0 =	vlt.u32 v5, $0x1400  }
0x33: {  	v5 =	vsel vm0, $0x1, v1  }
0x34: {  	(xrf0) =	vadd.scan.msk.s32 $0xffff, v5;
	_ =	sdelay $0x5  }
0x35: {  	v5, _, _ =	vpop (xrf0)  }
0x36: {  	v4 =	vadd.s32 v5, v4  }
0x37: {  	v5 =	vld [tilespmem:s18+$0x0];
	v4 =	vadd.s32 $0xFFFFFFFF, v4;
	_ =	sdelay $0x4  }
0x38: {  	[tilespmem:v4+s12+$0x0] =	vst.idx.msk vm0, v5  }
0x39: {  	s31 =	simm.s32 $0x0;
	[tilespmem:v4+s14+$0x0] =	vst.idx.msk vm0, v3  }
0x3a: {  	[tilespmem:s31], [sflag:$0x1] =	stream.linear.gather [hbm4b:s6+s31], $0x2800, $0x38;
	[tilespmem:$0xE010] =	vst v63  }
0x3b: {  	_ =	swait.ge [sflag:s13], $0x2800  }
0x3c: {  	[sflag:s13] =	ssyncset.done $0x0  }
0x3d: {  	[sflag:s13] =	ssyncadd.s32 $0xFFFFD800  }
0x3e: {  	[tilespmem:s15], [sflag:$0x1] =	stream.linear.gather [hbm4b:s7+s31], $0x2800, $0x38;
	[tilespmem:$0xE010] =	vst v63  }
0x3f: {  	v3 =	vmpcnt.ones.xlane vm0;
	_ =	swait.ge [sflag:s13], $0x2800  }
0x40: {  	[sflag:s13] =	ssyncset.done $0x0  }
0x41: {  	s18 =	simm.s32 $0x0;
	v2 =	vadd.s32 v2, v3;
	[sflag:s13] =	ssyncadd.s32 $0xFFFFD800  }
0x42: {  	s19 =	simm.s32 $0x40;
	v4 =	vmov v2;
	v3 =	vld [tilespmem:s18+$0x2800]  }
.LBB2_4:
0x43: {  	p0 =	sne.s32 s19, $0x9FC0;
	_ =	sdelay $0x3  }
0x44: {  	v5 =	vsub.s32 v3, v0  }
0x45: {  	vm0 =	vlt.u32 v5, $0x1400  }
0x46: {  	v5 =	vsel vm0, $0x1, v1;
	v6 =	vmpcnt.ones.xlane vm0  }
0x47: {  	(xrf0) =	vadd.scan.msk.s32 $0xffff, v5  }
0x48: {  	v2 =	vadd.s32 v2, v6;
	_ =	sdelay $0x4  }
0x49: {  	v5, _, _ =	vpop (xrf0)  }
0x4a: {  	v5 =	vadd.s32 v5, v4;
	v4 =	vmov v2  }
0x4b: {  	v6 =	vld [tilespmem:s18+$0x0];
	v5 =	vadd.s32 $0xFFFFFFFF, v5;
	_ =	sdelay $0x2  }
.Ltmp1:
0x4c: {  	(pc) =	sbr.rel @p0 .LBB2_4-.Ltmp1, $4  }
0x4d: {  	_ = 	snop  }
0x4e: {  	[tilespmem:v5+s12+$0x0] =	vst.idx.msk vm0, v6  }
0x4f: {  	s18 =	sshra.s32 s19, $0x2;
	[tilespmem:v5+s14+$0x0] =	vst.idx.msk vm0, v3  }
0x50: {  	s19 =	sadd.s32 $0x40, s19;
	v3 =	vld [tilespmem:s18+$0x2800]  }
0x51: {  	_ =	sdelay $0x3  }
0x52: {  	v5 =	vsub.s32 v3, v0  }
0x53: {  	vm0 =	vlt.u32 v5, $0x1400  }
0x54: {  	v5 =	vsel vm0, $0x1, v1  }
0x55: {  	(xrf0) =	vadd.scan.msk.s32 $0xffff, v5;
	_ =	sdelay $0x5  }
0x56: {  	v5, _, _ =	vpop (xrf0)  }
0x57: {  	v4 =	vadd.s32 v5, v4  }
0x58: {  	v63 =	vld [tilespmem:s18+$0x0];
	v4 =	vadd.s32 $0xFFFFFFFF, v4;
	_ =	sdelay $0x3  }
0x59: {  	v6 =	vmpcnt.ones.xlane vm0  }
0x5a: {  	[tilespmem:v4+s12+$0x0] =	vst.idx.msk vm0, v63  }
0x5b: {  	v2 =	vadd.s32 v2, v6;
	[tilespmem:v4+s14+$0x0] =	vst.idx.msk vm0, v3  }
0x5c: {  	[tilespmem:$0xE000] =	vst v2  }
0x5d: {  	[hbm4b:s8+s3] =	stream.linear.scatter [tilespmem:s12], [sflag:$0x1], $0x4800, $0x38;
	[tilespmem:$0xE010] =	vst v63  }
0x5e: {  	_ =	swait.ge [sflag:s13], $0x4800  }
0x5f: {  	[sflag:s13] =	ssyncset.done $0x0  }
0x60: {  	[sflag:s13] =	ssyncadd.s32 $0xFFFFB800  }
0x61: {  	[hbm4b:s9+s3] =	stream.linear.scatter [tilespmem:s14], [sflag:$0x1], $0x4800, $0x38;
	[tilespmem:$0xE010] =	vst v63  }
0x62: {  	s17 =	sadd.s32 $0x1, s17;
	_ =	swait.ge [sflag:s13], $0x4800  }
0x63: {  	p0 =	sne.s32 s17, s11;
	[sflag:s13] =	ssyncset.done $0x0  }
.Ltmp2:
0x64: {  	[sflag:s13] =	ssyncadd.s32 $0xFFFFB800;
	(pc) =	sbr.rel @p0 .LBB2_1-.Ltmp2, $4  }
0x65: {  	[hbm4b:s10+s3] =	stream.linear.scatter [tilespmem:s16], [sflag:$0x1], $0x10, $0x38;
	[tilespmem:$0xE010] =	vst v63  }
0x66: {  	_ =	swait.ge [sflag:s13], $0x10  }
0x67: {  	[sflag:s13] =	ssyncset.done $0x0  }
0x68: {  	[sflag:s13] =	ssyncadd.s32 $0xFFFFFFF0  }
0x69: {  	_ =	sfence.sel $0x180000  }
0x6a: {  	[bflag:$0x0] =	sbarrier.arrive $0xFFFF  }
0x6b: {  	p0 =	sne.s32 s2, $0x0;
	_ =	strace $0x90000047  }
0x6c: {  	s0 =	sadd.s32 @!p0 $0x100000, s0;
	[bflag:$0x2] =	sbarrier.arrive $0xFFFF  }
0x6d: {  	[sflag:s0] =	ssyncadd.tile.s32 @!p0 $0x1;
	_ =	shalt  }
.Lfunc_end2:
_tile_overlayer_lowered:
.L_overlay_start_2:
0x6e: {  	(tag) =	ssettag $0x2  }
0x6f: {  	s0 =	rddreg [dreg:$0x0];
	s2 =	stileid.u32  }
0x70: {  	s1 =	rddreg [dreg:$0x1];
	p0 =	sne.s32 s2, $0x0  }
0x71: {  	s3 =	rddreg [dreg:$0x2];
	[bflag:$0x3] =	sbarrier.arrive $0xFFFF;
	s2 =	simm.s32 @!p0 $0x1C01  }
0x72: {  	[timem:s3], [sflag:s2] =	dma.local @!p0 [hbm:s0], s1  }
0x73: {  	s0 =	simm.s32 @!p0 $0x1  }
0x74: {  	_ =	swait.ge @!p0 [sflag:s0], s1  }
0x75: {  	s1 =	ssub.s32 @!p0 $0x0, s1;
	[sflag:s0] =	ssyncset.done @!p0 $0x0  }
0x76: {  	[sflag:s0] =	ssyncadd.s32 @!p0 s1  }
0x77: {  	[bflag:$0x3] =	sbarrier.arrive $0xFFFF  }
0x78: {  	_ =	shalt  }

</sc_bundles>
